<compile_context>
chip_gen: v7x
topology: tpu7x:2x2x1
jax: 0.10.2.dev20260603
libtpu: 0.0.44.dev20260713+nightly
codegen_flags: <defaults>
</compile_context>

<pallas_src>
import functools

import jax
import jax.numpy as jnp
import numpy as np
from jax import lax
from jax.experimental import pallas as pl
from jax.experimental.pallas import tpu as pltpu
from jax.experimental.pallas import tpu_sc as plsc

N = 10000
NPAD = 10240
E = 160000
EPAD = 163840
DUMP = N
D = 256
H = 128
NC, NS = 2, 16
BN = 1000
S = 4548
SP = 4608

_rng = np.random.RandomState(0)
_ROW = _rng.randint(0, S, size=S).astype(np.int32)
_COL = _rng.randint(0, S, size=S).astype(np.int32)


def _pad_idx(a):
    return np.concatenate([a.astype(np.int32), np.zeros(SP - S, np.int32)])


_IDXS = np.concatenate([_pad_idx(_ROW), _pad_idx(_COL)]).reshape(32, 3, 96)
_IDXP = np.stack([
    np.concatenate([_pad_idx(_ROW).reshape(16, 3, 96)[s],
                    _pad_idx(_COL).reshape(16, 3, 96)[s]])
    for s in range(16)
])

@functools.cache
def _mesh():
    return plsc.VectorSubcoreMesh(core_axis_name="c", subcore_axis_name="s")


def _deg_body(dst_hbm, ones_hbm, zero_hbm, out_hbm, dst_v, ones_v, acc, sem):
    c = lax.axis_index("c")
    s = lax.axis_index("s")
    w = c * NS + s
    pltpu.sync_copy(zero_hbm, acc.at[pl.ds(s * 640, 640)])
    pltpu.sync_copy(ones_hbm, ones_v)
    pltpu.sync_copy(dst_hbm.at[w], dst_v)
    plsc.subcore_barrier()

    def fire(j, carry):
        pltpu.async_copy(ones_v, acc.at[dst_v.at[j]], sem, add=True)
        return carry

    lax.fori_loop(0, 40, fire, 0)

    def drain(j, carry):
        pltpu.make_async_copy(ones_v, acc.at[dst_v.at[j]], sem).wait()
        return carry

    lax.fori_loop(0, 40, drain, 0)
    plsc.subcore_barrier()
    pltpu.sync_copy(acc.at[pl.ds(s * 640, 640)],
                    out_hbm.at[c, pl.ds(s * 640, 640)])


@functools.cache
def _deg_call():
    return pl.kernel(
        _deg_body,
        out_type=jax.ShapeDtypeStruct((NC, NPAD, H), jnp.float32),
        mesh=_mesh(),
        scratch_types=[
            pltpu.VMEM((40, 128), jnp.int32),
            pltpu.VMEM((128, H), jnp.float32),
            pltpu.VMEM_SHARED((NPAD, H), jnp.float32),
            pltpu.SemaphoreType.DMA,
        ],
    )


def _scat_body(gtab_hbm, src_hbm, dst_hbm, out_hbm,
               src_v, dst_v, buf0, buf1, sem0, sem1, acc):
    c = lax.axis_index("c")
    s = lax.axis_index("s")

    def gidx(j):
        return plsc.Indices(src_v.at[j], ignored_value=-1)

    def start_gather(j, buf, sem):
        pltpu.async_copy(gtab_hbm.at[gidx(j)], buf, sem)

    def wait_gather(j, buf, sem):
        pltpu.make_async_copy(gtab_hbm.at[gidx(j)], buf, sem).wait()

    def scat(j, buf):
        pltpu.sync_copy(
            buf, acc.at[plsc.Indices(dst_v.at[j], ignored_value=-1)], add=True)

    pltpu.sync_copy(gtab_hbm.at[pl.ds(c * NPAD + s * 640, 640)],
                    acc.at[pl.ds(s * 640, 640)])

    def body(jj, carry):
        j = 2 * jj
        wait_gather(j, buf0, sem0)
        start_gather(j + 1, buf1, sem1)
        scat(j, buf0)
        wait_gather(j + 1, buf1, sem1)

        @pl.when(jj < 19)
        def _():
            start_gather(j + 2, buf0, sem0)

        scat(j + 1, buf1)
        return carry

    for hh in range(2):
        pltpu.sync_copy(src_hbm.at[c, s, pl.ds(hh * 40, 40)], src_v)
        pltpu.sync_copy(dst_hbm.at[s, pl.ds(hh * 40, 40)], dst_v)
        start_gather(0, buf0, sem0)
        if hh == 0:
            plsc.subcore_barrier()
        lax.fori_loop(0, 20, body, 0)
    plsc.subcore_barrier()
    pltpu.sync_copy(acc.at[pl.ds(s * 640, 640)],
                    out_hbm.at[pl.ds(c * NPAD + s * 640, 640)])


@functools.cache
def _scat_call():
    return pl.kernel(
        _scat_body,
        out_type=jax.ShapeDtypeStruct((2 * NPAD, H), jnp.float32),
        mesh=_mesh(),
        scratch_types=[
            pltpu.VMEM((40, 128), jnp.int32),
            pltpu.VMEM((40, 128), jnp.int32),
            pltpu.VMEM((128, H), jnp.float32),
            pltpu.VMEM((128, H), jnp.float32),
            pltpu.SemaphoreType.DMA,
            pltpu.SemaphoreType.DMA,
            pltpu.VMEM_SHARED((NPAD, H), jnp.float32),
        ],
    )


def _scat2_body(gtab_hbm, src_hbm, dst_hbm, idxp_hbm, idxs_hbm, ptab_hbm,
                rows_hbm, pout_hbm,
                src_v, dst_v, buf0, buf1, idxp_v, idxs_v, sem0, sem1, acc):
    c = lax.axis_index("c")
    s = lax.axis_index("s")
    w = c * NS + s

    def gidx(j):
        return plsc.Indices(src_v.at[j], ignored_value=-1)

    def start_gather(j, buf, sem):
        pltpu.async_copy(gtab_hbm.at[gidx(j)], buf, sem)

    def wait_gather(j, buf, sem):
        pltpu.make_async_copy(gtab_hbm.at[gidx(j)], buf, sem).wait()

    def scat(j, buf):
        pltpu.sync_copy(
            buf, acc.at[plsc.Indices(dst_v.at[j], ignored_value=-1)], add=True)

    @pl.when(s < 8)
    def _():
        pltpu.sync_copy(gtab_hbm.at[pl.ds(c * NPAD + s * 640, 640)],
                        acc.at[pl.ds(s * 640, 640)])

    def body(jj, carry):
        j = 2 * jj
        wait_gather(j, buf0, sem0)
        start_gather(j + 1, buf1, sem1)
        scat(j, buf0)
        wait_gather(j + 1, buf1, sem1)

        @pl.when(jj < 19)
        def _():
            start_gather(j + 2, buf0, sem0)

        scat(j + 1, buf1)
        return carry

    for hh in range(2):
        pltpu.sync_copy(src_hbm.at[c, s, pl.ds(hh * 40, 40)], src_v)
        pltpu.sync_copy(dst_hbm.at[s, pl.ds(hh * 40, 40)], dst_v)
        start_gather(0, buf0, sem0)
        if hh == 0:
            plsc.subcore_barrier()
        lax.fori_loop(0, 20, body, 0)
    plsc.subcore_barrier()

    pltpu.sync_copy(idxp_hbm.at[s], idxp_v)
    pltpu.sync_copy(idxs_hbm.at[w], idxs_v)

    def pairs(j, carry):
        pltpu.async_copy(acc.at[idxp_v.at[j]], buf0.at[pl.ds(0, 96)],
                         sem0).wait()
        off = c * (2 * SP) + (j // 3) * SP + s * 288 + (j % 3) * 96
        pltpu.sync_copy(buf0.at[pl.ds(0, 96)], rows_hbm.at[pl.ds(off, 96)])
        return carry

    lax.fori_loop(0, 6, pairs, 0)

    def scals(j, carry):
        pltpu.async_copy(ptab_hbm.at[idxs_v.at[j]], buf1.at[pl.ds(0, 96)],
                         sem1).wait()
        pltpu.sync_copy(buf1.at[pl.ds(0, 96)],
                        pout_hbm.at[pl.ds(w * 288 + j * 96, 96)])
        return carry

    lax.fori_loop(0, 3, scals, 0)


@functools.cache
def _scat2_call():
    return pl.kernel(
        _scat2_body,
        out_type=[
            jax.ShapeDtypeStruct((4 * SP, H), jnp.float32),
            jax.ShapeDtypeStruct((2 * SP, H), jnp.float32),
        ],
        mesh=_mesh(),
        scratch_types=[
            pltpu.VMEM((40, 128), jnp.int32),
            pltpu.VMEM((40, 128), jnp.int32),
            pltpu.VMEM((128, H), jnp.float32),
            pltpu.VMEM((128, H), jnp.float32),
            pltpu.VMEM((6, 96), jnp.int32),
            pltpu.VMEM((3, 96), jnp.int32),
            pltpu.SemaphoreType.DMA,
            pltpu.SemaphoreType.DMA,
            pltpu.VMEM_SHARED((NPAD, H), jnp.float32),
        ],
    )


def _mm1a_body(x_ref, w_ref, b_ref, h_ref):
    h = jnp.dot(x_ref[...], w_ref[...], preferred_element_type=jnp.float32)
    h_ref[...] = (h + b_ref[...])[None]


def _mm1a(x, W1, b1):
    return pl.pallas_call(
        _mm1a_body,
        grid=(N // BN, 2),
        in_specs=[
            pl.BlockSpec((BN, D), lambda i, j: (i, 0)),
            pl.BlockSpec((D, H), lambda i, j: (0, j)),
            pl.BlockSpec((1, H), lambda i, j: (0, j)),
        ],
        out_specs=pl.BlockSpec((1, BN, H), lambda i, j: (j, i, 0)),
        out_shape=jax.ShapeDtypeStruct((NC, NPAD, H), jnp.float32),
    )(x, W1, b1.reshape(1, D))


def _mm1b_body(h_ref, p0_ref, p1_ref, g_ref, dinv_ref):
    deg = 1.0 + p0_ref[...] + p1_ref[...]
    dinv = lax.rsqrt(deg)
    g_ref[...] = (dinv * h_ref[0])[None]
    dinv_ref[...] = dinv


def _mm1b(h_packed, p0, p1):
    return pl.pallas_call(
        _mm1b_body,
        grid=(N // BN, 2),
        in_specs=[
            pl.BlockSpec((1, BN, H), lambda i, j: (j, i, 0)),
            pl.BlockSpec((BN, 1), lambda i, j: (i, 0)),
            pl.BlockSpec((BN, 1), lambda i, j: (i, 0)),
        ],
        out_specs=[
            pl.BlockSpec((1, BN, H), lambda i, j: (j, i, 0)),
            pl.BlockSpec((BN, 1), lambda i, j: (i, 0)),
        ],
        out_shape=[
            jax.ShapeDtypeStruct((NC, NPAD, H), jnp.float32),
            jax.ShapeDtypeStruct((N, 1), jnp.float32),
        ],
    )(h_packed, p0, p1)


def _mm2_body(alo_ref, ahi_ref, dinv_ref, w_ref, b_ref, g_ref):
    dinv = dinv_ref[...]
    a = jnp.concatenate([alo_ref[0], ahi_ref[0]], axis=1)
    a = jnp.maximum(dinv * a, 0.0)
    h = jnp.dot(a, w_ref[...], preferred_element_type=jnp.float32)
    g_ref[...] = (dinv * (h + b_ref[...]))[None]


def _mm2(acc1, dinv, W2, b2):
    return pl.pallas_call(
        _mm2_body,
        grid=(N // BN, 2),
        in_specs=[
            pl.BlockSpec((1, BN, H), lambda i, j: (0, i, 0)),
            pl.BlockSpec((1, BN, H), lambda i, j: (1, i, 0)),
            pl.BlockSpec((BN, 1), lambda i, j: (i, 0)),
            pl.BlockSpec((D, H), lambda i, j: (0, j)),
            pl.BlockSpec((1, H), lambda i, j: (0, j)),
        ],
        out_specs=pl.BlockSpec((1, BN, H), lambda i, j: (j, i, 0)),
        out_shape=jax.ShapeDtypeStruct((NC, NPAD, H), jnp.float32),
    )(acc1, acc1, dinv, W2, b2.reshape(1, D))


def _heads_body(ilo, ihi, jlo, jhi, dvr, dvc, yr, yc,
                wd1, bd1, wd2, bd2, we1, be1, we2, be2, o_dire, o_dist):
    valid = (lax.broadcasted_iota(jnp.int32, (SP, 1), 0) < S).astype(jnp.float32)
    emb_i = jnp.maximum(dvr[...] * jnp.concatenate([ilo[...], ihi[...]], axis=1), 0.0)
    emb_j = jnp.maximum(dvc[...] * jnp.concatenate([jlo[...], jhi[...]], axis=1), 0.0)
    e = emb_i - emb_j + emb_i * emb_j
    diff = yr[...] - yc[...]

    def head(feat, w1, b1_, w2, b2_, ncls, labels):
        h1 = jnp.maximum(jnp.dot(feat, w1[...], preferred_element_type=jnp.float32)
                         + b1_[...], 0.0)
        h2 = jnp.dot(h1, w2[...], preferred_element_type=jnp.float32) + b2_[...]
        m = jnp.max(h2, axis=1, keepdims=True)
        ex = jnp.exp(h2 - m)
        p = ex / jnp.sum(ex, axis=1, keepdims=True)
        m2 = jnp.max(p, axis=1, keepdims=True)
        lse = m2 + jnp.log(jnp.sum(jnp.exp(p - m2), axis=1, keepdims=True))
        oh = (lax.broadcasted_iota(jnp.int32, (SP, ncls), 1) == labels).astype(jnp.float32)
        take = jnp.sum(p * oh, axis=1, keepdims=True)
        return (-jnp.sum((take - lse) * valid) * (1.0 / S)).reshape(1, 1)

    lab_dire = jnp.where(diff < 0, 0, jnp.where(diff == 0, 1, 2))
    o_dire[...] = head(e, we1, be1, we2, be2, 3, lab_dire)
    lab_dist = jnp.abs(diff)
    o_dist[...] = head(jnp.abs(e), wd1, bd1, wd2, bd2, 4, lab_dist)


def _heads(ilo, ihi, jlo, jhi, dvr, dvc, yr, yc, Wd1, bd1, Wd2, bd2, We1, be1, We2, be2):
    return pl.pallas_call(
        _heads_body,
        out_shape=[
            jax.ShapeDtypeStruct((1, 1), jnp.float32),
            jax.ShapeDtypeStruct((1, 1), jnp.float32),
        ],
    )(ilo, ihi, jlo, jhi, dvr, dvc, yr, yc,
      Wd1, bd1.reshape(1, D), Wd2, bd2.reshape(1, 4),
      We1, be1.reshape(1, D), We2, be2.reshape(1, 3))


def kernel(x, y, edge_index, W1, b1, W2, b2, Wd1, bd1, Wd2, bd2, We1, be1, We2, be2):
    src = edge_index[0]
    dst = edge_index[1]

    pad_src = jnp.zeros((EPAD - E,), src.dtype)
    pad_dst = jnp.full((EPAD - E,), DUMP, dst.dtype)
    src_p = jnp.concatenate([src, pad_src])
    dst_p = jnp.concatenate([dst, pad_dst])
    valid1 = dst_p < N
    src2_adj = jnp.stack([src_p, src_p + NPAD])
    valid2 = (dst_p < S)[None, :]
    src_adj = jnp.where(valid1[None, :], src2_adj, -1).reshape(NC, NS, 80, 128)
    dst_sc = jnp.where(valid1, dst_p, -1).reshape(NS, 80, 128)
    src_adj2 = jnp.where(valid2, src2_adj, -1).reshape(NC, NS, 80, 128)
    dst_sc2 = jnp.where(valid2[0], dst_p, -1).reshape(NS, 80, 128)
    dst_deg = dst_p.reshape(32, 40, 128)
    ones_rows = jnp.zeros((128, H), jnp.float32).at[:, 0].set(1.0)
    zero_rows = jnp.zeros((640, H), jnp.float32)
    idxs = jnp.asarray(_IDXS)

    deg_parts = _deg_call()(dst_deg, ones_rows, zero_rows)
    p0 = deg_parts[0, :N, 0].reshape(N, 1)
    p1 = deg_parts[1, :N, 0].reshape(N, 1)

    h1p = _mm1a(x, W1, b1)
    g1, dinv = _mm1b(h1p, p0, p1)

    acc1 = _scat_call()(g1.reshape(2 * NPAD, H), src_adj, dst_sc)

    g2 = _mm2(acc1.reshape(NC, NPAD, H), dinv, W2, b2)

    yf = jax.lax.bitcast_convert_type(y, jnp.float32).reshape(N, 1)
    ptab = jnp.concatenate(
        [dinv, yf, jnp.zeros((N, 126), jnp.float32)], axis=1)
    rows, pout = _scat2_call()(g2.reshape(2 * NPAD, H), src_adj2, dst_sc2,
                               jnp.asarray(_IDXP), idxs, ptab)

    ilo = rows[0 * SP:1 * SP]
    jlo = rows[1 * SP:2 * SP]
    ihi = rows[2 * SP:3 * SP]
    jhi = rows[3 * SP:4 * SP]
    dvr = pout[:SP, 0:1]
    dvc = pout[SP:, 0:1]
    yr = jax.lax.bitcast_convert_type(pout[:SP, 1:2], jnp.int32)
    yc = jax.lax.bitcast_convert_type(pout[SP:, 1:2], jnp.int32)
    loss_dire, loss_dist = _heads(ilo, ihi, jlo, jhi, dvr, dvc, yr, yc,
                                  Wd1, bd1, Wd2, bd2, We1, be1, We2, be2)
    return (loss_dire[0, 0], loss_dist[0, 0])

# --- scband reference (transcript-rebuilt; emitter-appended) ---
"""Pipeline reference for scband-pretrain-model-47828755808568 (READ-ONLY COPY).

The authoritative reference and input builder live on the scoring server;
editing this copy changes nothing except your own understanding.
"""

import jax, jax.numpy as jnp
import numpy as np

N_NODES = 10000
N_EDGES = 160000
D_IN = 256
D_HID = 256


def _ce(logits, labels):
    logp = jax.nn.log_softmax(logits, axis=1)
    return -jnp.mean(jnp.take_along_axis(logp, labels[:, None], axis=1))


def _gcn(x, edge_index, W1, b1, W2, b2):
    n = x.shape[0]
    loop = jnp.arange(n, dtype=edge_index.dtype)
    src = jnp.concatenate([edge_index[0], loop])
    dst = jnp.concatenate([edge_index[1], loop])
    deg = jax.ops.segment_sum(jnp.ones_like(src, dtype=jnp.float32), dst, num_segments=n)
    dinv = jnp.where(deg > 0, 1.0 / jnp.sqrt(deg), 0.0)
    norm = dinv[src] * dinv[dst]
    h = x @ W1 + b1
    h = jax.ops.segment_sum(h[src] * norm[:, None], dst, num_segments=n)
    h = jax.nn.relu(h)
    h = h @ W2 + b2
    h = jax.ops.segment_sum(h[src] * norm[:, None], dst, num_segments=n)
    h = jax.nn.relu(h)
    return h


def _forward(x, y, edge_index, W1, b1, W2, b2, Wd1, bd1, Wd2, bd2, We1, be1, We2, be2):
    emb = _gcn(x, edge_index, W1, b1, W2, b2)
    rng = np.random.RandomState(0)
    num_samples = 4548
    total_nodes = 4548
    row = jnp.asarray(rng.randint(0, total_nodes, size=num_samples), dtype=jnp.int32)
    col = jnp.asarray(rng.randint(0, total_nodes, size=num_samples), dtype=jnp.int32)
    emb_i = emb[row]
    emb_j = emb[col]
    e_ij = emb_i - emb_j + emb_i * emb_j
    dire_h = jax.nn.relu(e_ij @ We1 + be1) @ We2 + be2
    dire_logits = jax.nn.softmax(dire_h, axis=1)
    true_diff = y[row] - y[col]
    true_dire = jnp.where(true_diff < 0, 0, jnp.where(true_diff == 0, 1, 2))
    loss_dire = _ce(dire_logits, true_dire)
    dist_h = jax.nn.relu(jnp.abs(e_ij) @ Wd1 + bd1) @ Wd2 + bd2
    dist_logits = jax.nn.softmax(dist_h, axis=1)
    true_dist = jnp.abs(true_diff)
    loss_dist = _ce(dist_logits, true_dist)
    return (loss_dire, loss_dist)


def setup_inputs(seed: int = 0) -> dict:
    key = jax.random.key(seed)
    ks = jax.random.split(key, 16)
    s = 0.05
    inp = {}
    inp['x'] = jax.random.normal(ks[0], (N_NODES, D_IN), dtype=jnp.float32)
    inp['y'] = jax.random.randint(ks[1], (N_NODES,), 0, 4, dtype=jnp.int32)
    inp['edge_index'] = jax.random.randint(ks[2], (2, N_EDGES), 0, N_NODES, dtype=jnp.int32)
    inp['W1'] = jax.random.normal(ks[3], (D_IN, D_HID), dtype=jnp.float32) * s
    inp['b1'] = jnp.zeros((D_HID,), dtype=jnp.float32)
    inp['W2'] = jax.random.normal(ks[4], (D_HID, D_HID), dtype=jnp.float32) * s
    inp['b2'] = jnp.zeros((D_HID,), dtype=jnp.float32)
    inp['Wd1'] = jax.random.normal(ks[5], (D_HID, D_HID), dtype=jnp.float32) * s
    inp['bd1'] = jnp.zeros((D_HID,), dtype=jnp.float32)
    inp['Wd2'] = jax.random.normal(ks[6], (D_HID, 4), dtype=jnp.float32) * s
    inp['bd2'] = jnp.zeros((4,), dtype=jnp.float32)
    inp['We1'] = jax.random.normal(ks[7], (D_HID, D_HID), dtype=jnp.float32) * s
    inp['be1'] = jnp.zeros((D_HID,), dtype=jnp.float32)
    inp['We2'] = jax.random.normal(ks[8], (D_HID, 3), dtype=jnp.float32) * s
    inp['be2'] = jnp.zeros((3,), dtype=jnp.float32)
    return inp


def reference(x, y, edge_index, W1, b1, W2, b2, Wd1, bd1, Wd2, bd2, We1, be1, We2, be2):
    return _forward(x, y, edge_index, W1, b1, W2, b2, Wd1, bd1, Wd2, bd2, We1, be1, We2, be2)

if __name__ == "__main__":
    import jax
    _d = setup_inputs()
    print(jax.jit(kernel)(*tuple(_d.values())))

</pallas_src>

<mosaic_0001>
#map = affine_map<(d0, d1) -> (0, 0)>
#map1 = affine_map<(d0, d1) -> (0, 0, 0, 0)>
#map2 = affine_map<(d0, d1) -> (0, 0, 0)>
module attributes {stable_mosaic.version = 14 : i64} {
  func.func @_scat_body(%arg0: i32, %arg1: i32, %arg2: memref<20480x128xf32, #tpu.memory_space<hbm>>, %arg3: memref<2x16x80x128xi32, #tpu.memory_space<hbm>>, %arg4: memref<16x80x128xi32, #tpu.memory_space<hbm>>, %arg5: memref<20480x128xf32, #tpu.memory_space<hbm>>, %arg6: memref<40x128xi32, #tpu.memory_space<vmem>>, %arg7: memref<40x128xi32, #tpu.memory_space<vmem>>, %arg8: memref<128x128xf32, #tpu.memory_space<vmem>>, %arg9: memref<128x128xf32, #tpu.memory_space<vmem>>, %arg10: memref<!tpu.dma_semaphore, #tpu.memory_space<semaphore_mem>>, %arg11: memref<!tpu.dma_semaphore, #tpu.memory_space<semaphore_mem>>, %arg12: memref<10240x128xf32, #tpu.memory_space<vmem_shared>>) attributes {dimension_semantics = [#tpu.dimension_semantics<core_parallel>, #tpu.dimension_semantics<subcore_parallel>], iteration_bounds = array<i64: 2, 16>, scalar_prefetch = 0 : i64, scratch_operands = 7 : i64, tpu.core_type = #tpu.core_type<sc_vector_subcore>, window_params = [{transform_indices = #map}, {transform_indices = #map1}, {transform_indices = #map2}, {transform_indices = #map}]} {
    %mul3A = arith.constant 10240 : i32
    %mul3A_0 = arith.muli %arg0, %mul3A : i32
    %mul3A_1 = arith.constant 640 : i32
    %mul3A_2 = arith.muli %arg1, %mul3A_1 : i32
    %add3A = arith.addi %mul3A_0, %mul3A_2 : i32
    %mul3A_3 = arith.constant 640 : i32
    %mul3A_4 = arith.muli %arg1, %mul3A_3 : i32
    "tpu.region"() ({
      %run_scoped3A = tpu.sem_alloc : memref<!tpu.dma_semaphore, #tpu.memory_space<semaphore_mem>>
      %dma_start3A_39 = arith.constant 0 : i32
      %dma_start3A_40 = tpu.memref_slice %arg12[%mul3A_4, %dma_start3A_39] : memref<10240x128xf32, #tpu.memory_space<vmem_shared>> -> memref<640x128xf32, #tpu.memory_space<vmem_shared>>
      %dma_start3A_41 = arith.constant 0 : i32
      %dma_start3A_42 = tpu.memref_slice %arg2[%add3A, %dma_start3A_41] : memref<20480x128xf32, #tpu.memory_space<hbm>> -> memref<640x128xf32, #tpu.memory_space<hbm>>
      tpu.enqueue_dma source(%dma_start3A_42 : memref<640x128xf32, #tpu.memory_space<hbm>>) target(%dma_start3A_40 : memref<640x128xf32, #tpu.memory_space<vmem_shared>>) target_semaphore(%run_scoped3A : memref<!tpu.dma_semaphore, #tpu.memory_space<semaphore_mem>>)
      %dma_wait3A = arith.constant 0 : i32
      %dma_wait3A_43 = tpu.memref_slice %arg12[%mul3A_4, %dma_wait3A] : memref<10240x128xf32, #tpu.memory_space<vmem_shared>> -> memref<640x128xf32, #tpu.memory_space<vmem_shared>>
      %dma_wait3A_44 = arith.constant 0 : i32
      %dma_wait3A_45 = tpu.memref_slice %arg2[%add3A, %dma_wait3A_44] : memref<20480x128xf32, #tpu.memory_space<hbm>> -> memref<640x128xf32, #tpu.memory_space<hbm>>
      tpu.wait_dma2 semaphore(%run_scoped3A : memref<!tpu.dma_semaphore, #tpu.memory_space<semaphore_mem>>) src(%dma_wait3A_45 : memref<640x128xf32, #tpu.memory_space<hbm>>) dst(%dma_wait3A_43 : memref<640x128xf32, #tpu.memory_space<vmem_shared>>)
      tpu.yield
    }) : () -> ()
    "tpu.region"() ({
      %run_scoped3A = tpu.sem_alloc : memref<!tpu.dma_semaphore, #tpu.memory_space<semaphore_mem>>
      %dma_start3A_39 = arith.constant 0 : i32
      %dma_start3A_40 = arith.constant 0 : i32
      %dma_start3A_41 = tpu.memref_slice %arg3[%arg0, %arg1, %dma_start3A_39, %dma_start3A_40] : memref<2x16x80x128xi32, #tpu.memory_space<hbm>> -> memref<1x1x40x128xi32, #tpu.memory_space<hbm>>
      %dma_start3A_42 = tpu.memref_squeeze %dma_start3A_41 : memref<1x1x40x128xi32, #tpu.memory_space<hbm>> -> memref<40x128xi32, #tpu.memory_space<hbm>>
      %dma_start3A_43 = arith.constant 0 : i32
      %dma_start3A_44 = arith.constant 0 : i32
      %dma_start3A_45 = tpu.memref_slice %arg3[%arg0, %arg1, %dma_start3A_43, %dma_start3A_44] : memref<2x16x80x128xi32, #tpu.memory_space<hbm>> -> memref<1x1x40x128xi32, #tpu.memory_space<hbm>>
      %dma_start3A_46 = tpu.memref_squeeze %dma_start3A_45 : memref<1x1x40x128xi32, #tpu.memory_space<hbm>> -> memref<40x128xi32, #tpu.memory_space<hbm>>
      tpu.enqueue_dma source(%dma_start3A_46 : memref<40x128xi32, #tpu.memory_space<hbm>>) target(%arg6 : memref<40x128xi32, #tpu.memory_space<vmem>>) target_semaphore(%run_scoped3A : memref<!tpu.dma_semaphore, #tpu.memory_space<semaphore_mem>>)
      %dma_wait3A = arith.constant 0 : i32
      %dma_wait3A_47 = arith.constant 0 : i32
      %dma_wait3A_48 = tpu.memref_slice %arg3[%arg0, %arg1, %dma_wait3A, %dma_wait3A_47] : memref<2x16x80x128xi32, #tpu.memory_space<hbm>> -> memref<1x1x40x128xi32, #tpu.memory_space<hbm>>
      %dma_wait3A_49 = tpu.memref_squeeze %dma_wait3A_48 : memref<1x1x40x128xi32, #tpu.memory_space<hbm>> -> memref<40x128xi32, #tpu.memory_space<hbm>>
      %dma_wait3A_50 = arith.constant 0 : i32
      %dma_wait3A_51 = arith.constant 0 : i32
      %dma_wait3A_52 = tpu.memref_slice %arg3[%arg0, %arg1, %dma_wait3A_50, %dma_wait3A_51] : memref<2x16x80x128xi32, #tpu.memory_space<hbm>> -> memref<1x1x40x128xi32, #tpu.memory_space<hbm>>
      %dma_wait3A_53 = tpu.memref_squeeze %dma_wait3A_52 : memref<1x1x40x128xi32, #tpu.memory_space<hbm>> -> memref<40x128xi32, #tpu.memory_space<hbm>>
      tpu.wait_dma2 semaphore(%run_scoped3A : memref<!tpu.dma_semaphore, #tpu.memory_space<semaphore_mem>>) src(%dma_wait3A_53 : memref<40x128xi32, #tpu.memory_space<hbm>>) dst(%arg6 : memref<40x128xi32, #tpu.memory_space<vmem>>)
      tpu.yield
    }) : () -> ()
    "tpu.region"() ({
      %run_scoped3A = tpu.sem_alloc : memref<!tpu.dma_semaphore, #tpu.memory_space<semaphore_mem>>
      %dma_start3A_39 = arith.constant 0 : i32
      %dma_start3A_40 = arith.constant 0 : i32
      %dma_start3A_41 = tpu.memref_slice %arg4[%arg1, %dma_start3A_39, %dma_start3A_40] : memref<16x80x128xi32, #tpu.memory_space<hbm>> -> memref<1x40x128xi32, #tpu.memory_space<hbm>>
      %dma_start3A_42 = tpu.memref_squeeze %dma_start3A_41 : memref<1x40x128xi32, #tpu.memory_space<hbm>> -> memref<40x128xi32, #tpu.memory_space<hbm>>
      %dma_start3A_43 = arith.constant 0 : i32
      %dma_start3A_44 = arith.constant 0 : i32
      %dma_start3A_45 = tpu.memref_slice %arg4[%arg1, %dma_start3A_43, %dma_start3A_44] : memref<16x80x128xi32, #tpu.memory_space<hbm>> -> memref<1x40x128xi32, #tpu.memory_space<hbm>>
      %dma_start3A_46 = tpu.memref_squeeze %dma_start3A_45 : memref<1x40x128xi32, #tpu.memory_space<hbm>> -> memref<40x128xi32, #tpu.memory_space<hbm>>
      tpu.enqueue_dma source(%dma_start3A_46 : memref<40x128xi32, #tpu.memory_space<hbm>>) target(%arg7 : memref<40x128xi32, #tpu.memory_space<vmem>>) target_semaphore(%run_scoped3A : memref<!tpu.dma_semaphore, #tpu.memory_space<semaphore_mem>>)
      %dma_wait3A = arith.constant 0 : i32
      %dma_wait3A_47 = arith.constant 0 : i32
      %dma_wait3A_48 = tpu.memref_slice %arg4[%arg1, %dma_wait3A, %dma_wait3A_47] : memref<16x80x128xi32, #tpu.memory_space<hbm>> -> memref<1x40x128xi32, #tpu.memory_space<hbm>>
      %dma_wait3A_49 = tpu.memref_squeeze %dma_wait3A_48 : memref<1x40x128xi32, #tpu.memory_space<hbm>> -> memref<40x128xi32, #tpu.memory_space<hbm>>
      %dma_wait3A_50 = arith.constant 0 : i32
      %dma_wait3A_51 = arith.constant 0 : i32
      %dma_wait3A_52 = tpu.memref_slice %arg4[%arg1, %dma_wait3A_50, %dma_wait3A_51] : memref<16x80x128xi32, #tpu.memory_space<hbm>> -> memref<1x40x128xi32, #tpu.memory_space<hbm>>
      %dma_wait3A_53 = tpu.memref_squeeze %dma_wait3A_52 : memref<1x40x128xi32, #tpu.memory_space<hbm>> -> memref<40x128xi32, #tpu.memory_space<hbm>>
      tpu.wait_dma2 semaphore(%run_scoped3A : memref<!tpu.dma_semaphore, #tpu.memory_space<semaphore_mem>>) src(%dma_wait3A_53 : memref<40x128xi32, #tpu.memory_space<hbm>>) dst(%arg7 : memref<40x128xi32, #tpu.memory_space<vmem>>)
      tpu.yield
    }) : () -> ()
    %dma_start3A = arith.constant 0 : i32
    %dma_start3A_5 = arith.constant 0 : i32
    %dma_start3A_6 = tpu.memref_slice %arg6[%dma_start3A, %dma_start3A_5] : memref<40x128xi32, #tpu.memory_space<vmem>> -> memref<1x128xi32, #tpu.memory_space<vmem>>
    %dma_start3A_7 = tpu.memref_squeeze %dma_start3A_6 : memref<1x128xi32, #tpu.memory_space<vmem>> -> memref<128xi32, #tpu.memory_space<vmem>>
    %dma_start3A_8 = arith.constant 0 : i32
    %dma_start3A_9 = arith.constant 0 : i32
    %dma_start3A_10 = tpu.memref_slice %arg2[%dma_start3A_8, %dma_start3A_9] : memref<20480x128xf32, #tpu.memory_space<hbm>> -> memref<20480x128xf32, #tpu.memory_space<hbm>>
    %dma_start3A_11 = arith.constant -1 : i32
    tpu.enqueue_indirect_dma source(%dma_start3A_10 : memref<20480x128xf32, #tpu.memory_space<hbm>>) target(%arg8 : memref<128x128xf32, #tpu.memory_space<vmem>>) offsets(%dma_start3A_7 : memref<128xi32, #tpu.memory_space<vmem>>) offset_filter(%dma_start3A_11) semaphore(%arg10 : memref<!tpu.dma_semaphore, #tpu.memory_space<semaphore_mem>>)
    %barrier3A = arith.constant 0 : index
    tpu.barrier barrier_id(%barrier3A)
    %scan3A = arith.constant 0 : i32
    %scan3A_12 = arith.constant 0 : i32
    %scan3A_13 = arith.constant 20 : i32
    %scan3A_14 = arith.addi %scan3A_12, %scan3A_13 : i32
    %scan3A_15 = arith.constant 1 : i32
    scf.for %scan3A_39 = %scan3A_12 to %scan3A_14 step %scan3A_15  : i32 {
      %mul3A_40 = arith.constant 2 : i32
      %mul3A_41 = arith.muli %mul3A_40, %scan3A_39 : i32
      %dma_wait3A = arith.constant 0 : i32
      %dma_wait3A_42 = tpu.memref_slice %arg6[%mul3A_41, %dma_wait3A] : memref<40x128xi32, #tpu.memory_space<vmem>> -> memref<1x128xi32, #tpu.memory_space<vmem>>
      %dma_wait3A_43 = tpu.memref_squeeze %dma_wait3A_42 : memref<1x128xi32, #tpu.memory_space<vmem>> -> memref<128xi32, #tpu.memory_space<vmem>>
      %dma_wait3A_44 = arith.constant 0 : i32
      %dma_wait3A_45 = arith.constant 0 : i32
      %dma_wait3A_46 = tpu.memref_slice %arg2[%dma_wait3A_44, %dma_wait3A_45] : memref<20480x128xf32, #tpu.memory_space<hbm>> -> memref<20480x128xf32, #tpu.memory_space<hbm>>
      tpu.wait_indirect_dma semaphore(%arg10 : memref<!tpu.dma_semaphore, #tpu.memory_space<semaphore_mem>>) src(%dma_wait3A_46 : memref<20480x128xf32, #tpu.memory_space<hbm>>) dst(%arg8 : memref<128x128xf32, #tpu.memory_space<vmem>>)
      %add3A_47 = arith.constant 1 : i32
      %add3A_48 = arith.addi %mul3A_41, %add3A_47 : i32
      %dma_start3A_49 = arith.constant 0 : i32
      %dma_start3A_50 = tpu.memref_slice %arg6[%add3A_48, %dma_start3A_49] : memref<40x128xi32, #tpu.memory_space<vmem>> -> memref<1x128xi32, #tpu.memory_space<vmem>>
      %dma_start3A_51 = tpu.memref_squeeze %dma_start3A_50 : memref<1x128xi32, #tpu.memory_space<vmem>> -> memref<128xi32, #tpu.memory_space<vmem>>
      %dma_start3A_52 = arith.constant 0 : i32
      %dma_start3A_53 = arith.constant 0 : i32
      %dma_start3A_54 = tpu.memref_slice %arg2[%dma_start3A_52, %dma_start3A_53] : memref<20480x128xf32, #tpu.memory_space<hbm>> -> memref<20480x128xf32, #tpu.memory_space<hbm>>
      %dma_start3A_55 = arith.constant -1 : i32
      tpu.enqueue_indirect_dma source(%dma_start3A_54 : memref<20480x128xf32, #tpu.memory_space<hbm>>) target(%arg9 : memref<128x128xf32, #tpu.memory_space<vmem>>) offsets(%dma_start3A_51 : memref<128xi32, #tpu.memory_space<vmem>>) offset_filter(%dma_start3A_55) semaphore(%arg11 : memref<!tpu.dma_semaphore, #tpu.memory_space<semaphore_mem>>)
      "tpu.region"() ({
        %run_scoped3A = tpu.sem_alloc : memref<!tpu.dma_semaphore, #tpu.memory_space<semaphore_mem>>
        %dma_start3A_68 = arith.constant 0 : i32
        %dma_start3A_69 = tpu.memref_slice %arg7[%mul3A_41, %dma_start3A_68] : memref<40x128xi32, #tpu.memory_space<vmem>> -> memref<1x128xi32, #tpu.memory_space<vmem>>
        %dma_start3A_70 = tpu.memref_squeeze %dma_start3A_69 : memref<1x128xi32, #tpu.memory_space<vmem>> -> memref<128xi32, #tpu.memory_space<vmem>>
        %dma_start3A_71 = arith.constant 0 : i32
        %dma_start3A_72 = arith.constant 0 : i32
        %dma_start3A_73 = tpu.memref_slice %arg12[%dma_start3A_71, %dma_start3A_72] : memref<10240x128xf32, #tpu.memory_space<vmem_shared>> -> memref<10240x128xf32, #tpu.memory_space<vmem_shared>>
        %dma_start3A_74 = arith.constant -1 : i32
        tpu.enqueue_indirect_dma source(%arg8 : memref<128x128xf32, #tpu.memory_space<vmem>>) target(%dma_start3A_73 : memref<10240x128xf32, #tpu.memory_space<vmem_shared>>) offsets(%dma_start3A_70 : memref<128xi32, #tpu.memory_space<vmem>>) offset_filter(%dma_start3A_74) semaphore(%run_scoped3A : memref<!tpu.dma_semaphore, #tpu.memory_space<semaphore_mem>>) {add = true}
        %dma_wait3A_75 = arith.constant 0 : i32
        %dma_wait3A_76 = tpu.memref_slice %arg7[%mul3A_41, %dma_wait3A_75] : memref<40x128xi32, #tpu.memory_space<vmem>> -> memref<1x128xi32, #tpu.memory_space<vmem>>
        %dma_wait3A_77 = tpu.memref_squeeze %dma_wait3A_76 : memref<1x128xi32, #tpu.memory_space<vmem>> -> memref<128xi32, #tpu.memory_space<vmem>>
        %dma_wait3A_78 = arith.constant 0 : i32
        %dma_wait3A_79 = arith.constant 0 : i32
        %dma_wait3A_80 = tpu.memref_slice %arg12[%dma_wait3A_78, %dma_wait3A_79] : memref<10240x128xf32, #tpu.memory_space<vmem_shared>> -> memref<10240x128xf32, #tpu.memory_space<vmem_shared>>
        tpu.wait_indirect_dma semaphore(%run_scoped3A : memref<!tpu.dma_semaphore, #tpu.memory_space<semaphore_mem>>) src(%arg8 : memref<128x128xf32, #tpu.memory_space<vmem>>) dst(%dma_wait3A_80 : memref<10240x128xf32, #tpu.memory_space<vmem_shared>>)
        tpu.yield
      }) : () -> ()
      %add3A_56 = arith.constant 1 : i32
      %add3A_57 = arith.addi %mul3A_41, %add3A_56 : i32
      %dma_wait3A_58 = arith.constant 0 : i32
      %dma_wait3A_59 = tpu.memref_slice %arg6[%add3A_57, %dma_wait3A_58] : memref<40x128xi32, #tpu.memory_space<vmem>> -> memref<1x128xi32, #tpu.memory_space<vmem>>
      %dma_wait3A_60 = tpu.memref_squeeze %dma_wait3A_59 : memref<1x128xi32, #tpu.memory_space<vmem>> -> memref<128xi32, #tpu.memory_space<vmem>>
      %dma_wait3A_61 = arith.constant 0 : i32
      %dma_wait3A_62 = arith.constant 0 : i32
      %dma_wait3A_63 = tpu.memref_slice %arg2[%dma_wait3A_61, %dma_wait3A_62] : memref<20480x128xf32, #tpu.memory_space<hbm>> -> memref<20480x128xf32, #tpu.memory_space<hbm>>
      tpu.wait_indirect_dma semaphore(%arg11 : memref<!tpu.dma_semaphore, #tpu.memory_space<semaphore_mem>>) src(%dma_wait3A_63 : memref<20480x128xf32, #tpu.memory_space<hbm>>) dst(%arg9 : memref<128x128xf32, #tpu.memory_space<vmem>>)
      %lt3A = arith.constant 19 : i32
      %lt3A_64 = arith.cmpi slt, %scan3A_39, %lt3A : i32
      %convert_element_type3A = arith.extui %lt3A_64 : i1 to i32
      %cond3A = arith.constant 0 : i32
      %cond3A_65 = arith.cmpi ne, %convert_element_type3A, %cond3A : i32
      scf.if %cond3A_65 {
        %add3A_68 = arith.constant 2 : i32
        %add3A_69 = arith.addi %mul3A_41, %add3A_68 : i32
        %dma_start3A_70 = arith.constant 0 : i32
        %dma_start3A_71 = tpu.memref_slice %arg6[%add3A_69, %dma_start3A_70] : memref<40x128xi32, #tpu.memory_space<vmem>> -> memref<1x128xi32, #tpu.memory_space<vmem>>
        %dma_start3A_72 = tpu.memref_squeeze %dma_start3A_71 : memref<1x128xi32, #tpu.memory_space<vmem>> -> memref<128xi32, #tpu.memory_space<vmem>>
        %dma_start3A_73 = arith.constant 0 : i32
        %dma_start3A_74 = arith.constant 0 : i32
        %dma_start3A_75 = tpu.memref_slice %arg2[%dma_start3A_73, %dma_start3A_74] : memref<20480x128xf32, #tpu.memory_space<hbm>> -> memref<20480x128xf32, #tpu.memory_space<hbm>>
        %dma_start3A_76 = arith.constant -1 : i32
        tpu.enqueue_indirect_dma source(%dma_start3A_75 : memref<20480x128xf32, #tpu.memory_space<hbm>>) target(%arg8 : memref<128x128xf32, #tpu.memory_space<vmem>>) offsets(%dma_start3A_72 : memref<128xi32, #tpu.memory_space<vmem>>) offset_filter(%dma_start3A_76) semaphore(%arg10 : memref<!tpu.dma_semaphore, #tpu.memory_space<semaphore_mem>>)
      } else {
      }
      %add3A_66 = arith.constant 1 : i32
      %add3A_67 = arith.addi %mul3A_41, %add3A_66 : i32
      "tpu.region"() ({
        %run_scoped3A = tpu.sem_alloc : memref<!tpu.dma_semaphore, #tpu.memory_space<semaphore_mem>>
        %dma_start3A_68 = arith.constant 0 : i32
        %dma_start3A_69 = tpu.memref_slice %arg7[%add3A_67, %dma_start3A_68] : memref<40x128xi32, #tpu.memory_space<vmem>> -> memref<1x128xi32, #tpu.memory_space<vmem>>
        %dma_start3A_70 = tpu.memref_squeeze %dma_start3A_69 : memref<1x128xi32, #tpu.memory_space<vmem>> -> memref<128xi32, #tpu.memory_space<vmem>>
        %dma_start3A_71 = arith.constant 0 : i32
        %dma_start3A_72 = arith.constant 0 : i32
        %dma_start3A_73 = tpu.memref_slice %arg12[%dma_start3A_71, %dma_start3A_72] : memref<10240x128xf32, #tpu.memory_space<vmem_shared>> -> memref<10240x128xf32, #tpu.memory_space<vmem_shared>>
        %dma_start3A_74 = arith.constant -1 : i32
        tpu.enqueue_indirect_dma source(%arg9 : memref<128x128xf32, #tpu.memory_space<vmem>>) target(%dma_start3A_73 : memref<10240x128xf32, #tpu.memory_space<vmem_shared>>) offsets(%dma_start3A_70 : memref<128xi32, #tpu.memory_space<vmem>>) offset_filter(%dma_start3A_74) semaphore(%run_scoped3A : memref<!tpu.dma_semaphore, #tpu.memory_space<semaphore_mem>>) {add = true}
        %dma_wait3A_75 = arith.constant 0 : i32
        %dma_wait3A_76 = tpu.memref_slice %arg7[%add3A_67, %dma_wait3A_75] : memref<40x128xi32, #tpu.memory_space<vmem>> -> memref<1x128xi32, #tpu.memory_space<vmem>>
        %dma_wait3A_77 = tpu.memref_squeeze %dma_wait3A_76 : memref<1x128xi32, #tpu.memory_space<vmem>> -> memref<128xi32, #tpu.memory_space<vmem>>
        %dma_wait3A_78 = arith.constant 0 : i32
        %dma_wait3A_79 = arith.constant 0 : i32
        %dma_wait3A_80 = tpu.memref_slice %arg12[%dma_wait3A_78, %dma_wait3A_79] : memref<10240x128xf32, #tpu.memory_space<vmem_shared>> -> memref<10240x128xf32, #tpu.memory_space<vmem_shared>>
        tpu.wait_indirect_dma semaphore(%run_scoped3A : memref<!tpu.dma_semaphore, #tpu.memory_space<semaphore_mem>>) src(%arg9 : memref<128x128xf32, #tpu.memory_space<vmem>>) dst(%dma_wait3A_80 : memref<10240x128xf32, #tpu.memory_space<vmem_shared>>)
        tpu.yield
      }) : () -> ()
    }
    %scan3A_16 = arith.constant 20 : i32
    "tpu.region"() ({
      %run_scoped3A = tpu.sem_alloc : memref<!tpu.dma_semaphore, #tpu.memory_space<semaphore_mem>>
      %dma_start3A_39 = arith.constant 40 : i32
      %dma_start3A_40 = arith.constant 0 : i32
      %dma_start3A_41 = tpu.memref_slice %arg3[%arg0, %arg1, %dma_start3A_39, %dma_start3A_40] : memref<2x16x80x128xi32, #tpu.memory_space<hbm>> -> memref<1x1x40x128xi32, #tpu.memory_space<hbm>>
      %dma_start3A_42 = tpu.memref_squeeze %dma_start3A_41 : memref<1x1x40x128xi32, #tpu.memory_space<hbm>> -> memref<40x128xi32, #tpu.memory_space<hbm>>
      %dma_start3A_43 = arith.constant 40 : i32
      %dma_start3A_44 = arith.constant 0 : i32
      %dma_start3A_45 = tpu.memref_slice %arg3[%arg0, %arg1, %dma_start3A_43, %dma_start3A_44] : memref<2x16x80x128xi32, #tpu.memory_space<hbm>> -> memref<1x1x40x128xi32, #tpu.memory_space<hbm>>
      %dma_start3A_46 = tpu.memref_squeeze %dma_start3A_45 : memref<1x1x40x128xi32, #tpu.memory_space<hbm>> -> memref<40x128xi32, #tpu.memory_space<hbm>>
      tpu.enqueue_dma source(%dma_start3A_46 : memref<40x128xi32, #tpu.memory_space<hbm>>) target(%arg6 : memref<40x128xi32, #tpu.memory_space<vmem>>) target_semaphore(%run_scoped3A : memref<!tpu.dma_semaphore, #tpu.memory_space<semaphore_mem>>)
      %dma_wait3A = arith.constant 40 : i32
      %dma_wait3A_47 = arith.constant 0 : i32
      %dma_wait3A_48 = tpu.memref_slice %arg3[%arg0, %arg1, %dma_wait3A, %dma_wait3A_47] : memref<2x16x80x128xi32, #tpu.memory_space<hbm>> -> memref<1x1x40x128xi32, #tpu.memory_space<hbm>>
      %dma_wait3A_49 = tpu.memref_squeeze %dma_wait3A_48 : memref<1x1x40x128xi32, #tpu.memory_space<hbm>> -> memref<40x128xi32, #tpu.memory_space<hbm>>
      %dma_wait3A_50 = arith.constant 40 : i32
      %dma_wait3A_51 = arith.constant 0 : i32
      %dma_wait3A_52 = tpu.memref_slice %arg3[%arg0, %arg1, %dma_wait3A_50, %dma_wait3A_51] : memref<2x16x80x128xi32, #tpu.memory_space<hbm>> -> memref<1x1x40x128xi32, #tpu.memory_space<hbm>>
      %dma_wait3A_53 = tpu.memref_squeeze %dma_wait3A_52 : memref<1x1x40x128xi32, #tpu.memory_space<hbm>> -> memref<40x128xi32, #tpu.memory_space<hbm>>
      tpu.wait_dma2 semaphore(%run_scoped3A : memref<!tpu.dma_semaphore, #tpu.memory_space<semaphore_mem>>) src(%dma_wait3A_53 : memref<40x128xi32, #tpu.memory_space<hbm>>) dst(%arg6 : memref<40x128xi32, #tpu.memory_space<vmem>>)
      tpu.yield
    }) : () -> ()
    "tpu.region"() ({
      %run_scoped3A = tpu.sem_alloc : memref<!tpu.dma_semaphore, #tpu.memory_space<semaphore_mem>>
      %dma_start3A_39 = arith.constant 40 : i32
      %dma_start3A_40 = arith.constant 0 : i32
      %dma_start3A_41 = tpu.memref_slice %arg4[%arg1, %dma_start3A_39, %dma_start3A_40] : memref<16x80x128xi32, #tpu.memory_space<hbm>> -> memref<1x40x128xi32, #tpu.memory_space<hbm>>
      %dma_start3A_42 = tpu.memref_squeeze %dma_start3A_41 : memref<1x40x128xi32, #tpu.memory_space<hbm>> -> memref<40x128xi32, #tpu.memory_space<hbm>>
      %dma_start3A_43 = arith.constant 40 : i32
      %dma_start3A_44 = arith.constant 0 : i32
      %dma_start3A_45 = tpu.memref_slice %arg4[%arg1, %dma_start3A_43, %dma_start3A_44] : memref<16x80x128xi32, #tpu.memory_space<hbm>> -> memref<1x40x128xi32, #tpu.memory_space<hbm>>
      %dma_start3A_46 = tpu.memref_squeeze %dma_start3A_45 : memref<1x40x128xi32, #tpu.memory_space<hbm>> -> memref<40x128xi32, #tpu.memory_space<hbm>>
      tpu.enqueue_dma source(%dma_start3A_46 : memref<40x128xi32, #tpu.memory_space<hbm>>) target(%arg7 : memref<40x128xi32, #tpu.memory_space<vmem>>) target_semaphore(%run_scoped3A : memref<!tpu.dma_semaphore, #tpu.memory_space<semaphore_mem>>)
      %dma_wait3A = arith.constant 40 : i32
      %dma_wait3A_47 = arith.constant 0 : i32
      %dma_wait3A_48 = tpu.memref_slice %arg4[%arg1, %dma_wait3A, %dma_wait3A_47] : memref<16x80x128xi32, #tpu.memory_space<hbm>> -> memref<1x40x128xi32, #tpu.memory_space<hbm>>
      %dma_wait3A_49 = tpu.memref_squeeze %dma_wait3A_48 : memref<1x40x128xi32, #tpu.memory_space<hbm>> -> memref<40x128xi32, #tpu.memory_space<hbm>>
      %dma_wait3A_50 = arith.constant 40 : i32
      %dma_wait3A_51 = arith.constant 0 : i32
      %dma_wait3A_52 = tpu.memref_slice %arg4[%arg1, %dma_wait3A_50, %dma_wait3A_51] : memref<16x80x128xi32, #tpu.memory_space<hbm>> -> memref<1x40x128xi32, #tpu.memory_space<hbm>>
      %dma_wait3A_53 = tpu.memref_squeeze %dma_wait3A_52 : memref<1x40x128xi32, #tpu.memory_space<hbm>> -> memref<40x128xi32, #tpu.memory_space<hbm>>
      tpu.wait_dma2 semaphore(%run_scoped3A : memref<!tpu.dma_semaphore, #tpu.memory_space<semaphore_mem>>) src(%dma_wait3A_53 : memref<40x128xi32, #tpu.memory_space<hbm>>) dst(%arg7 : memref<40x128xi32, #tpu.memory_space<vmem>>)
      tpu.yield
    }) : () -> ()
    %dma_start3A_17 = arith.constant 0 : i32
    %dma_start3A_18 = arith.constant 0 : i32
    %dma_start3A_19 = tpu.memref_slice %arg6[%dma_start3A_17, %dma_start3A_18] : memref<40x128xi32, #tpu.memory_space<vmem>> -> memref<1x128xi32, #tpu.memory_space<vmem>>
    %dma_start3A_20 = tpu.memref_squeeze %dma_start3A_19 : memref<1x128xi32, #tpu.memory_space<vmem>> -> memref<128xi32, #tpu.memory_space<vmem>>
    %dma_start3A_21 = arith.constant 0 : i32
    %dma_start3A_22 = arith.constant 0 : i32
    %dma_start3A_23 = tpu.memref_slice %arg2[%dma_start3A_21, %dma_start3A_22] : memref<20480x128xf32, #tpu.memory_space<hbm>> -> memref<20480x128xf32, #tpu.memory_space<hbm>>
    %dma_start3A_24 = arith.constant -1 : i32
    tpu.enqueue_indirect_dma source(%dma_start3A_23 : memref<20480x128xf32, #tpu.memory_space<hbm>>) target(%arg8 : memref<128x128xf32, #tpu.memory_space<vmem>>) offsets(%dma_start3A_20 : memref<128xi32, #tpu.memory_space<vmem>>) offset_filter(%dma_start3A_24) semaphore(%arg10 : memref<!tpu.dma_semaphore, #tpu.memory_space<semaphore_mem>>)
    %scan3A_25 = arith.constant 0 : i32
    %scan3A_26 = arith.constant 0 : i32
    %scan3A_27 = arith.constant 20 : i32
    %scan3A_28 = arith.addi %scan3A_26, %scan3A_27 : i32
    %scan3A_29 = arith.constant 1 : i32
    scf.for %scan3A_39 = %scan3A_26 to %scan3A_28 step %scan3A_29  : i32 {
      %mul3A_40 = arith.constant 2 : i32
      %mul3A_41 = arith.muli %mul3A_40, %scan3A_39 : i32
      %dma_wait3A = arith.constant 0 : i32
      %dma_wait3A_42 = tpu.memref_slice %arg6[%mul3A_41, %dma_wait3A] : memref<40x128xi32, #tpu.memory_space<vmem>> -> memref<1x128xi32, #tpu.memory_space<vmem>>
      %dma_wait3A_43 = tpu.memref_squeeze %dma_wait3A_42 : memref<1x128xi32, #tpu.memory_space<vmem>> -> memref<128xi32, #tpu.memory_space<vmem>>
      %dma_wait3A_44 = arith.constant 0 : i32
      %dma_wait3A_45 = arith.constant 0 : i32
      %dma_wait3A_46 = tpu.memref_slice %arg2[%dma_wait3A_44, %dma_wait3A_45] : memref<20480x128xf32, #tpu.memory_space<hbm>> -> memref<20480x128xf32, #tpu.memory_space<hbm>>
      tpu.wait_indirect_dma semaphore(%arg10 : memref<!tpu.dma_semaphore, #tpu.memory_space<semaphore_mem>>) src(%dma_wait3A_46 : memref<20480x128xf32, #tpu.memory_space<hbm>>) dst(%arg8 : memref<128x128xf32, #tpu.memory_space<vmem>>)
      %add3A_47 = arith.constant 1 : i32
      %add3A_48 = arith.addi %mul3A_41, %add3A_47 : i32
      %dma_start3A_49 = arith.constant 0 : i32
      %dma_start3A_50 = tpu.memref_slice %arg6[%add3A_48, %dma_start3A_49] : memref<40x128xi32, #tpu.memory_space<vmem>> -> memref<1x128xi32, #tpu.memory_space<vmem>>
      %dma_start3A_51 = tpu.memref_squeeze %dma_start3A_50 : memref<1x128xi32, #tpu.memory_space<vmem>> -> memref<128xi32, #tpu.memory_space<vmem>>
      %dma_start3A_52 = arith.constant 0 : i32
      %dma_start3A_53 = arith.constant 0 : i32
      %dma_start3A_54 = tpu.memref_slice %arg2[%dma_start3A_52, %dma_start3A_53] : memref<20480x128xf32, #tpu.memory_space<hbm>> -> memref<20480x128xf32, #tpu.memory_space<hbm>>
      %dma_start3A_55 = arith.constant -1 : i32
      tpu.enqueue_indirect_dma source(%dma_start3A_54 : memref<20480x128xf32, #tpu.memory_space<hbm>>) target(%arg9 : memref<128x128xf32, #tpu.memory_space<vmem>>) offsets(%dma_start3A_51 : memref<128xi32, #tpu.memory_space<vmem>>) offset_filter(%dma_start3A_55) semaphore(%arg11 : memref<!tpu.dma_semaphore, #tpu.memory_space<semaphore_mem>>)
      "tpu.region"() ({
        %run_scoped3A = tpu.sem_alloc : memref<!tpu.dma_semaphore, #tpu.memory_space<semaphore_mem>>
        %dma_start3A_68 = arith.constant 0 : i32
        %dma_start3A_69 = tpu.memref_slice %arg7[%mul3A_41, %dma_start3A_68] : memref<40x128xi32, #tpu.memory_space<vmem>> -> memref<1x128xi32, #tpu.memory_space<vmem>>
        %dma_start3A_70 = tpu.memref_squeeze %dma_start3A_69 : memref<1x128xi32, #tpu.memory_space<vmem>> -> memref<128xi32, #tpu.memory_space<vmem>>
        %dma_start3A_71 = arith.constant 0 : i32
        %dma_start3A_72 = arith.constant 0 : i32
        %dma_start3A_73 = tpu.memref_slice %arg12[%dma_start3A_71, %dma_start3A_72] : memref<10240x128xf32, #tpu.memory_space<vmem_shared>> -> memref<10240x128xf32, #tpu.memory_space<vmem_shared>>
        %dma_start3A_74 = arith.constant -1 : i32
        tpu.enqueue_indirect_dma source(%arg8 : memref<128x128xf32, #tpu.memory_space<vmem>>) target(%dma_start3A_73 : memref<10240x128xf32, #tpu.memory_space<vmem_shared>>) offsets(%dma_start3A_70 : memref<128xi32, #tpu.memory_space<vmem>>) offset_filter(%dma_start3A_74) semaphore(%run_scoped3A : memref<!tpu.dma_semaphore, #tpu.memory_space<semaphore_mem>>) {add = true}
        %dma_wait3A_75 = arith.constant 0 : i32
        %dma_wait3A_76 = tpu.memref_slice %arg7[%mul3A_41, %dma_wait3A_75] : memref<40x128xi32, #tpu.memory_space<vmem>> -> memref<1x128xi32, #tpu.memory_space<vmem>>
        %dma_wait3A_77 = tpu.memref_squeeze %dma_wait3A_76 : memref<1x128xi32, #tpu.memory_space<vmem>> -> memref<128xi32, #tpu.memory_space<vmem>>
        %dma_wait3A_78 = arith.constant 0 : i32
        %dma_wait3A_79 = arith.constant 0 : i32
        %dma_wait3A_80 = tpu.memref_slice %arg12[%dma_wait3A_78, %dma_wait3A_79] : memref<10240x128xf32, #tpu.memory_space<vmem_shared>> -> memref<10240x128xf32, #tpu.memory_space<vmem_shared>>
        tpu.wait_indirect_dma semaphore(%run_scoped3A : memref<!tpu.dma_semaphore, #tpu.memory_space<semaphore_mem>>) src(%arg8 : memref<128x128xf32, #tpu.memory_space<vmem>>) dst(%dma_wait3A_80 : memref<10240x128xf32, #tpu.memory_space<vmem_shared>>)
        tpu.yield
      }) : () -> ()
      %add3A_56 = arith.constant 1 : i32
      %add3A_57 = arith.addi %mul3A_41, %add3A_56 : i32
      %dma_wait3A_58 = arith.constant 0 : i32
      %dma_wait3A_59 = tpu.memref_slice %arg6[%add3A_57, %dma_wait3A_58] : memref<40x128xi32, #tpu.memory_space<vmem>> -> memref<1x128xi32, #tpu.memory_space<vmem>>
      %dma_wait3A_60 = tpu.memref_squeeze %dma_wait3A_59 : memref<1x128xi32, #tpu.memory_space<vmem>> -> memref<128xi32, #tpu.memory_space<vmem>>
      %dma_wait3A_61 = arith.constant 0 : i32
      %dma_wait3A_62 = arith.constant 0 : i32
      %dma_wait3A_63 = tpu.memref_slice %arg2[%dma_wait3A_61, %dma_wait3A_62] : memref<20480x128xf32, #tpu.memory_space<hbm>> -> memref<20480x128xf32, #tpu.memory_space<hbm>>
      tpu.wait_indirect_dma semaphore(%arg11 : memref<!tpu.dma_semaphore, #tpu.memory_space<semaphore_mem>>) src(%dma_wait3A_63 : memref<20480x128xf32, #tpu.memory_space<hbm>>) dst(%arg9 : memref<128x128xf32, #tpu.memory_space<vmem>>)
      %lt3A = arith.constant 19 : i32
      %lt3A_64 = arith.cmpi slt, %scan3A_39, %lt3A : i32
      %convert_element_type3A = arith.extui %lt3A_64 : i1 to i32
      %cond3A = arith.constant 0 : i32
      %cond3A_65 = arith.cmpi ne, %convert_element_type3A, %cond3A : i32
      scf.if %cond3A_65 {
        %add3A_68 = arith.constant 2 : i32
        %add3A_69 = arith.addi %mul3A_41, %add3A_68 : i32
        %dma_start3A_70 = arith.constant 0 : i32
        %dma_start3A_71 = tpu.memref_slice %arg6[%add3A_69, %dma_start3A_70] : memref<40x128xi32, #tpu.memory_space<vmem>> -> memref<1x128xi32, #tpu.memory_space<vmem>>
        %dma_start3A_72 = tpu.memref_squeeze %dma_start3A_71 : memref<1x128xi32, #tpu.memory_space<vmem>> -> memref<128xi32, #tpu.memory_space<vmem>>
        %dma_start3A_73 = arith.constant 0 : i32
        %dma_start3A_74 = arith.constant 0 : i32
        %dma_start3A_75 = tpu.memref_slice %arg2[%dma_start3A_73, %dma_start3A_74] : memref<20480x128xf32, #tpu.memory_space<hbm>> -> memref<20480x128xf32, #tpu.memory_space<hbm>>
        %dma_start3A_76 = arith.constant -1 : i32
        tpu.enqueue_indirect_dma source(%dma_start3A_75 : memref<20480x128xf32, #tpu.memory_space<hbm>>) target(%arg8 : memref<128x128xf32, #tpu.memory_space<vmem>>) offsets(%dma_start3A_72 : memref<128xi32, #tpu.memory_space<vmem>>) offset_filter(%dma_start3A_76) semaphore(%arg10 : memref<!tpu.dma_semaphore, #tpu.memory_space<semaphore_mem>>)
      } else {
      }
      %add3A_66 = arith.constant 1 : i32
      %add3A_67 = arith.addi %mul3A_41, %add3A_66 : i32
      "tpu.region"() ({
        %run_scoped3A = tpu.sem_alloc : memref<!tpu.dma_semaphore, #tpu.memory_space<semaphore_mem>>
        %dma_start3A_68 = arith.constant 0 : i32
        %dma_start3A_69 = tpu.memref_slice %arg7[%add3A_67, %dma_start3A_68] : memref<40x128xi32, #tpu.memory_space<vmem>> -> memref<1x128xi32, #tpu.memory_space<vmem>>
        %dma_start3A_70 = tpu.memref_squeeze %dma_start3A_69 : memref<1x128xi32, #tpu.memory_space<vmem>> -> memref<128xi32, #tpu.memory_space<vmem>>
        %dma_start3A_71 = arith.constant 0 : i32
        %dma_start3A_72 = arith.constant 0 : i32
        %dma_start3A_73 = tpu.memref_slice %arg12[%dma_start3A_71, %dma_start3A_72] : memref<10240x128xf32, #tpu.memory_space<vmem_shared>> -> memref<10240x128xf32, #tpu.memory_space<vmem_shared>>
        %dma_start3A_74 = arith.constant -1 : i32
        tpu.enqueue_indirect_dma source(%arg9 : memref<128x128xf32, #tpu.memory_space<vmem>>) target(%dma_start3A_73 : memref<10240x128xf32, #tpu.memory_space<vmem_shared>>) offsets(%dma_start3A_70 : memref<128xi32, #tpu.memory_space<vmem>>) offset_filter(%dma_start3A_74) semaphore(%run_scoped3A : memref<!tpu.dma_semaphore, #tpu.memory_space<semaphore_mem>>) {add = true}
        %dma_wait3A_75 = arith.constant 0 : i32
        %dma_wait3A_76 = tpu.memref_slice %arg7[%add3A_67, %dma_wait3A_75] : memref<40x128xi32, #tpu.memory_space<vmem>> -> memref<1x128xi32, #tpu.memory_space<vmem>>
        %dma_wait3A_77 = tpu.memref_squeeze %dma_wait3A_76 : memref<1x128xi32, #tpu.memory_space<vmem>> -> memref<128xi32, #tpu.memory_space<vmem>>
        %dma_wait3A_78 = arith.constant 0 : i32
        %dma_wait3A_79 = arith.constant 0 : i32
        %dma_wait3A_80 = tpu.memref_slice %arg12[%dma_wait3A_78, %dma_wait3A_79] : memref<10240x128xf32, #tpu.memory_space<vmem_shared>> -> memref<10240x128xf32, #tpu.memory_space<vmem_shared>>
        tpu.wait_indirect_dma semaphore(%run_scoped3A : memref<!tpu.dma_semaphore, #tpu.memory_space<semaphore_mem>>) src(%arg9 : memref<128x128xf32, #tpu.memory_space<vmem>>) dst(%dma_wait3A_80 : memref<10240x128xf32, #tpu.memory_space<vmem_shared>>)
        tpu.yield
      }) : () -> ()
    }
    %scan3A_30 = arith.constant 20 : i32
    %barrier3A_31 = arith.constant 0 : index
    tpu.barrier barrier_id(%barrier3A_31)
    %mul3A_32 = arith.constant 640 : i32
    %mul3A_33 = arith.muli %arg1, %mul3A_32 : i32
    %mul3A_34 = arith.constant 10240 : i32
    %mul3A_35 = arith.muli %arg0, %mul3A_34 : i32
    %mul3A_36 = arith.constant 640 : i32
    %mul3A_37 = arith.muli %arg1, %mul3A_36 : i32
    %add3A_38 = arith.addi %mul3A_35, %mul3A_37 : i32
    "tpu.region"() ({
      %run_scoped3A = tpu.sem_alloc : memref<!tpu.dma_semaphore, #tpu.memory_space<semaphore_mem>>
      %dma_start3A_39 = arith.constant 0 : i32
      %dma_start3A_40 = tpu.memref_slice %arg5[%add3A_38, %dma_start3A_39] : memref<20480x128xf32, #tpu.memory_space<hbm>> -> memref<640x128xf32, #tpu.memory_space<hbm>>
      %dma_start3A_41 = arith.constant 0 : i32
      %dma_start3A_42 = tpu.memref_slice %arg12[%mul3A_33, %dma_start3A_41] : memref<10240x128xf32, #tpu.memory_space<vmem_shared>> -> memref<640x128xf32, #tpu.memory_space<vmem_shared>>
      tpu.enqueue_dma source(%dma_start3A_42 : memref<640x128xf32, #tpu.memory_space<vmem_shared>>) target(%dma_start3A_40 : memref<640x128xf32, #tpu.memory_space<hbm>>) target_semaphore(%run_scoped3A : memref<!tpu.dma_semaphore, #tpu.memory_space<semaphore_mem>>)
      %dma_wait3A = arith.constant 0 : i32
      %dma_wait3A_43 = tpu.memref_slice %arg5[%add3A_38, %dma_wait3A] : memref<20480x128xf32, #tpu.memory_space<hbm>> -> memref<640x128xf32, #tpu.memory_space<hbm>>
      %dma_wait3A_44 = arith.constant 0 : i32
      %dma_wait3A_45 = tpu.memref_slice %arg12[%mul3A_33, %dma_wait3A_44] : memref<10240x128xf32, #tpu.memory_space<vmem_shared>> -> memref<640x128xf32, #tpu.memory_space<vmem_shared>>
      tpu.wait_dma2 semaphore(%run_scoped3A : memref<!tpu.dma_semaphore, #tpu.memory_space<semaphore_mem>>) src(%dma_wait3A_45 : memref<640x128xf32, #tpu.memory_space<vmem_shared>>) dst(%dma_wait3A_43 : memref<640x128xf32, #tpu.memory_space<hbm>>)
      tpu.yield
    }) : () -> ()
    return
  }
}

#map = affine_map<(d0, d1) -> (0, 0)>
#map1 = affine_map<(d0, d1) -> (0, 0, 0, 0)>
#map2 = affine_map<(d0, d1) -> (0, 0, 0)>
module attributes {stable_mosaic.version = 14 : i64} {
  func.func @_scat2_body(%arg0: i32, %arg1: i32, %arg2: memref<20480x128xf32, #tpu.memory_space<hbm>>, %arg3: memref<2x16x80x128xi32, #tpu.memory_space<hbm>>, %arg4: memref<16x80x128xi32, #tpu.memory_space<hbm>>, %arg5: memref<16x6x96xi32, #tpu.memory_space<hbm>>, %arg6: memref<32x3x96xi32, #tpu.memory_space<hbm>>, %arg7: memref<10000x128xf32, #tpu.memory_space<hbm>>, %arg8: memref<18432x128xf32, #tpu.memory_space<hbm>>, %arg9: memref<9216x128xf32, #tpu.memory_space<hbm>>, %arg10: memref<40x128xi32, #tpu.memory_space<vmem>>, %arg11: memref<40x128xi32, #tpu.memory_space<vmem>>, %arg12: memref<128x128xf32, #tpu.memory_space<vmem>>, %arg13: memref<128x128xf32, #tpu.memory_space<vmem>>, %arg14: memref<6x96xi32, #tpu.memory_space<vmem>>, %arg15: memref<3x96xi32, #tpu.memory_space<vmem>>, %arg16: memref<!tpu.dma_semaphore, #tpu.memory_space<semaphore_mem>>, %arg17: memref<!tpu.dma_semaphore, #tpu.memory_space<semaphore_mem>>, %arg18: memref<10240x128xf32, #tpu.memory_space<vmem_shared>>) attributes {dimension_semantics = [#tpu.dimension_semantics<core_parallel>, #tpu.dimension_semantics<subcore_parallel>], iteration_bounds = array<i64: 2, 16>, scalar_prefetch = 0 : i64, scratch_operands = 9 : i64, tpu.core_type = #tpu.core_type<sc_vector_subcore>, window_params = [{transform_indices = #map}, {transform_indices = #map1}, {transform_indices = #map2}, {transform_indices = #map2}, {transform_indices = #map2}, {transform_indices = #map}, {transform_indices = #map}, {transform_indices = #map}]} {
    %mul3A = arith.constant 16 : i32
    %mul3A_0 = arith.muli %arg0, %mul3A : i32
    %add3A = arith.addi %mul3A_0, %arg1 : i32
    %lt3A = arith.constant 8 : i32
    %lt3A_1 = arith.cmpi slt, %arg1, %lt3A : i32
    %convert_element_type3A = arith.extui %lt3A_1 : i1 to i32
    %cond3A = arith.constant 0 : i32
    %cond3A_2 = arith.cmpi ne, %convert_element_type3A, %cond3A : i32
    scf.if %cond3A_2 {
      %mul3A_42 = arith.constant 10240 : i32
      %mul3A_43 = arith.muli %arg0, %mul3A_42 : i32
      %mul3A_44 = arith.constant 640 : i32
      %mul3A_45 = arith.muli %arg1, %mul3A_44 : i32
      %add3A_46 = arith.addi %mul3A_43, %mul3A_45 : i32
      %mul3A_47 = arith.constant 640 : i32
      %mul3A_48 = arith.muli %arg1, %mul3A_47 : i32
      "tpu.region"() ({
        %run_scoped3A = tpu.sem_alloc : memref<!tpu.dma_semaphore, #tpu.memory_space<semaphore_mem>>
        %dma_start3A_49 = arith.constant 0 : i32
        %dma_start3A_50 = tpu.memref_slice %arg18[%mul3A_48, %dma_start3A_49] : memref<10240x128xf32, #tpu.memory_space<vmem_shared>> -> memref<640x128xf32, #tpu.memory_space<vmem_shared>>
        %dma_start3A_51 = arith.constant 0 : i32
        %dma_start3A_52 = tpu.memref_slice %arg2[%add3A_46, %dma_start3A_51] : memref<20480x128xf32, #tpu.memory_space<hbm>> -> memref<640x128xf32, #tpu.memory_space<hbm>>
        tpu.enqueue_dma source(%dma_start3A_52 : memref<640x128xf32, #tpu.memory_space<hbm>>) target(%dma_start3A_50 : memref<640x128xf32, #tpu.memory_space<vmem_shared>>) target_semaphore(%run_scoped3A : memref<!tpu.dma_semaphore, #tpu.memory_space<semaphore_mem>>)
        %dma_wait3A = arith.constant 0 : i32
        %dma_wait3A_53 = tpu.memref_slice %arg18[%mul3A_48, %dma_wait3A] : memref<10240x128xf32, #tpu.memory_space<vmem_shared>> -> memref<640x128xf32, #tpu.memory_space<vmem_shared>>
        %dma_wait3A_54 = arith.constant 0 : i32
        %dma_wait3A_55 = tpu.memref_slice %arg2[%add3A_46, %dma_wait3A_54] : memref<20480x128xf32, #tpu.memory_space<hbm>> -> memref<640x128xf32, #tpu.memory_space<hbm>>
        tpu.wait_dma2 semaphore(%run_scoped3A : memref<!tpu.dma_semaphore, #tpu.memory_space<semaphore_mem>>) src(%dma_wait3A_55 : memref<640x128xf32, #tpu.memory_space<hbm>>) dst(%dma_wait3A_53 : memref<640x128xf32, #tpu.memory_space<vmem_shared>>)
        tpu.yield
      }) : () -> ()
    } else {
    }
    "tpu.region"() ({
      %run_scoped3A = tpu.sem_alloc : memref<!tpu.dma_semaphore, #tpu.memory_space<semaphore_mem>>
      %dma_start3A_42 = arith.constant 0 : i32
      %dma_start3A_43 = arith.constant 0 : i32
      %dma_start3A_44 = tpu.memref_slice %arg3[%arg0, %arg1, %dma_start3A_42, %dma_start3A_43] : memref<2x16x80x128xi32, #tpu.memory_space<hbm>> -> memref<1x1x40x128xi32, #tpu.memory_space<hbm>>
      %dma_start3A_45 = tpu.memref_squeeze %dma_start3A_44 : memref<1x1x40x128xi32, #tpu.memory_space<hbm>> -> memref<40x128xi32, #tpu.memory_space<hbm>>
      %dma_start3A_46 = arith.constant 0 : i32
      %dma_start3A_47 = arith.constant 0 : i32
      %dma_start3A_48 = tpu.memref_slice %arg3[%arg0, %arg1, %dma_start3A_46, %dma_start3A_47] : memref<2x16x80x128xi32, #tpu.memory_space<hbm>> -> memref<1x1x40x128xi32, #tpu.memory_space<hbm>>
      %dma_start3A_49 = tpu.memref_squeeze %dma_start3A_48 : memref<1x1x40x128xi32, #tpu.memory_space<hbm>> -> memref<40x128xi32, #tpu.memory_space<hbm>>
      tpu.enqueue_dma source(%dma_start3A_49 : memref<40x128xi32, #tpu.memory_space<hbm>>) target(%arg10 : memref<40x128xi32, #tpu.memory_space<vmem>>) target_semaphore(%run_scoped3A : memref<!tpu.dma_semaphore, #tpu.memory_space<semaphore_mem>>)
      %dma_wait3A = arith.constant 0 : i32
      %dma_wait3A_50 = arith.constant 0 : i32
      %dma_wait3A_51 = tpu.memref_slice %arg3[%arg0, %arg1, %dma_wait3A, %dma_wait3A_50] : memref<2x16x80x128xi32, #tpu.memory_space<hbm>> -> memref<1x1x40x128xi32, #tpu.memory_space<hbm>>
      %dma_wait3A_52 = tpu.memref_squeeze %dma_wait3A_51 : memref<1x1x40x128xi32, #tpu.memory_space<hbm>> -> memref<40x128xi32, #tpu.memory_space<hbm>>
      %dma_wait3A_53 = arith.constant 0 : i32
      %dma_wait3A_54 = arith.constant 0 : i32
      %dma_wait3A_55 = tpu.memref_slice %arg3[%arg0, %arg1, %dma_wait3A_53, %dma_wait3A_54] : memref<2x16x80x128xi32, #tpu.memory_space<hbm>> -> memref<1x1x40x128xi32, #tpu.memory_space<hbm>>
      %dma_wait3A_56 = tpu.memref_squeeze %dma_wait3A_55 : memref<1x1x40x128xi32, #tpu.memory_space<hbm>> -> memref<40x128xi32, #tpu.memory_space<hbm>>
      tpu.wait_dma2 semaphore(%run_scoped3A : memref<!tpu.dma_semaphore, #tpu.memory_space<semaphore_mem>>) src(%dma_wait3A_56 : memref<40x128xi32, #tpu.memory_space<hbm>>) dst(%arg10 : memref<40x128xi32, #tpu.memory_space<vmem>>)
      tpu.yield
    }) : () -> ()
    "tpu.region"() ({
      %run_scoped3A = tpu.sem_alloc : memref<!tpu.dma_semaphore, #tpu.memory_space<semaphore_mem>>
      %dma_start3A_42 = arith.constant 0 : i32
      %dma_start3A_43 = arith.constant 0 : i32
      %dma_start3A_44 = tpu.memref_slice %arg4[%arg1, %dma_start3A_42, %dma_start3A_43] : memref<16x80x128xi32, #tpu.memory_space<hbm>> -> memref<1x40x128xi32, #tpu.memory_space<hbm>>
      %dma_start3A_45 = tpu.memref_squeeze %dma_start3A_44 : memref<1x40x128xi32, #tpu.memory_space<hbm>> -> memref<40x128xi32, #tpu.memory_space<hbm>>
      %dma_start3A_46 = arith.constant 0 : i32
      %dma_start3A_47 = arith.constant 0 : i32
      %dma_start3A_48 = tpu.memref_slice %arg4[%arg1, %dma_start3A_46, %dma_start3A_47] : memref<16x80x128xi32, #tpu.memory_space<hbm>> -> memref<1x40x128xi32, #tpu.memory_space<hbm>>
      %dma_start3A_49 = tpu.memref_squeeze %dma_start3A_48 : memref<1x40x128xi32, #tpu.memory_space<hbm>> -> memref<40x128xi32, #tpu.memory_space<hbm>>
      tpu.enqueue_dma source(%dma_start3A_49 : memref<40x128xi32, #tpu.memory_space<hbm>>) target(%arg11 : memref<40x128xi32, #tpu.memory_space<vmem>>) target_semaphore(%run_scoped3A : memref<!tpu.dma_semaphore, #tpu.memory_space<semaphore_mem>>)
      %dma_wait3A = arith.constant 0 : i32
      %dma_wait3A_50 = arith.constant 0 : i32
      %dma_wait3A_51 = tpu.memref_slice %arg4[%arg1, %dma_wait3A, %dma_wait3A_50] : memref<16x80x128xi32, #tpu.memory_space<hbm>> -> memref<1x40x128xi32, #tpu.memory_space<hbm>>
      %dma_wait3A_52 = tpu.memref_squeeze %dma_wait3A_51 : memref<1x40x128xi32, #tpu.memory_space<hbm>> -> memref<40x128xi32, #tpu.memory_space<hbm>>
      %dma_wait3A_53 = arith.constant 0 : i32
      %dma_wait3A_54 = arith.constant 0 : i32
      %dma_wait3A_55 = tpu.memref_slice %arg4[%arg1, %dma_wait3A_53, %dma_wait3A_54] : memref<16x80x128xi32, #tpu.memory_space<hbm>> -> memref<1x40x128xi32, #tpu.memory_space<hbm>>
      %dma_wait3A_56 = tpu.memref_squeeze %dma_wait3A_55 : memref<1x40x128xi32, #tpu.memory_space<hbm>> -> memref<40x128xi32, #tpu.memory_space<hbm>>
      tpu.wait_dma2 semaphore(%run_scoped3A : memref<!tpu.dma_semaphore, #tpu.memory_space<semaphore_mem>>) src(%dma_wait3A_56 : memref<40x128xi32, #tpu.memory_space<hbm>>) dst(%arg11 : memref<40x128xi32, #tpu.memory_space<vmem>>)
      tpu.yield
    }) : () -> ()
    %dma_start3A = arith.constant 0 : i32
    %dma_start3A_3 = arith.constant 0 : i32
    %dma_start3A_4 = tpu.memref_slice %arg10[%dma_start3A, %dma_start3A_3] : memref<40x128xi32, #tpu.memory_space<vmem>> -> memref<1x128xi32, #tpu.memory_space<vmem>>
    %dma_start3A_5 = tpu.memref_squeeze %dma_start3A_4 : memref<1x128xi32, #tpu.memory_space<vmem>> -> memref<128xi32, #tpu.memory_space<vmem>>
    %dma_start3A_6 = arith.constant 0 : i32
    %dma_start3A_7 = arith.constant 0 : i32
    %dma_start3A_8 = tpu.memref_slice %arg2[%dma_start3A_6, %dma_start3A_7] : memref<20480x128xf32, #tpu.memory_space<hbm>> -> memref<20480x128xf32, #tpu.memory_space<hbm>>
    %dma_start3A_9 = arith.constant -1 : i32
    tpu.enqueue_indirect_dma source(%dma_start3A_8 : memref<20480x128xf32, #tpu.memory_space<hbm>>) target(%arg12 : memref<128x128xf32, #tpu.memory_space<vmem>>) offsets(%dma_start3A_5 : memref<128xi32, #tpu.memory_space<vmem>>) offset_filter(%dma_start3A_9) semaphore(%arg16 : memref<!tpu.dma_semaphore, #tpu.memory_space<semaphore_mem>>)
    %barrier3A = arith.constant 0 : index
    tpu.barrier barrier_id(%barrier3A)
    %scan3A = arith.constant 0 : i32
    %scan3A_10 = arith.constant 0 : i32
    %scan3A_11 = arith.constant 20 : i32
    %scan3A_12 = arith.addi %scan3A_10, %scan3A_11 : i32
    %scan3A_13 = arith.constant 1 : i32
    scf.for %scan3A_42 = %scan3A_10 to %scan3A_12 step %scan3A_13  : i32 {
      %mul3A_43 = arith.constant 2 : i32
      %mul3A_44 = arith.muli %mul3A_43, %scan3A_42 : i32
      %dma_wait3A = arith.constant 0 : i32
      %dma_wait3A_45 = tpu.memref_slice %arg10[%mul3A_44, %dma_wait3A] : memref<40x128xi32, #tpu.memory_space<vmem>> -> memref<1x128xi32, #tpu.memory_space<vmem>>
      %dma_wait3A_46 = tpu.memref_squeeze %dma_wait3A_45 : memref<1x128xi32, #tpu.memory_space<vmem>> -> memref<128xi32, #tpu.memory_space<vmem>>
      %dma_wait3A_47 = arith.constant 0 : i32
      %dma_wait3A_48 = arith.constant 0 : i32
      %dma_wait3A_49 = tpu.memref_slice %arg2[%dma_wait3A_47, %dma_wait3A_48] : memref<20480x128xf32, #tpu.memory_space<hbm>> -> memref<20480x128xf32, #tpu.memory_space<hbm>>
      tpu.wait_indirect_dma semaphore(%arg16 : memref<!tpu.dma_semaphore, #tpu.memory_space<semaphore_mem>>) src(%dma_wait3A_49 : memref<20480x128xf32, #tpu.memory_space<hbm>>) dst(%arg12 : memref<128x128xf32, #tpu.memory_space<vmem>>)
      %add3A_50 = arith.constant 1 : i32
      %add3A_51 = arith.addi %mul3A_44, %add3A_50 : i32
      %dma_start3A_52 = arith.constant 0 : i32
      %dma_start3A_53 = tpu.memref_slice %arg10[%add3A_51, %dma_start3A_52] : memref<40x128xi32, #tpu.memory_space<vmem>> -> memref<1x128xi32, #tpu.memory_space<vmem>>
      %dma_start3A_54 = tpu.memref_squeeze %dma_start3A_53 : memref<1x128xi32, #tpu.memory_space<vmem>> -> memref<128xi32, #tpu.memory_space<vmem>>
      %dma_start3A_55 = arith.constant 0 : i32
      %dma_start3A_56 = arith.constant 0 : i32
      %dma_start3A_57 = tpu.memref_slice %arg2[%dma_start3A_55, %dma_start3A_56] : memref<20480x128xf32, #tpu.memory_space<hbm>> -> memref<20480x128xf32, #tpu.memory_space<hbm>>
      %dma_start3A_58 = arith.constant -1 : i32
      tpu.enqueue_indirect_dma source(%dma_start3A_57 : memref<20480x128xf32, #tpu.memory_space<hbm>>) target(%arg13 : memref<128x128xf32, #tpu.memory_space<vmem>>) offsets(%dma_start3A_54 : memref<128xi32, #tpu.memory_space<vmem>>) offset_filter(%dma_start3A_58) semaphore(%arg17 : memref<!tpu.dma_semaphore, #tpu.memory_space<semaphore_mem>>)
      "tpu.region"() ({
        %run_scoped3A = tpu.sem_alloc : memref<!tpu.dma_semaphore, #tpu.memory_space<semaphore_mem>>
        %dma_start3A_74 = arith.constant 0 : i32
        %dma_start3A_75 = tpu.memref_slice %arg11[%mul3A_44, %dma_start3A_74] : memref<40x128xi32, #tpu.memory_space<vmem>> -> memref<1x128xi32, #tpu.memory_space<vmem>>
        %dma_start3A_76 = tpu.memref_squeeze %dma_start3A_75 : memref<1x128xi32, #tpu.memory_space<vmem>> -> memref<128xi32, #tpu.memory_space<vmem>>
        %dma_start3A_77 = arith.constant 0 : i32
        %dma_start3A_78 = arith.constant 0 : i32
        %dma_start3A_79 = tpu.memref_slice %arg18[%dma_start3A_77, %dma_start3A_78] : memref<10240x128xf32, #tpu.memory_space<vmem_shared>> -> memref<10240x128xf32, #tpu.memory_space<vmem_shared>>
        %dma_start3A_80 = arith.constant -1 : i32
        tpu.enqueue_indirect_dma source(%arg12 : memref<128x128xf32, #tpu.memory_space<vmem>>) target(%dma_start3A_79 : memref<10240x128xf32, #tpu.memory_space<vmem_shared>>) offsets(%dma_start3A_76 : memref<128xi32, #tpu.memory_space<vmem>>) offset_filter(%dma_start3A_80) semaphore(%run_scoped3A : memref<!tpu.dma_semaphore, #tpu.memory_space<semaphore_mem>>) {add = true}
        %dma_wait3A_81 = arith.constant 0 : i32
        %dma_wait3A_82 = tpu.memref_slice %arg11[%mul3A_44, %dma_wait3A_81] : memref<40x128xi32, #tpu.memory_space<vmem>> -> memref<1x128xi32, #tpu.memory_space<vmem>>
        %dma_wait3A_83 = tpu.memref_squeeze %dma_wait3A_82 : memref<1x128xi32, #tpu.memory_space<vmem>> -> memref<128xi32, #tpu.memory_space<vmem>>
        %dma_wait3A_84 = arith.constant 0 : i32
        %dma_wait3A_85 = arith.constant 0 : i32
        %dma_wait3A_86 = tpu.memref_slice %arg18[%dma_wait3A_84, %dma_wait3A_85] : memref<10240x128xf32, #tpu.memory_space<vmem_shared>> -> memref<10240x128xf32, #tpu.memory_space<vmem_shared>>
        tpu.wait_indirect_dma semaphore(%run_scoped3A : memref<!tpu.dma_semaphore, #tpu.memory_space<semaphore_mem>>) src(%arg12 : memref<128x128xf32, #tpu.memory_space<vmem>>) dst(%dma_wait3A_86 : memref<10240x128xf32, #tpu.memory_space<vmem_shared>>)
        tpu.yield
      }) : () -> ()
      %add3A_59 = arith.constant 1 : i32
      %add3A_60 = arith.addi %mul3A_44, %add3A_59 : i32
      %dma_wait3A_61 = arith.constant 0 : i32
      %dma_wait3A_62 = tpu.memref_slice %arg10[%add3A_60, %dma_wait3A_61] : memref<40x128xi32, #tpu.memory_space<vmem>> -> memref<1x128xi32, #tpu.memory_space<vmem>>
      %dma_wait3A_63 = tpu.memref_squeeze %dma_wait3A_62 : memref<1x128xi32, #tpu.memory_space<vmem>> -> memref<128xi32, #tpu.memory_space<vmem>>
      %dma_wait3A_64 = arith.constant 0 : i32
      %dma_wait3A_65 = arith.constant 0 : i32
      %dma_wait3A_66 = tpu.memref_slice %arg2[%dma_wait3A_64, %dma_wait3A_65] : memref<20480x128xf32, #tpu.memory_space<hbm>> -> memref<20480x128xf32, #tpu.memory_space<hbm>>
      tpu.wait_indirect_dma semaphore(%arg17 : memref<!tpu.dma_semaphore, #tpu.memory_space<semaphore_mem>>) src(%dma_wait3A_66 : memref<20480x128xf32, #tpu.memory_space<hbm>>) dst(%arg13 : memref<128x128xf32, #tpu.memory_space<vmem>>)
      %lt3A_67 = arith.constant 19 : i32
      %lt3A_68 = arith.cmpi slt, %scan3A_42, %lt3A_67 : i32
      %convert_element_type3A_69 = arith.extui %lt3A_68 : i1 to i32
      %cond3A_70 = arith.constant 0 : i32
      %cond3A_71 = arith.cmpi ne, %convert_element_type3A_69, %cond3A_70 : i32
      scf.if %cond3A_71 {
        %add3A_74 = arith.constant 2 : i32
        %add3A_75 = arith.addi %mul3A_44, %add3A_74 : i32
        %dma_start3A_76 = arith.constant 0 : i32
        %dma_start3A_77 = tpu.memref_slice %arg10[%add3A_75, %dma_start3A_76] : memref<40x128xi32, #tpu.memory_space<vmem>> -> memref<1x128xi32, #tpu.memory_space<vmem>>
        %dma_start3A_78 = tpu.memref_squeeze %dma_start3A_77 : memref<1x128xi32, #tpu.memory_space<vmem>> -> memref<128xi32, #tpu.memory_space<vmem>>
        %dma_start3A_79 = arith.constant 0 : i32
        %dma_start3A_80 = arith.constant 0 : i32
        %dma_start3A_81 = tpu.memref_slice %arg2[%dma_start3A_79, %dma_start3A_80] : memref<20480x128xf32, #tpu.memory_space<hbm>> -> memref<20480x128xf32, #tpu.memory_space<hbm>>
        %dma_start3A_82 = arith.constant -1 : i32
        tpu.enqueue_indirect_dma source(%dma_start3A_81 : memref<20480x128xf32, #tpu.memory_space<hbm>>) target(%arg12 : memref<128x128xf32, #tpu.memory_space<vmem>>) offsets(%dma_start3A_78 : memref<128xi32, #tpu.memory_space<vmem>>) offset_filter(%dma_start3A_82) semaphore(%arg16 : memref<!tpu.dma_semaphore, #tpu.memory_space<semaphore_mem>>)
      } else {
      }
      %add3A_72 = arith.constant 1 : i32
      %add3A_73 = arith.addi %mul3A_44, %add3A_72 : i32
      "tpu.region"() ({
        %run_scoped3A = tpu.sem_alloc : memref<!tpu.dma_semaphore, #tpu.memory_space<semaphore_mem>>
        %dma_start3A_74 = arith.constant 0 : i32
        %dma_start3A_75 = tpu.memref_slice %arg11[%add3A_73, %dma_start3A_74] : memref<40x128xi32, #tpu.memory_space<vmem>> -> memref<1x128xi32, #tpu.memory_space<vmem>>
        %dma_start3A_76 = tpu.memref_squeeze %dma_start3A_75 : memref<1x128xi32, #tpu.memory_space<vmem>> -> memref<128xi32, #tpu.memory_space<vmem>>
        %dma_start3A_77 = arith.constant 0 : i32
        %dma_start3A_78 = arith.constant 0 : i32
        %dma_start3A_79 = tpu.memref_slice %arg18[%dma_start3A_77, %dma_start3A_78] : memref<10240x128xf32, #tpu.memory_space<vmem_shared>> -> memref<10240x128xf32, #tpu.memory_space<vmem_shared>>
        %dma_start3A_80 = arith.constant -1 : i32
        tpu.enqueue_indirect_dma source(%arg13 : memref<128x128xf32, #tpu.memory_space<vmem>>) target(%dma_start3A_79 : memref<10240x128xf32, #tpu.memory_space<vmem_shared>>) offsets(%dma_start3A_76 : memref<128xi32, #tpu.memory_space<vmem>>) offset_filter(%dma_start3A_80) semaphore(%run_scoped3A : memref<!tpu.dma_semaphore, #tpu.memory_space<semaphore_mem>>) {add = true}
        %dma_wait3A_81 = arith.constant 0 : i32
        %dma_wait3A_82 = tpu.memref_slice %arg11[%add3A_73, %dma_wait3A_81] : memref<40x128xi32, #tpu.memory_space<vmem>> -> memref<1x128xi32, #tpu.memory_space<vmem>>
        %dma_wait3A_83 = tpu.memref_squeeze %dma_wait3A_82 : memref<1x128xi32, #tpu.memory_space<vmem>> -> memref<128xi32, #tpu.memory_space<vmem>>
        %dma_wait3A_84 = arith.constant 0 : i32
        %dma_wait3A_85 = arith.constant 0 : i32
        %dma_wait3A_86 = tpu.memref_slice %arg18[%dma_wait3A_84, %dma_wait3A_85] : memref<10240x128xf32, #tpu.memory_space<vmem_shared>> -> memref<10240x128xf32, #tpu.memory_space<vmem_shared>>
        tpu.wait_indirect_dma semaphore(%run_scoped3A : memref<!tpu.dma_semaphore, #tpu.memory_space<semaphore_mem>>) src(%arg13 : memref<128x128xf32, #tpu.memory_space<vmem>>) dst(%dma_wait3A_86 : memref<10240x128xf32, #tpu.memory_space<vmem_shared>>)
        tpu.yield
      }) : () -> ()
    }
    %scan3A_14 = arith.constant 20 : i32
    "tpu.region"() ({
      %run_scoped3A = tpu.sem_alloc : memref<!tpu.dma_semaphore, #tpu.memory_space<semaphore_mem>>
      %dma_start3A_42 = arith.constant 40 : i32
      %dma_start3A_43 = arith.constant 0 : i32
      %dma_start3A_44 = tpu.memref_slice %arg3[%arg0, %arg1, %dma_start3A_42, %dma_start3A_43] : memref<2x16x80x128xi32, #tpu.memory_space<hbm>> -> memref<1x1x40x128xi32, #tpu.memory_space<hbm>>
      %dma_start3A_45 = tpu.memref_squeeze %dma_start3A_44 : memref<1x1x40x128xi32, #tpu.memory_space<hbm>> -> memref<40x128xi32, #tpu.memory_space<hbm>>
      %dma_start3A_46 = arith.constant 40 : i32
      %dma_start3A_47 = arith.constant 0 : i32
      %dma_start3A_48 = tpu.memref_slice %arg3[%arg0, %arg1, %dma_start3A_46, %dma_start3A_47] : memref<2x16x80x128xi32, #tpu.memory_space<hbm>> -> memref<1x1x40x128xi32, #tpu.memory_space<hbm>>
      %dma_start3A_49 = tpu.memref_squeeze %dma_start3A_48 : memref<1x1x40x128xi32, #tpu.memory_space<hbm>> -> memref<40x128xi32, #tpu.memory_space<hbm>>
      tpu.enqueue_dma source(%dma_start3A_49 : memref<40x128xi32, #tpu.memory_space<hbm>>) target(%arg10 : memref<40x128xi32, #tpu.memory_space<vmem>>) target_semaphore(%run_scoped3A : memref<!tpu.dma_semaphore, #tpu.memory_space<semaphore_mem>>)
      %dma_wait3A = arith.constant 40 : i32
      %dma_wait3A_50 = arith.constant 0 : i32
      %dma_wait3A_51 = tpu.memref_slice %arg3[%arg0, %arg1, %dma_wait3A, %dma_wait3A_50] : memref<2x16x80x128xi32, #tpu.memory_space<hbm>> -> memref<1x1x40x128xi32, #tpu.memory_space<hbm>>
      %dma_wait3A_52 = tpu.memref_squeeze %dma_wait3A_51 : memref<1x1x40x128xi32, #tpu.memory_space<hbm>> -> memref<40x128xi32, #tpu.memory_space<hbm>>
      %dma_wait3A_53 = arith.constant 40 : i32
      %dma_wait3A_54 = arith.constant 0 : i32
      %dma_wait3A_55 = tpu.memref_slice %arg3[%arg0, %arg1, %dma_wait3A_53, %dma_wait3A_54] : memref<2x16x80x128xi32, #tpu.memory_space<hbm>> -> memref<1x1x40x128xi32, #tpu.memory_space<hbm>>
      %dma_wait3A_56 = tpu.memref_squeeze %dma_wait3A_55 : memref<1x1x40x128xi32, #tpu.memory_space<hbm>> -> memref<40x128xi32, #tpu.memory_space<hbm>>
      tpu.wait_dma2 semaphore(%run_scoped3A : memref<!tpu.dma_semaphore, #tpu.memory_space<semaphore_mem>>) src(%dma_wait3A_56 : memref<40x128xi32, #tpu.memory_space<hbm>>) dst(%arg10 : memref<40x128xi32, #tpu.memory_space<vmem>>)
      tpu.yield
    }) : () -> ()
    "tpu.region"() ({
      %run_scoped3A = tpu.sem_alloc : memref<!tpu.dma_semaphore, #tpu.memory_space<semaphore_mem>>
      %dma_start3A_42 = arith.constant 40 : i32
      %dma_start3A_43 = arith.constant 0 : i32
      %dma_start3A_44 = tpu.memref_slice %arg4[%arg1, %dma_start3A_42, %dma_start3A_43] : memref<16x80x128xi32, #tpu.memory_space<hbm>> -> memref<1x40x128xi32, #tpu.memory_space<hbm>>
      %dma_start3A_45 = tpu.memref_squeeze %dma_start3A_44 : memref<1x40x128xi32, #tpu.memory_space<hbm>> -> memref<40x128xi32, #tpu.memory_space<hbm>>
      %dma_start3A_46 = arith.constant 40 : i32
      %dma_start3A_47 = arith.constant 0 : i32
      %dma_start3A_48 = tpu.memref_slice %arg4[%arg1, %dma_start3A_46, %dma_start3A_47] : memref<16x80x128xi32, #tpu.memory_space<hbm>> -> memref<1x40x128xi32, #tpu.memory_space<hbm>>
      %dma_start3A_49 = tpu.memref_squeeze %dma_start3A_48 : memref<1x40x128xi32, #tpu.memory_space<hbm>> -> memref<40x128xi32, #tpu.memory_space<hbm>>
      tpu.enqueue_dma source(%dma_start3A_49 : memref<40x128xi32, #tpu.memory_space<hbm>>) target(%arg11 : memref<40x128xi32, #tpu.memory_space<vmem>>) target_semaphore(%run_scoped3A : memref<!tpu.dma_semaphore, #tpu.memory_space<semaphore_mem>>)
      %dma_wait3A = arith.constant 40 : i32
      %dma_wait3A_50 = arith.constant 0 : i32
      %dma_wait3A_51 = tpu.memref_slice %arg4[%arg1, %dma_wait3A, %dma_wait3A_50] : memref<16x80x128xi32, #tpu.memory_space<hbm>> -> memref<1x40x128xi32, #tpu.memory_space<hbm>>
      %dma_wait3A_52 = tpu.memref_squeeze %dma_wait3A_51 : memref<1x40x128xi32, #tpu.memory_space<hbm>> -> memref<40x128xi32, #tpu.memory_space<hbm>>
      %dma_wait3A_53 = arith.constant 40 : i32
      %dma_wait3A_54 = arith.constant 0 : i32
      %dma_wait3A_55 = tpu.memref_slice %arg4[%arg1, %dma_wait3A_53, %dma_wait3A_54] : memref<16x80x128xi32, #tpu.memory_space<hbm>> -> memref<1x40x128xi32, #tpu.memory_space<hbm>>
      %dma_wait3A_56 = tpu.memref_squeeze %dma_wait3A_55 : memref<1x40x128xi32, #tpu.memory_space<hbm>> -> memref<40x128xi32, #tpu.memory_space<hbm>>
      tpu.wait_dma2 semaphore(%run_scoped3A : memref<!tpu.dma_semaphore, #tpu.memory_space<semaphore_mem>>) src(%dma_wait3A_56 : memref<40x128xi32, #tpu.memory_space<hbm>>) dst(%arg11 : memref<40x128xi32, #tpu.memory_space<vmem>>)
      tpu.yield
    }) : () -> ()
    %dma_start3A_15 = arith.constant 0 : i32
    %dma_start3A_16 = arith.constant 0 : i32
    %dma_start3A_17 = tpu.memref_slice %arg10[%dma_start3A_15, %dma_start3A_16] : memref<40x128xi32, #tpu.memory_space<vmem>> -> memref<1x128xi32, #tpu.memory_space<vmem>>
    %dma_start3A_18 = tpu.memref_squeeze %dma_start3A_17 : memref<1x128xi32, #tpu.memory_space<vmem>> -> memref<128xi32, #tpu.memory_space<vmem>>
    %dma_start3A_19 = arith.constant 0 : i32
    %dma_start3A_20 = arith.constant 0 : i32
    %dma_start3A_21 = tpu.memref_slice %arg2[%dma_start3A_19, %dma_start3A_20] : memref<20480x128xf32, #tpu.memory_space<hbm>> -> memref<20480x128xf32, #tpu.memory_space<hbm>>
    %dma_start3A_22 = arith.constant -1 : i32
    tpu.enqueue_indirect_dma source(%dma_start3A_21 : memref<20480x128xf32, #tpu.memory_space<hbm>>) target(%arg12 : memref<128x128xf32, #tpu.memory_space<vmem>>) offsets(%dma_start3A_18 : memref<128xi32, #tpu.memory_space<vmem>>) offset_filter(%dma_start3A_22) semaphore(%arg16 : memref<!tpu.dma_semaphore, #tpu.memory_space<semaphore_mem>>)
    %scan3A_23 = arith.constant 0 : i32
    %scan3A_24 = arith.constant 0 : i32
    %scan3A_25 = arith.constant 20 : i32
    %scan3A_26 = arith.addi %scan3A_24, %scan3A_25 : i32
    %scan3A_27 = arith.constant 1 : i32
    scf.for %scan3A_42 = %scan3A_24 to %scan3A_26 step %scan3A_27  : i32 {
      %mul3A_43 = arith.constant 2 : i32
      %mul3A_44 = arith.muli %mul3A_43, %scan3A_42 : i32
      %dma_wait3A = arith.constant 0 : i32
      %dma_wait3A_45 = tpu.memref_slice %arg10[%mul3A_44, %dma_wait3A] : memref<40x128xi32, #tpu.memory_space<vmem>> -> memref<1x128xi32, #tpu.memory_space<vmem>>
      %dma_wait3A_46 = tpu.memref_squeeze %dma_wait3A_45 : memref<1x128xi32, #tpu.memory_space<vmem>> -> memref<128xi32, #tpu.memory_space<vmem>>
      %dma_wait3A_47 = arith.constant 0 : i32
      %dma_wait3A_48 = arith.constant 0 : i32
      %dma_wait3A_49 = tpu.memref_slice %arg2[%dma_wait3A_47, %dma_wait3A_48] : memref<20480x128xf32, #tpu.memory_space<hbm>> -> memref<20480x128xf32, #tpu.memory_space<hbm>>
      tpu.wait_indirect_dma semaphore(%arg16 : memref<!tpu.dma_semaphore, #tpu.memory_space<semaphore_mem>>) src(%dma_wait3A_49 : memref<20480x128xf32, #tpu.memory_space<hbm>>) dst(%arg12 : memref<128x128xf32, #tpu.memory_space<vmem>>)
      %add3A_50 = arith.constant 1 : i32
      %add3A_51 = arith.addi %mul3A_44, %add3A_50 : i32
      %dma_start3A_52 = arith.constant 0 : i32
      %dma_start3A_53 = tpu.memref_slice %arg10[%add3A_51, %dma_start3A_52] : memref<40x128xi32, #tpu.memory_space<vmem>> -> memref<1x128xi32, #tpu.memory_space<vmem>>
      %dma_start3A_54 = tpu.memref_squeeze %dma_start3A_53 : memref<1x128xi32, #tpu.memory_space<vmem>> -> memref<128xi32, #tpu.memory_space<vmem>>
      %dma_start3A_55 = arith.constant 0 : i32
      %dma_start3A_56 = arith.constant 0 : i32
      %dma_start3A_57 = tpu.memref_slice %arg2[%dma_start3A_55, %dma_start3A_56] : memref<20480x128xf32, #tpu.memory_space<hbm>> -> memref<20480x128xf32, #tpu.memory_space<hbm>>
      %dma_start3A_58 = arith.constant -1 : i32
      tpu.enqueue_indirect_dma source(%dma_start3A_57 : memref<20480x128xf32, #tpu.memory_space<hbm>>) target(%arg13 : memref<128x128xf32, #tpu.memory_space<vmem>>) offsets(%dma_start3A_54 : memref<128xi32, #tpu.memory_space<vmem>>) offset_filter(%dma_start3A_58) semaphore(%arg17 : memref<!tpu.dma_semaphore, #tpu.memory_space<semaphore_mem>>)
      "tpu.region"() ({
        %run_scoped3A = tpu.sem_alloc : memref<!tpu.dma_semaphore, #tpu.memory_space<semaphore_mem>>
        %dma_start3A_74 = arith.constant 0 : i32
        %dma_start3A_75 = tpu.memref_slice %arg11[%mul3A_44, %dma_start3A_74] : memref<40x128xi32, #tpu.memory_space<vmem>> -> memref<1x128xi32, #tpu.memory_space<vmem>>
        %dma_start3A_76 = tpu.memref_squeeze %dma_start3A_75 : memref<1x128xi32, #tpu.memory_space<vmem>> -> memref<128xi32, #tpu.memory_space<vmem>>
        %dma_start3A_77 = arith.constant 0 : i32
        %dma_start3A_78 = arith.constant 0 : i32
        %dma_start3A_79 = tpu.memref_slice %arg18[%dma_start3A_77, %dma_start3A_78] : memref<10240x128xf32, #tpu.memory_space<vmem_shared>> -> memref<10240x128xf32, #tpu.memory_space<vmem_shared>>
        %dma_start3A_80 = arith.constant -1 : i32
        tpu.enqueue_indirect_dma source(%arg12 : memref<128x128xf32, #tpu.memory_space<vmem>>) target(%dma_start3A_79 : memref<10240x128xf32, #tpu.memory_space<vmem_shared>>) offsets(%dma_start3A_76 : memref<128xi32, #tpu.memory_space<vmem>>) offset_filter(%dma_start3A_80) semaphore(%run_scoped3A : memref<!tpu.dma_semaphore, #tpu.memory_space<semaphore_mem>>) {add = true}
        %dma_wait3A_81 = arith.constant 0 : i32
        %dma_wait3A_82 = tpu.memref_slice %arg11[%mul3A_44, %dma_wait3A_81] : memref<40x128xi32, #tpu.memory_space<vmem>> -> memref<1x128xi32, #tpu.memory_space<vmem>>
        %dma_wait3A_83 = tpu.memref_squeeze %dma_wait3A_82 : memref<1x128xi32, #tpu.memory_space<vmem>> -> memref<128xi32, #tpu.memory_space<vmem>>
        %dma_wait3A_84 = arith.constant 0 : i32
        %dma_wait3A_85 = arith.constant 0 : i32
        %dma_wait3A_86 = tpu.memref_slice %arg18[%dma_wait3A_84, %dma_wait3A_85] : memref<10240x128xf32, #tpu.memory_space<vmem_shared>> -> memref<10240x128xf32, #tpu.memory_space<vmem_shared>>
        tpu.wait_indirect_dma semaphore(%run_scoped3A : memref<!tpu.dma_semaphore, #tpu.memory_space<semaphore_mem>>) src(%arg12 : memref<128x128xf32, #tpu.memory_space<vmem>>) dst(%dma_wait3A_86 : memref<10240x128xf32, #tpu.memory_space<vmem_shared>>)
        tpu.yield
      }) : () -> ()
      %add3A_59 = arith.constant 1 : i32
      %add3A_60 = arith.addi %mul3A_44, %add3A_59 : i32
      %dma_wait3A_61 = arith.constant 0 : i32
      %dma_wait3A_62 = tpu.memref_slice %arg10[%add3A_60, %dma_wait3A_61] : memref<40x128xi32, #tpu.memory_space<vmem>> -> memref<1x128xi32, #tpu.memory_space<vmem>>
      %dma_wait3A_63 = tpu.memref_squeeze %dma_wait3A_62 : memref<1x128xi32, #tpu.memory_space<vmem>> -> memref<128xi32, #tpu.memory_space<vmem>>
      %dma_wait3A_64 = arith.constant 0 : i32
      %dma_wait3A_65 = arith.constant 0 : i32
      %dma_wait3A_66 = tpu.memref_slice %arg2[%dma_wait3A_64, %dma_wait3A_65] : memref<20480x128xf32, #tpu.memory_space<hbm>> -> memref<20480x128xf32, #tpu.memory_space<hbm>>
      tpu.wait_indirect_dma semaphore(%arg17 : memref<!tpu.dma_semaphore, #tpu.memory_space<semaphore_mem>>) src(%dma_wait3A_66 : memref<20480x128xf32, #tpu.memory_space<hbm>>) dst(%arg13 : memref<128x128xf32, #tpu.memory_space<vmem>>)
      %lt3A_67 = arith.constant 19 : i32
      %lt3A_68 = arith.cmpi slt, %scan3A_42, %lt3A_67 : i32
      %convert_element_type3A_69 = arith.extui %lt3A_68 : i1 to i32
      %cond3A_70 = arith.constant 0 : i32
      %cond3A_71 = arith.cmpi ne, %convert_element_type3A_69, %cond3A_70 : i32
      scf.if %cond3A_71 {
        %add3A_74 = arith.constant 2 : i32
        %add3A_75 = arith.addi %mul3A_44, %add3A_74 : i32
        %dma_start3A_76 = arith.constant 0 : i32
        %dma_start3A_77 = tpu.memref_slice %arg10[%add3A_75, %dma_start3A_76] : memref<40x128xi32, #tpu.memory_space<vmem>> -> memref<1x128xi32, #tpu.memory_space<vmem>>
        %dma_start3A_78 = tpu.memref_squeeze %dma_start3A_77 : memref<1x128xi32, #tpu.memory_space<vmem>> -> memref<128xi32, #tpu.memory_space<vmem>>
        %dma_start3A_79 = arith.constant 0 : i32
        %dma_start3A_80 = arith.constant 0 : i32
        %dma_start3A_81 = tpu.memref_slice %arg2[%dma_start3A_79, %dma_start3A_80] : memref<20480x128xf32, #tpu.memory_space<hbm>> -> memref<20480x128xf32, #tpu.memory_space<hbm>>
        %dma_start3A_82 = arith.constant -1 : i32
        tpu.enqueue_indirect_dma source(%dma_start3A_81 : memref<20480x128xf32, #tpu.memory_space<hbm>>) target(%arg12 : memref<128x128xf32, #tpu.memory_space<vmem>>) offsets(%dma_start3A_78 : memref<128xi32, #tpu.memory_space<vmem>>) offset_filter(%dma_start3A_82) semaphore(%arg16 : memref<!tpu.dma_semaphore, #tpu.memory_space<semaphore_mem>>)
      } else {
      }
      %add3A_72 = arith.constant 1 : i32
      %add3A_73 = arith.addi %mul3A_44, %add3A_72 : i32
      "tpu.region"() ({
        %run_scoped3A = tpu.sem_alloc : memref<!tpu.dma_semaphore, #tpu.memory_space<semaphore_mem>>
        %dma_start3A_74 = arith.constant 0 : i32
        %dma_start3A_75 = tpu.memref_slice %arg11[%add3A_73, %dma_start3A_74] : memref<40x128xi32, #tpu.memory_space<vmem>> -> memref<1x128xi32, #tpu.memory_space<vmem>>
        %dma_start3A_76 = tpu.memref_squeeze %dma_start3A_75 : memref<1x128xi32, #tpu.memory_space<vmem>> -> memref<128xi32, #tpu.memory_space<vmem>>
        %dma_start3A_77 = arith.constant 0 : i32
        %dma_start3A_78 = arith.constant 0 : i32
        %dma_start3A_79 = tpu.memref_slice %arg18[%dma_start3A_77, %dma_start3A_78] : memref<10240x128xf32, #tpu.memory_space<vmem_shared>> -> memref<10240x128xf32, #tpu.memory_space<vmem_shared>>
        %dma_start3A_80 = arith.constant -1 : i32
        tpu.enqueue_indirect_dma source(%arg13 : memref<128x128xf32, #tpu.memory_space<vmem>>) target(%dma_start3A_79 : memref<10240x128xf32, #tpu.memory_space<vmem_shared>>) offsets(%dma_start3A_76 : memref<128xi32, #tpu.memory_space<vmem>>) offset_filter(%dma_start3A_80) semaphore(%run_scoped3A : memref<!tpu.dma_semaphore, #tpu.memory_space<semaphore_mem>>) {add = true}
        %dma_wait3A_81 = arith.constant 0 : i32
        %dma_wait3A_82 = tpu.memref_slice %arg11[%add3A_73, %dma_wait3A_81] : memref<40x128xi32, #tpu.memory_space<vmem>> -> memref<1x128xi32, #tpu.memory_space<vmem>>
        %dma_wait3A_83 = tpu.memref_squeeze %dma_wait3A_82 : memref<1x128xi32, #tpu.memory_space<vmem>> -> memref<128xi32, #tpu.memory_space<vmem>>
        %dma_wait3A_84 = arith.constant 0 : i32
        %dma_wait3A_85 = arith.constant 0 : i32
        %dma_wait3A_86 = tpu.memref_slice %arg18[%dma_wait3A_84, %dma_wait3A_85] : memref<10240x128xf32, #tpu.memory_space<vmem_shared>> -> memref<10240x128xf32, #tpu.memory_space<vmem_shared>>
        tpu.wait_indirect_dma semaphore(%run_scoped3A : memref<!tpu.dma_semaphore, #tpu.memory_space<semaphore_mem>>) src(%arg13 : memref<128x128xf32, #tpu.memory_space<vmem>>) dst(%dma_wait3A_86 : memref<10240x128xf32, #tpu.memory_space<vmem_shared>>)
        tpu.yield
      }) : () -> ()
    }
    %scan3A_28 = arith.constant 20 : i32
    %barrier3A_29 = arith.constant 0 : index
    tpu.barrier barrier_id(%barrier3A_29)
    "tpu.region"() ({
      %run_scoped3A = tpu.sem_alloc : memref<!tpu.dma_semaphore, #tpu.memory_space<semaphore_mem>>
      %dma_start3A_42 = arith.constant 0 : i32
      %dma_start3A_43 = arith.constant 0 : i32
      %dma_start3A_44 = tpu.memref_slice %arg5[%arg1, %dma_start3A_42, %dma_start3A_43] : memref<16x6x96xi32, #tpu.memory_space<hbm>> -> memref<1x6x96xi32, #tpu.memory_space<hbm>>
      %dma_start3A_45 = tpu.memref_squeeze %dma_start3A_44 : memref<1x6x96xi32, #tpu.memory_space<hbm>> -> memref<6x96xi32, #tpu.memory_space<hbm>>
      %dma_start3A_46 = arith.constant 0 : i32
      %dma_start3A_47 = arith.constant 0 : i32
      %dma_start3A_48 = tpu.memref_slice %arg5[%arg1, %dma_start3A_46, %dma_start3A_47] : memref<16x6x96xi32, #tpu.memory_space<hbm>> -> memref<1x6x96xi32, #tpu.memory_space<hbm>>
      %dma_start3A_49 = tpu.memref_squeeze %dma_start3A_48 : memref<1x6x96xi32, #tpu.memory_space<hbm>> -> memref<6x96xi32, #tpu.memory_space<hbm>>
      tpu.enqueue_dma source(%dma_start3A_49 : memref<6x96xi32, #tpu.memory_space<hbm>>) target(%arg14 : memref<6x96xi32, #tpu.memory_space<vmem>>) target_semaphore(%run_scoped3A : memref<!tpu.dma_semaphore, #tpu.memory_space<semaphore_mem>>)
      %dma_wait3A = arith.constant 0 : i32
      %dma_wait3A_50 = arith.constant 0 : i32
      %dma_wait3A_51 = tpu.memref_slice %arg5[%arg1, %dma_wait3A, %dma_wait3A_50] : memref<16x6x96xi32, #tpu.memory_space<hbm>> -> memref<1x6x96xi32, #tpu.memory_space<hbm>>
      %dma_wait3A_52 = tpu.memref_squeeze %dma_wait3A_51 : memref<1x6x96xi32, #tpu.memory_space<hbm>> -> memref<6x96xi32, #tpu.memory_space<hbm>>
      %dma_wait3A_53 = arith.constant 0 : i32
      %dma_wait3A_54 = arith.constant 0 : i32
      %dma_wait3A_55 = tpu.memref_slice %arg5[%arg1, %dma_wait3A_53, %dma_wait3A_54] : memref<16x6x96xi32, #tpu.memory_space<hbm>> -> memref<1x6x96xi32, #tpu.memory_space<hbm>>
      %dma_wait3A_56 = tpu.memref_squeeze %dma_wait3A_55 : memref<1x6x96xi32, #tpu.memory_space<hbm>> -> memref<6x96xi32, #tpu.memory_space<hbm>>
      tpu.wait_dma2 semaphore(%run_scoped3A : memref<!tpu.dma_semaphore, #tpu.memory_space<semaphore_mem>>) src(%dma_wait3A_56 : memref<6x96xi32, #tpu.memory_space<hbm>>) dst(%arg14 : memref<6x96xi32, #tpu.memory_space<vmem>>)
      tpu.yield
    }) : () -> ()
    "tpu.region"() ({
      %run_scoped3A = tpu.sem_alloc : memref<!tpu.dma_semaphore, #tpu.memory_space<semaphore_mem>>
      %dma_start3A_42 = arith.constant 0 : i32
      %dma_start3A_43 = arith.constant 0 : i32
      %dma_start3A_44 = tpu.memref_slice %arg6[%add3A, %dma_start3A_42, %dma_start3A_43] : memref<32x3x96xi32, #tpu.memory_space<hbm>> -> memref<1x3x96xi32, #tpu.memory_space<hbm>>
      %dma_start3A_45 = tpu.memref_squeeze %dma_start3A_44 : memref<1x3x96xi32, #tpu.memory_space<hbm>> -> memref<3x96xi32, #tpu.memory_space<hbm>>
      %dma_start3A_46 = arith.constant 0 : i32
      %dma_start3A_47 = arith.constant 0 : i32
      %dma_start3A_48 = tpu.memref_slice %arg6[%add3A, %dma_start3A_46, %dma_start3A_47] : memref<32x3x96xi32, #tpu.memory_space<hbm>> -> memref<1x3x96xi32, #tpu.memory_space<hbm>>
      %dma_start3A_49 = tpu.memref_squeeze %dma_start3A_48 : memref<1x3x96xi32, #tpu.memory_space<hbm>> -> memref<3x96xi32, #tpu.memory_space<hbm>>
      tpu.enqueue_dma source(%dma_start3A_49 : memref<3x96xi32, #tpu.memory_space<hbm>>) target(%arg15 : memref<3x96xi32, #tpu.memory_space<vmem>>) target_semaphore(%run_scoped3A : memref<!tpu.dma_semaphore, #tpu.memory_space<semaphore_mem>>)
      %dma_wait3A = arith.constant 0 : i32
      %dma_wait3A_50 = arith.constant 0 : i32
      %dma_wait3A_51 = tpu.memref_slice %arg6[%add3A, %dma_wait3A, %dma_wait3A_50] : memref<32x3x96xi32, #tpu.memory_space<hbm>> -> memref<1x3x96xi32, #tpu.memory_space<hbm>>
      %dma_wait3A_52 = tpu.memref_squeeze %dma_wait3A_51 : memref<1x3x96xi32, #tpu.memory_space<hbm>> -> memref<3x96xi32, #tpu.memory_space<hbm>>
      %dma_wait3A_53 = arith.constant 0 : i32
      %dma_wait3A_54 = arith.constant 0 : i32
      %dma_wait3A_55 = tpu.memref_slice %arg6[%add3A, %dma_wait3A_53, %dma_wait3A_54] : memref<32x3x96xi32, #tpu.memory_space<hbm>> -> memref<1x3x96xi32, #tpu.memory_space<hbm>>
      %dma_wait3A_56 = tpu.memref_squeeze %dma_wait3A_55 : memref<1x3x96xi32, #tpu.memory_space<hbm>> -> memref<3x96xi32, #tpu.memory_space<hbm>>
      tpu.wait_dma2 semaphore(%run_scoped3A : memref<!tpu.dma_semaphore, #tpu.memory_space<semaphore_mem>>) src(%dma_wait3A_56 : memref<3x96xi32, #tpu.memory_space<hbm>>) dst(%arg15 : memref<3x96xi32, #tpu.memory_space<vmem>>)
      tpu.yield
    }) : () -> ()
    %scan3A_30 = arith.constant 0 : i32
    %scan3A_31 = arith.constant 0 : i32
    %scan3A_32 = arith.constant 6 : i32
    %scan3A_33 = arith.addi %scan3A_31, %scan3A_32 : i32
    %scan3A_34 = arith.constant 1 : i32
    scf.for %scan3A_42 = %scan3A_31 to %scan3A_33 step %scan3A_34  : i32 {
      %dma_start3A_43 = arith.constant 0 : i32
      %dma_start3A_44 = arith.constant 0 : i32
      %dma_start3A_45 = tpu.memref_slice %arg12[%dma_start3A_43, %dma_start3A_44] : memref<128x128xf32, #tpu.memory_space<vmem>> -> memref<96x128xf32, #tpu.memory_space<vmem>>
      %dma_start3A_46 = arith.constant 0 : i32
      %dma_start3A_47 = tpu.memref_slice %arg14[%scan3A_42, %dma_start3A_46] : memref<6x96xi32, #tpu.memory_space<vmem>> -> memref<1x96xi32, #tpu.memory_space<vmem>>
      %dma_start3A_48 = tpu.memref_squeeze %dma_start3A_47 : memref<1x96xi32, #tpu.memory_space<vmem>> -> memref<96xi32, #tpu.memory_space<vmem>>
      %dma_start3A_49 = arith.constant 0 : i32
      %dma_start3A_50 = arith.constant 0 : i32
      %dma_start3A_51 = tpu.memref_slice %arg18[%dma_start3A_49, %dma_start3A_50] : memref<10240x128xf32, #tpu.memory_space<vmem_shared>> -> memref<10240x128xf32, #tpu.memory_space<vmem_shared>>
      tpu.enqueue_indirect_dma source(%dma_start3A_51 : memref<10240x128xf32, #tpu.memory_space<vmem_shared>>) target(%dma_start3A_45 : memref<96x128xf32, #tpu.memory_space<vmem>>) offsets(%dma_start3A_48 : memref<96xi32, #tpu.memory_space<vmem>>) semaphore(%arg16 : memref<!tpu.dma_semaphore, #tpu.memory_space<semaphore_mem>>)
      %dma_wait3A = arith.constant 0 : i32
      %dma_wait3A_52 = arith.constant 0 : i32
      %dma_wait3A_53 = tpu.memref_slice %arg12[%dma_wait3A, %dma_wait3A_52] : memref<128x128xf32, #tpu.memory_space<vmem>> -> memref<96x128xf32, #tpu.memory_space<vmem>>
      %dma_wait3A_54 = arith.constant 0 : i32
      %dma_wait3A_55 = tpu.memref_slice %arg14[%scan3A_42, %dma_wait3A_54] : memref<6x96xi32, #tpu.memory_space<vmem>> -> memref<1x96xi32, #tpu.memory_space<vmem>>
      %dma_wait3A_56 = tpu.memref_squeeze %dma_wait3A_55 : memref<1x96xi32, #tpu.memory_space<vmem>> -> memref<96xi32, #tpu.memory_space<vmem>>
      %dma_wait3A_57 = arith.constant 0 : i32
      %dma_wait3A_58 = arith.constant 0 : i32
      %dma_wait3A_59 = tpu.memref_slice %arg18[%dma_wait3A_57, %dma_wait3A_58] : memref<10240x128xf32, #tpu.memory_space<vmem_shared>> -> memref<10240x128xf32, #tpu.memory_space<vmem_shared>>
      tpu.wait_indirect_dma semaphore(%arg16 : memref<!tpu.dma_semaphore, #tpu.memory_space<semaphore_mem>>) src(%dma_wait3A_59 : memref<10240x128xf32, #tpu.memory_space<vmem_shared>>) dst(%dma_wait3A_53 : memref<96x128xf32, #tpu.memory_space<vmem>>)
      %mul3A_60 = arith.constant 9216 : i32
      %mul3A_61 = arith.muli %arg0, %mul3A_60 : i32
      %jit3A = arith.constant 3 : i32
      %div3A = arith.divsi %scan3A_42, %jit3A : i32
      %sign3A = arith.constant 0 : i32
      %sign3A_62 = arith.cmpi sgt, %scan3A_42, %sign3A : i32
      %sign3A_63 = arith.extui %sign3A_62 : i1 to i32
      %sign3A_64 = arith.constant 0 : i32
      %sign3A_65 = arith.cmpi slt, %scan3A_42, %sign3A_64 : i32
      %sign3A_66 = arith.extui %sign3A_65 : i1 to i32
      %sign3A_67 = arith.subi %sign3A_63, %sign3A_66 : i32
      %sign3A_68 = arith.constant 0 : i32
      %sign3A_69 = arith.cmpi sgt, %jit3A, %sign3A_68 : i32
      %sign3A_70 = arith.extui %sign3A_69 : i1 to i32
      %sign3A_71 = arith.constant 0 : i32
      %sign3A_72 = arith.cmpi slt, %jit3A, %sign3A_71 : i32
      %sign3A_73 = arith.extui %sign3A_72 : i1 to i32
      %sign3A_74 = arith.subi %sign3A_70, %sign3A_73 : i32
      %ne3A = arith.cmpi ne, %sign3A_67, %sign3A_74 : i32
      %rem3A = arith.remsi %scan3A_42, %jit3A : i32
      %ne3A_75 = arith.constant 0 : i32
      %ne3A_76 = arith.cmpi ne, %rem3A, %ne3A_75 : i32
      %and3A = arith.andi %ne3A, %ne3A_76 : i1
      %sub3A = arith.constant 1 : i32
      %sub3A_77 = arith.subi %div3A, %sub3A : i32
      %select_n3A = arith.select %and3A, %sub3A_77, %div3A : i32
      %mul3A_78 = arith.constant 4608 : i32
      %mul3A_79 = arith.muli %select_n3A, %mul3A_78 : i32
      %add3A_80 = arith.addi %mul3A_61, %mul3A_79 : i32
      %mul3A_81 = arith.constant 288 : i32
      %mul3A_82 = arith.muli %arg1, %mul3A_81 : i32
      %add3A_83 = arith.addi %add3A_80, %mul3A_82 : i32
      %jit3A_84 = arith.constant 3 : i32
      %eq3A = arith.constant 0 : i32
      %eq3A_85 = arith.cmpi eq, %jit3A_84, %eq3A : i32
      %jit3A_86 = arith.constant 1 : i32
      %select_n3A_87 = arith.select %eq3A_85, %jit3A_86, %jit3A_84 : i32
      %rem3A_88 = arith.remsi %scan3A_42, %select_n3A_87 : i32
      %ne3A_89 = arith.constant 0 : i32
      %ne3A_90 = arith.cmpi ne, %rem3A_88, %ne3A_89 : i32
      %lt3A_91 = arith.constant 0 : i32
      %lt3A_92 = arith.cmpi slt, %rem3A_88, %lt3A_91 : i32
      %lt3A_93 = arith.constant 0 : i32
      %lt3A_94 = arith.cmpi slt, %select_n3A_87, %lt3A_93 : i32
      %ne3A_95 = arith.xori %lt3A_92, %lt3A_94 : i1
      %and3A_96 = arith.andi %ne3A_95, %ne3A_90 : i1
      %add3A_97 = arith.addi %rem3A_88, %select_n3A_87 : i32
      %select_n3A_98 = arith.select %and3A_96, %add3A_97, %rem3A_88 : i32
      %mul3A_99 = arith.constant 96 : i32
      %mul3A_100 = arith.muli %select_n3A_98, %mul3A_99 : i32
      %add3A_101 = arith.addi %add3A_83, %mul3A_100 : i32
      "tpu.region"() ({
        %run_scoped3A = tpu.sem_alloc : memref<!tpu.dma_semaphore, #tpu.memory_space<semaphore_mem>>
        %dma_start3A_102 = arith.constant 0 : i32
        %dma_start3A_103 = arith.constant 0 : i32
        %dma_start3A_104 = tpu.memref_slice %arg12[%dma_start3A_102, %dma_start3A_103] : memref<128x128xf32, #tpu.memory_space<vmem>> -> memref<96x128xf32, #tpu.memory_space<vmem>>
        %dma_start3A_105 = arith.constant 0 : i32
        %dma_start3A_106 = tpu.memref_slice %arg8[%add3A_101, %dma_start3A_105] : memref<18432x128xf32, #tpu.memory_space<hbm>> -> memref<96x128xf32, #tpu.memory_space<hbm>>
        %dma_start3A_107 = arith.constant 0 : i32
        %dma_start3A_108 = tpu.memref_slice %arg8[%add3A_101, %dma_start3A_107] : memref<18432x128xf32, #tpu.memory_space<hbm>> -> memref<96x128xf32, #tpu.memory_space<hbm>>
        %dma_start3A_109 = arith.constant 0 : i32
        %dma_start3A_110 = arith.constant 0 : i32
        %dma_start3A_111 = tpu.memref_slice %arg12[%dma_start3A_109, %dma_start3A_110] : memref<128x128xf32, #tpu.memory_space<vmem>> -> memref<96x128xf32, #tpu.memory_space<vmem>>
        tpu.enqueue_dma source(%dma_start3A_111 : memref<96x128xf32, #tpu.memory_space<vmem>>) target(%dma_start3A_108 : memref<96x128xf32, #tpu.memory_space<hbm>>) target_semaphore(%run_scoped3A : memref<!tpu.dma_semaphore, #tpu.memory_space<semaphore_mem>>)
        %dma_wait3A_112 = arith.constant 0 : i32
        %dma_wait3A_113 = arith.constant 0 : i32
        %dma_wait3A_114 = tpu.memref_slice %arg12[%dma_wait3A_112, %dma_wait3A_113] : memref<128x128xf32, #tpu.memory_space<vmem>> -> memref<96x128xf32, #tpu.memory_space<vmem>>
        %dma_wait3A_115 = arith.constant 0 : i32
        %dma_wait3A_116 = tpu.memref_slice %arg8[%add3A_101, %dma_wait3A_115] : memref<18432x128xf32, #tpu.memory_space<hbm>> -> memref<96x128xf32, #tpu.memory_space<hbm>>
        %dma_wait3A_117 = arith.constant 0 : i32
        %dma_wait3A_118 = tpu.memref_slice %arg8[%add3A_101, %dma_wait3A_117] : memref<18432x128xf32, #tpu.memory_space<hbm>> -> memref<96x128xf32, #tpu.memory_space<hbm>>
        %dma_wait3A_119 = arith.constant 0 : i32
        %dma_wait3A_120 = arith.constant 0 : i32
        %dma_wait3A_121 = tpu.memref_slice %arg12[%dma_wait3A_119, %dma_wait3A_120] : memref<128x128xf32, #tpu.memory_space<vmem>> -> memref<96x128xf32, #tpu.memory_space<vmem>>
        tpu.wait_dma2 semaphore(%run_scoped3A : memref<!tpu.dma_semaphore, #tpu.memory_space<semaphore_mem>>) src(%dma_wait3A_121 : memref<96x128xf32, #tpu.memory_space<vmem>>) dst(%dma_wait3A_118 : memref<96x128xf32, #tpu.memory_space<hbm>>)
        tpu.yield
      }) : () -> ()
    }
    %scan3A_35 = arith.constant 6 : i32
    %scan3A_36 = arith.constant 0 : i32
    %scan3A_37 = arith.constant 0 : i32
    %scan3A_38 = arith.constant 3 : i32
    %scan3A_39 = arith.addi %scan3A_37, %scan3A_38 : i32
    %scan3A_40 = arith.constant 1 : i32
    scf.for %scan3A_42 = %scan3A_37 to %scan3A_39 step %scan3A_40  : i32 {
      %dma_start3A_43 = arith.constant 0 : i32
      %dma_start3A_44 = arith.constant 0 : i32
      %dma_start3A_45 = tpu.memref_slice %arg13[%dma_start3A_43, %dma_start3A_44] : memref<128x128xf32, #tpu.memory_space<vmem>> -> memref<96x128xf32, #tpu.memory_space<vmem>>
      %dma_start3A_46 = arith.constant 0 : i32
      %dma_start3A_47 = tpu.memref_slice %arg15[%scan3A_42, %dma_start3A_46] : memref<3x96xi32, #tpu.memory_space<vmem>> -> memref<1x96xi32, #tpu.memory_space<vmem>>
      %dma_start3A_48 = tpu.memref_squeeze %dma_start3A_47 : memref<1x96xi32, #tpu.memory_space<vmem>> -> memref<96xi32, #tpu.memory_space<vmem>>
      %dma_start3A_49 = arith.constant 0 : i32
      %dma_start3A_50 = arith.constant 0 : i32
      %dma_start3A_51 = tpu.memref_slice %arg7[%dma_start3A_49, %dma_start3A_50] : memref<10000x128xf32, #tpu.memory_space<hbm>> -> memref<10000x128xf32, #tpu.memory_space<hbm>>
      tpu.enqueue_indirect_dma source(%dma_start3A_51 : memref<10000x128xf32, #tpu.memory_space<hbm>>) target(%dma_start3A_45 : memref<96x128xf32, #tpu.memory_space<vmem>>) offsets(%dma_start3A_48 : memref<96xi32, #tpu.memory_space<vmem>>) semaphore(%arg17 : memref<!tpu.dma_semaphore, #tpu.memory_space<semaphore_mem>>)
      %dma_wait3A = arith.constant 0 : i32
      %dma_wait3A_52 = arith.constant 0 : i32
      %dma_wait3A_53 = tpu.memref_slice %arg13[%dma_wait3A, %dma_wait3A_52] : memref<128x128xf32, #tpu.memory_space<vmem>> -> memref<96x128xf32, #tpu.memory_space<vmem>>
      %dma_wait3A_54 = arith.constant 0 : i32
      %dma_wait3A_55 = tpu.memref_slice %arg15[%scan3A_42, %dma_wait3A_54] : memref<3x96xi32, #tpu.memory_space<vmem>> -> memref<1x96xi32, #tpu.memory_space<vmem>>
      %dma_wait3A_56 = tpu.memref_squeeze %dma_wait3A_55 : memref<1x96xi32, #tpu.memory_space<vmem>> -> memref<96xi32, #tpu.memory_space<vmem>>
      %dma_wait3A_57 = arith.constant 0 : i32
      %dma_wait3A_58 = arith.constant 0 : i32
      %dma_wait3A_59 = tpu.memref_slice %arg7[%dma_wait3A_57, %dma_wait3A_58] : memref<10000x128xf32, #tpu.memory_space<hbm>> -> memref<10000x128xf32, #tpu.memory_space<hbm>>
      tpu.wait_indirect_dma semaphore(%arg17 : memref<!tpu.dma_semaphore, #tpu.memory_space<semaphore_mem>>) src(%dma_wait3A_59 : memref<10000x128xf32, #tpu.memory_space<hbm>>) dst(%dma_wait3A_53 : memref<96x128xf32, #tpu.memory_space<vmem>>)
      %mul3A_60 = arith.constant 288 : i32
      %mul3A_61 = arith.muli %add3A, %mul3A_60 : i32
      %mul3A_62 = arith.constant 96 : i32
      %mul3A_63 = arith.muli %scan3A_42, %mul3A_62 : i32
      %add3A_64 = arith.addi %mul3A_61, %mul3A_63 : i32
      "tpu.region"() ({
        %run_scoped3A = tpu.sem_alloc : memref<!tpu.dma_semaphore, #tpu.memory_space<semaphore_mem>>
        %dma_start3A_65 = arith.constant 0 : i32
        %dma_start3A_66 = arith.constant 0 : i32
        %dma_start3A_67 = tpu.memref_slice %arg13[%dma_start3A_65, %dma_start3A_66] : memref<128x128xf32, #tpu.memory_space<vmem>> -> memref<96x128xf32, #tpu.memory_space<vmem>>
        %dma_start3A_68 = arith.constant 0 : i32
        %dma_start3A_69 = tpu.memref_slice %arg9[%add3A_64, %dma_start3A_68] : memref<9216x128xf32, #tpu.memory_space<hbm>> -> memref<96x128xf32, #tpu.memory_space<hbm>>
        %dma_start3A_70 = arith.constant 0 : i32
        %dma_start3A_71 = tpu.memref_slice %arg9[%add3A_64, %dma_start3A_70] : memref<9216x128xf32, #tpu.memory_space<hbm>> -> memref<96x128xf32, #tpu.memory_space<hbm>>
        %dma_start3A_72 = arith.constant 0 : i32
        %dma_start3A_73 = arith.constant 0 : i32
        %dma_start3A_74 = tpu.memref_slice %arg13[%dma_start3A_72, %dma_start3A_73] : memref<128x128xf32, #tpu.memory_space<vmem>> -> memref<96x128xf32, #tpu.memory_space<vmem>>
        tpu.enqueue_dma source(%dma_start3A_74 : memref<96x128xf32, #tpu.memory_space<vmem>>) target(%dma_start3A_71 : memref<96x128xf32, #tpu.memory_space<hbm>>) target_semaphore(%run_scoped3A : memref<!tpu.dma_semaphore, #tpu.memory_space<semaphore_mem>>)
        %dma_wait3A_75 = arith.constant 0 : i32
        %dma_wait3A_76 = arith.constant 0 : i32
        %dma_wait3A_77 = tpu.memref_slice %arg13[%dma_wait3A_75, %dma_wait3A_76] : memref<128x128xf32, #tpu.memory_space<vmem>> -> memref<96x128xf32, #tpu.memory_space<vmem>>
        %dma_wait3A_78 = arith.constant 0 : i32
        %dma_wait3A_79 = tpu.memref_slice %arg9[%add3A_64, %dma_wait3A_78] : memref<9216x128xf32, #tpu.memory_space<hbm>> -> memref<96x128xf32, #tpu.memory_space<hbm>>
        %dma_wait3A_80 = arith.constant 0 : i32
        %dma_wait3A_81 = tpu.memref_slice %arg9[%add3A_64, %dma_wait3A_80] : memref<9216x128xf32, #tpu.memory_space<hbm>> -> memref<96x128xf32, #tpu.memory_space<hbm>>
        %dma_wait3A_82 = arith.constant 0 : i32
        %dma_wait3A_83 = arith.constant 0 : i32
        %dma_wait3A_84 = tpu.memref_slice %arg13[%dma_wait3A_82, %dma_wait3A_83] : memref<128x128xf32, #tpu.memory_space<vmem>> -> memref<96x128xf32, #tpu.memory_space<vmem>>
        tpu.wait_dma2 semaphore(%run_scoped3A : memref<!tpu.dma_semaphore, #tpu.memory_space<semaphore_mem>>) src(%dma_wait3A_84 : memref<96x128xf32, #tpu.memory_space<vmem>>) dst(%dma_wait3A_81 : memref<96x128xf32, #tpu.memory_space<hbm>>)
        tpu.yield
      }) : () -> ()
    }
    %scan3A_41 = arith.constant 3 : i32
    return
  }
}

#map = affine_map<(d0, d1) -> (0, 0, 0)>
#map1 = affine_map<(d0, d1) -> (0, 0)>
module attributes {stable_mosaic.version = 14 : i64} {
  func.func @_deg_body(%arg0: i32, %arg1: i32, %arg2: memref<32x40x128xi32, #tpu.memory_space<hbm>>, %arg3: memref<128x128xf32, #tpu.memory_space<hbm>>, %arg4: memref<640x128xf32, #tpu.memory_space<hbm>>, %arg5: memref<2x10240x128xf32, #tpu.memory_space<hbm>>, %arg6: memref<40x128xi32, #tpu.memory_space<vmem>>, %arg7: memref<128x128xf32, #tpu.memory_space<vmem>>, %arg8: memref<10240x128xf32, #tpu.memory_space<vmem_shared>>, %arg9: memref<!tpu.dma_semaphore, #tpu.memory_space<semaphore_mem>>) attributes {dimension_semantics = [#tpu.dimension_semantics<core_parallel>, #tpu.dimension_semantics<subcore_parallel>], iteration_bounds = array<i64: 2, 16>, scalar_prefetch = 0 : i64, scratch_operands = 4 : i64, tpu.core_type = #tpu.core_type<sc_vector_subcore>, window_params = [{transform_indices = #map}, {transform_indices = #map1}, {transform_indices = #map1}, {transform_indices = #map}]} {
    %mul3A = arith.constant 16 : i32
    %mul3A_0 = arith.muli %arg0, %mul3A : i32
    %add3A = arith.addi %mul3A_0, %arg1 : i32
    %mul3A_1 = arith.constant 640 : i32
    %mul3A_2 = arith.muli %arg1, %mul3A_1 : i32
    "tpu.region"() ({
      %run_scoped3A = tpu.sem_alloc : memref<!tpu.dma_semaphore, #tpu.memory_space<semaphore_mem>>
      %dma_start3A = arith.constant 0 : i32
      %dma_start3A_19 = tpu.memref_slice %arg8[%mul3A_2, %dma_start3A] : memref<10240x128xf32, #tpu.memory_space<vmem_shared>> -> memref<640x128xf32, #tpu.memory_space<vmem_shared>>
      tpu.enqueue_dma source(%arg4 : memref<640x128xf32, #tpu.memory_space<hbm>>) target(%dma_start3A_19 : memref<640x128xf32, #tpu.memory_space<vmem_shared>>) target_semaphore(%run_scoped3A : memref<!tpu.dma_semaphore, #tpu.memory_space<semaphore_mem>>)
      %dma_wait3A = arith.constant 0 : i32
      %dma_wait3A_20 = tpu.memref_slice %arg8[%mul3A_2, %dma_wait3A] : memref<10240x128xf32, #tpu.memory_space<vmem_shared>> -> memref<640x128xf32, #tpu.memory_space<vmem_shared>>
      tpu.wait_dma2 semaphore(%run_scoped3A : memref<!tpu.dma_semaphore, #tpu.memory_space<semaphore_mem>>) src(%arg4 : memref<640x128xf32, #tpu.memory_space<hbm>>) dst(%dma_wait3A_20 : memref<640x128xf32, #tpu.memory_space<vmem_shared>>)
      tpu.yield
    }) : () -> ()
    "tpu.region"() ({
      %run_scoped3A = tpu.sem_alloc : memref<!tpu.dma_semaphore, #tpu.memory_space<semaphore_mem>>
      tpu.enqueue_dma source(%arg3 : memref<128x128xf32, #tpu.memory_space<hbm>>) target(%arg7 : memref<128x128xf32, #tpu.memory_space<vmem>>) target_semaphore(%run_scoped3A : memref<!tpu.dma_semaphore, #tpu.memory_space<semaphore_mem>>)
      tpu.wait_dma2 semaphore(%run_scoped3A : memref<!tpu.dma_semaphore, #tpu.memory_space<semaphore_mem>>) src(%arg3 : memref<128x128xf32, #tpu.memory_space<hbm>>) dst(%arg7 : memref<128x128xf32, #tpu.memory_space<vmem>>)
      tpu.yield
    }) : () -> ()
    "tpu.region"() ({
      %run_scoped3A = tpu.sem_alloc : memref<!tpu.dma_semaphore, #tpu.memory_space<semaphore_mem>>
      %dma_start3A = arith.constant 0 : i32
      %dma_start3A_19 = arith.constant 0 : i32
      %dma_start3A_20 = tpu.memref_slice %arg2[%add3A, %dma_start3A, %dma_start3A_19] : memref<32x40x128xi32, #tpu.memory_space<hbm>> -> memref<1x40x128xi32, #tpu.memory_space<hbm>>
      %dma_start3A_21 = tpu.memref_squeeze %dma_start3A_20 : memref<1x40x128xi32, #tpu.memory_space<hbm>> -> memref<40x128xi32, #tpu.memory_space<hbm>>
      %dma_start3A_22 = arith.constant 0 : i32
      %dma_start3A_23 = arith.constant 0 : i32
      %dma_start3A_24 = tpu.memref_slice %arg2[%add3A, %dma_start3A_22, %dma_start3A_23] : memref<32x40x128xi32, #tpu.memory_space<hbm>> -> memref<1x40x128xi32, #tpu.memory_space<hbm>>
      %dma_start3A_25 = tpu.memref_squeeze %dma_start3A_24 : memref<1x40x128xi32, #tpu.memory_space<hbm>> -> memref<40x128xi32, #tpu.memory_space<hbm>>
      tpu.enqueue_dma source(%dma_start3A_25 : memref<40x128xi32, #tpu.memory_space<hbm>>) target(%arg6 : memref<40x128xi32, #tpu.memory_space<vmem>>) target_semaphore(%run_scoped3A : memref<!tpu.dma_semaphore, #tpu.memory_space<semaphore_mem>>)
      %dma_wait3A = arith.constant 0 : i32
      %dma_wait3A_26 = arith.constant 0 : i32
      %dma_wait3A_27 = tpu.memref_slice %arg2[%add3A, %dma_wait3A, %dma_wait3A_26] : memref<32x40x128xi32, #tpu.memory_space<hbm>> -> memref<1x40x128xi32, #tpu.memory_space<hbm>>
      %dma_wait3A_28 = tpu.memref_squeeze %dma_wait3A_27 : memref<1x40x128xi32, #tpu.memory_space<hbm>> -> memref<40x128xi32, #tpu.memory_space<hbm>>
      %dma_wait3A_29 = arith.constant 0 : i32
      %dma_wait3A_30 = arith.constant 0 : i32
      %dma_wait3A_31 = tpu.memref_slice %arg2[%add3A, %dma_wait3A_29, %dma_wait3A_30] : memref<32x40x128xi32, #tpu.memory_space<hbm>> -> memref<1x40x128xi32, #tpu.memory_space<hbm>>
      %dma_wait3A_32 = tpu.memref_squeeze %dma_wait3A_31 : memref<1x40x128xi32, #tpu.memory_space<hbm>> -> memref<40x128xi32, #tpu.memory_space<hbm>>
      tpu.wait_dma2 semaphore(%run_scoped3A : memref<!tpu.dma_semaphore, #tpu.memory_space<semaphore_mem>>) src(%dma_wait3A_32 : memref<40x128xi32, #tpu.memory_space<hbm>>) dst(%arg6 : memref<40x128xi32, #tpu.memory_space<vmem>>)
      tpu.yield
    }) : () -> ()
    %barrier3A = arith.constant 0 : index
    tpu.barrier barrier_id(%barrier3A)
    %scan3A = arith.constant 0 : i32
    %scan3A_3 = arith.constant 0 : i32
    %scan3A_4 = arith.constant 40 : i32
    %scan3A_5 = arith.addi %scan3A_3, %scan3A_4 : i32
    %scan3A_6 = arith.constant 1 : i32
    scf.for %scan3A_19 = %scan3A_3 to %scan3A_5 step %scan3A_6  : i32 {
      %dma_start3A = arith.constant 0 : i32
      %dma_start3A_20 = tpu.memref_slice %arg6[%scan3A_19, %dma_start3A] : memref<40x128xi32, #tpu.memory_space<vmem>> -> memref<1x128xi32, #tpu.memory_space<vmem>>
      %dma_start3A_21 = tpu.memref_squeeze %dma_start3A_20 : memref<1x128xi32, #tpu.memory_space<vmem>> -> memref<128xi32, #tpu.memory_space<vmem>>
      %dma_start3A_22 = arith.constant 0 : i32
      %dma_start3A_23 = arith.constant 0 : i32
      %dma_start3A_24 = tpu.memref_slice %arg8[%dma_start3A_22, %dma_start3A_23] : memref<10240x128xf32, #tpu.memory_space<vmem_shared>> -> memref<10240x128xf32, #tpu.memory_space<vmem_shared>>
      tpu.enqueue_indirect_dma source(%arg7 : memref<128x128xf32, #tpu.memory_space<vmem>>) target(%dma_start3A_24 : memref<10240x128xf32, #tpu.memory_space<vmem_shared>>) offsets(%dma_start3A_21 : memref<128xi32, #tpu.memory_space<vmem>>) semaphore(%arg9 : memref<!tpu.dma_semaphore, #tpu.memory_space<semaphore_mem>>) {add = true}
    }
    %scan3A_7 = arith.constant 40 : i32
    %scan3A_8 = arith.constant 0 : i32
    %scan3A_9 = arith.constant 0 : i32
    %scan3A_10 = arith.constant 40 : i32
    %scan3A_11 = arith.addi %scan3A_9, %scan3A_10 : i32
    %scan3A_12 = arith.constant 1 : i32
    scf.for %scan3A_19 = %scan3A_9 to %scan3A_11 step %scan3A_12  : i32 {
      %dma_wait3A = arith.constant 0 : i32
      %dma_wait3A_20 = tpu.memref_slice %arg6[%scan3A_19, %dma_wait3A] : memref<40x128xi32, #tpu.memory_space<vmem>> -> memref<1x128xi32, #tpu.memory_space<vmem>>
      %dma_wait3A_21 = tpu.memref_squeeze %dma_wait3A_20 : memref<1x128xi32, #tpu.memory_space<vmem>> -> memref<128xi32, #tpu.memory_space<vmem>>
      %dma_wait3A_22 = arith.constant 0 : i32
      %dma_wait3A_23 = arith.constant 0 : i32
      %dma_wait3A_24 = tpu.memref_slice %arg8[%dma_wait3A_22, %dma_wait3A_23] : memref<10240x128xf32, #tpu.memory_space<vmem_shared>> -> memref<10240x128xf32, #tpu.memory_space<vmem_shared>>
      tpu.wait_indirect_dma semaphore(%arg9 : memref<!tpu.dma_semaphore, #tpu.memory_space<semaphore_mem>>) src(%arg7 : memref<128x128xf32, #tpu.memory_space<vmem>>) dst(%dma_wait3A_24 : memref<10240x128xf32, #tpu.memory_space<vmem_shared>>)
    }
    %scan3A_13 = arith.constant 40 : i32
    %barrier3A_14 = arith.constant 0 : index
    tpu.barrier barrier_id(%barrier3A_14)
    %mul3A_15 = arith.constant 640 : i32
    %mul3A_16 = arith.muli %arg1, %mul3A_15 : i32
    %mul3A_17 = arith.constant 640 : i32
    %mul3A_18 = arith.muli %arg1, %mul3A_17 : i32
    "tpu.region"() ({
      %run_scoped3A = tpu.sem_alloc : memref<!tpu.dma_semaphore, #tpu.memory_space<semaphore_mem>>
      %dma_start3A = arith.constant 0 : i32
      %dma_start3A_19 = tpu.memref_slice %arg5[%arg0, %mul3A_18, %dma_start3A] : memref<2x10240x128xf32, #tpu.memory_space<hbm>> -> memref<1x640x128xf32, #tpu.memory_space<hbm>>
      %dma_start3A_20 = tpu.memref_squeeze %dma_start3A_19 : memref<1x640x128xf32, #tpu.memory_space<hbm>> -> memref<640x128xf32, #tpu.memory_space<hbm>>
      %dma_start3A_21 = arith.constant 0 : i32
      %dma_start3A_22 = tpu.memref_slice %arg8[%mul3A_16, %dma_start3A_21] : memref<10240x128xf32, #tpu.memory_space<vmem_shared>> -> memref<640x128xf32, #tpu.memory_space<vmem_shared>>
      tpu.enqueue_dma source(%dma_start3A_22 : memref<640x128xf32, #tpu.memory_space<vmem_shared>>) target(%dma_start3A_20 : memref<640x128xf32, #tpu.memory_space<hbm>>) target_semaphore(%run_scoped3A : memref<!tpu.dma_semaphore, #tpu.memory_space<semaphore_mem>>)
      %dma_wait3A = arith.constant 0 : i32
      %dma_wait3A_23 = tpu.memref_slice %arg5[%arg0, %mul3A_18, %dma_wait3A] : memref<2x10240x128xf32, #tpu.memory_space<hbm>> -> memref<1x640x128xf32, #tpu.memory_space<hbm>>
      %dma_wait3A_24 = tpu.memref_squeeze %dma_wait3A_23 : memref<1x640x128xf32, #tpu.memory_space<hbm>> -> memref<640x128xf32, #tpu.memory_space<hbm>>
      %dma_wait3A_25 = arith.constant 0 : i32
      %dma_wait3A_26 = tpu.memref_slice %arg8[%mul3A_16, %dma_wait3A_25] : memref<10240x128xf32, #tpu.memory_space<vmem_shared>> -> memref<640x128xf32, #tpu.memory_space<vmem_shared>>
      tpu.wait_dma2 semaphore(%run_scoped3A : memref<!tpu.dma_semaphore, #tpu.memory_space<semaphore_mem>>) src(%dma_wait3A_26 : memref<640x128xf32, #tpu.memory_space<vmem_shared>>) dst(%dma_wait3A_24 : memref<640x128xf32, #tpu.memory_space<hbm>>)
      tpu.yield
    }) : () -> ()
    return
  }
}

module attributes {stable_mosaic.version = 14 : i64} {
  func.func @_mm1a_body(%arg0: i32, %arg1: i32, %arg2: memref<1000x256xf32, #tpu.memory_space<vmem>>, %arg3: memref<256x128xf32, #tpu.memory_space<vmem>>, %arg4: memref<1x128xf32, #tpu.memory_space<vmem>>, %arg5: memref<1x1000x128xf32, #tpu.memory_space<vmem>>) attributes {dimension_semantics = [#tpu.dimension_semantics<arbitrary>, #tpu.dimension_semantics<arbitrary>], iteration_bounds = array<i64: 10, 2>, scalar_prefetch = 0 : i64, scratch_operands = 0 : i64, tpu.core_type = #tpu.core_type<tc>, window_params = [{transform_indices = @transform_0, window_bounds = array<i64: 1000, 256>}, {transform_indices = @transform_1, window_bounds = array<i64: 256, 128>}, {transform_indices = @transform_2, window_bounds = array<i64: 1, 128>}, {transform_indices = @transform_3, window_bounds = array<i64: 1, 1000, 128>}]} {
    %get3A = arith.constant 0 : index
    %get3A_0 = arith.constant 0 : index
    %get3A_1 = vector.load %arg2[%get3A, %get3A_0] : memref<1000x256xf32, #tpu.memory_space<vmem>>, vector<1000x256xf32>
    %get3A_2 = arith.constant 0 : index
    %get3A_3 = arith.constant 0 : index
    %get3A_4 = vector.load %arg3[%get3A_2, %get3A_3] : memref<256x128xf32, #tpu.memory_space<vmem>>, vector<256x128xf32>
    %dot_general3A = arith.constant dense<0.000000e+00> : vector<1000x128xf32>
    %dot_general3A_5 = tpu.matmul %get3A_1, %get3A_4, %dot_general3A {dimension_numbers = #tpu.dot_dimension_numbers<[1], [0], [0], [1], [0, 0, 1, 1], [], []>, transpose_lhs_hint = false} : vector<1000x256xf32>, vector<256x128xf32>, vector<1000x128xf32> -> vector<1000x128xf32>
    %get3A_6 = arith.constant 0 : index
    %get3A_7 = arith.constant 0 : index
    %get3A_8 = vector.load %arg4[%get3A_6, %get3A_7] : memref<1x128xf32, #tpu.memory_space<vmem>>, vector<1x128xf32>
    %add3A = vector.broadcast %get3A_8 : vector<1x128xf32> to vector<1000x128xf32>
    %add3A_9 = arith.addf %dot_general3A_5, %add3A : vector<1000x128xf32>
    %broadcast_in_dim3A = vector.shape_cast %add3A_9 : vector<1000x128xf32> to vector<1x1000x128xf32>
    %swap3A = arith.constant 0 : index
    %swap3A_10 = arith.constant 0 : index
    %swap3A_11 = arith.constant 0 : index
    %swap3A_12 = vector.load %arg5[%swap3A, %swap3A_10, %swap3A_11] : memref<1x1000x128xf32, #tpu.memory_space<vmem>>, vector<1x1000x128xf32>
    tpu.vector_store %arg5[%swap3A, %swap3A_10, %swap3A_11], %broadcast_in_dim3A {strides = array<i32>} : memref<1x1000x128xf32, #tpu.memory_space<vmem>>, vector<1x1000x128xf32>,
    return
  }
  func.func @transform_0(%arg0: i32, %arg1: i32) -> (i32, i32) {
    %c0_i32 = arith.constant 0 : i32
    %c0_i32_0 = arith.constant 0 : i32
    return %arg0, %c0_i32 : i32, i32
  }
  func.func @transform_1(%arg0: i32, %arg1: i32) -> (i32, i32) {
    %c0_i32 = arith.constant 0 : i32
    %c0_i32_0 = arith.constant 0 : i32
    return %c0_i32, %arg1 : i32, i32
  }
  func.func @transform_2(%arg0: i32, %arg1: i32) -> (i32, i32) {
    %c0_i32 = arith.constant 0 : i32
    %c0_i32_0 = arith.constant 0 : i32
    return %c0_i32, %arg1 : i32, i32
  }
  func.func @transform_3(%arg0: i32, %arg1: i32) -> (i32, i32, i32) {
    %c0_i32 = arith.constant 0 : i32
    %c0_i32_0 = arith.constant 0 : i32
    return %arg1, %arg0, %c0_i32 : i32, i32, i32
  }
}

module attributes {stable_mosaic.version = 14 : i64} {
  func.func @_mm1b_body(%arg0: i32, %arg1: i32, %arg2: memref<1x1000x128xf32, #tpu.memory_space<vmem>>, %arg3: memref<1000x1xf32, #tpu.memory_space<vmem>>, %arg4: memref<1000x1xf32, #tpu.memory_space<vmem>>, %arg5: memref<1x1000x128xf32, #tpu.memory_space<vmem>>, %arg6: memref<1000x1xf32, #tpu.memory_space<vmem>>) attributes {dimension_semantics = [#tpu.dimension_semantics<arbitrary>, #tpu.dimension_semantics<arbitrary>], iteration_bounds = array<i64: 10, 2>, scalar_prefetch = 0 : i64, scratch_operands = 0 : i64, tpu.core_type = #tpu.core_type<tc>, window_params = [{transform_indices = @transform_0, window_bounds = array<i64: 1, 1000, 128>}, {transform_indices = @transform_1, window_bounds = array<i64: 1000, 1>}, {transform_indices = @transform_2, window_bounds = array<i64: 1000, 1>}, {transform_indices = @transform_3, window_bounds = array<i64: 1, 1000, 128>}, {transform_indices = @transform_4, window_bounds = array<i64: 1000, 1>}]} {
    %get3A = arith.constant 0 : index
    %get3A_0 = arith.constant 0 : index
    %get3A_1 = vector.load %arg3[%get3A, %get3A_0] : memref<1000x1xf32, #tpu.memory_space<vmem>>, vector<1000x1xf32>
    %add3A = arith.constant 1.000000e+00 : f32
    %add3A_2 = vector.broadcast %add3A : f32 to vector<1000x1xf32>
    %add3A_3 = arith.addf %add3A_2, %get3A_1 : vector<1000x1xf32>
    %get3A_4 = arith.constant 0 : index
    %get3A_5 = arith.constant 0 : index
    %get3A_6 = vector.load %arg4[%get3A_4, %get3A_5] : memref<1000x1xf32, #tpu.memory_space<vmem>>, vector<1000x1xf32>
    %add3A_7 = arith.addf %add3A_3, %get3A_6 : vector<1000x1xf32>
    %rsqrt3A = math.rsqrt %add3A_7 : vector<1000x1xf32>
    %get3A_8 = arith.constant 0 : index
    %get3A_9 = arith.constant 0 : index
    %get3A_10 = arith.constant 0 : index
    %get3A_11 = vector.load %arg2[%get3A_8, %get3A_9, %get3A_10] : memref<1x1000x128xf32, #tpu.memory_space<vmem>>, vector<1x1000x128xf32>
    %get3A_12 = vector.shape_cast %get3A_11 : vector<1x1000x128xf32> to vector<1000x128xf32>
    %mul3A = vector.broadcast %rsqrt3A : vector<1000x1xf32> to vector<1000x128xf32>
    %mul3A_13 = arith.mulf %mul3A, %get3A_12 : vector<1000x128xf32>
    %broadcast_in_dim3A = vector.shape_cast %mul3A_13 : vector<1000x128xf32> to vector<1x1000x128xf32>
    %swap3A = arith.constant 0 : index
    %swap3A_14 = arith.constant 0 : index
    %swap3A_15 = arith.constant 0 : index
    %swap3A_16 = vector.load %arg5[%swap3A, %swap3A_14, %swap3A_15] : memref<1x1000x128xf32, #tpu.memory_space<vmem>>, vector<1x1000x128xf32>
    tpu.vector_store %arg5[%swap3A, %swap3A_14, %swap3A_15], %broadcast_in_dim3A {strides = array<i32>} : memref<1x1000x128xf32, #tpu.memory_space<vmem>>, vector<1x1000x128xf32>,
    %swap3A_17 = arith.constant 0 : index
    %swap3A_18 = arith.constant 0 : index
    %swap3A_19 = vector.load %arg6[%swap3A_17, %swap3A_18] : memref<1000x1xf32, #tpu.memory_space<vmem>>, vector<1000x1xf32>
    tpu.vector_store %arg6[%swap3A_17, %swap3A_18], %rsqrt3A {strides = array<i32>} : memref<1000x1xf32, #tpu.memory_space<vmem>>, vector<1000x1xf32>,
    return
  }
  func.func @transform_0(%arg0: i32, %arg1: i32) -> (i32, i32, i32) {
    %c0_i32 = arith.constant 0 : i32
    %c0_i32_0 = arith.constant 0 : i32
    return %arg1, %arg0, %c0_i32 : i32, i32, i32
  }
  func.func @transform_1(%arg0: i32, %arg1: i32) -> (i32, i32) {
    %c0_i32 = arith.constant 0 : i32
    %c0_i32_0 = arith.constant 0 : i32
    return %arg0, %c0_i32 : i32, i32
  }
  func.func @transform_2(%arg0: i32, %arg1: i32) -> (i32, i32) {
    %c0_i32 = arith.constant 0 : i32
    %c0_i32_0 = arith.constant 0 : i32
    return %arg0, %c0_i32 : i32, i32
  }
  func.func @transform_3(%arg0: i32, %arg1: i32) -> (i32, i32, i32) {
    %c0_i32 = arith.constant 0 : i32
    %c0_i32_0 = arith.constant 0 : i32
    return %arg1, %arg0, %c0_i32 : i32, i32, i32
  }
  func.func @transform_4(%arg0: i32, %arg1: i32) -> (i32, i32) {
    %c0_i32 = arith.constant 0 : i32
    %c0_i32_0 = arith.constant 0 : i32
    return %arg0, %c0_i32 : i32, i32
  }
}

module attributes {stable_mosaic.version = 14 : i64} {
  func.func @_mm2_body(%arg0: i32, %arg1: i32, %arg2: memref<1x1000x128xf32, #tpu.memory_space<vmem>>, %arg3: memref<1x1000x128xf32, #tpu.memory_space<vmem>>, %arg4: memref<1000x1xf32, #tpu.memory_space<vmem>>, %arg5: memref<256x128xf32, #tpu.memory_space<vmem>>, %arg6: memref<1x128xf32, #tpu.memory_space<vmem>>, %arg7: memref<1x1000x128xf32, #tpu.memory_space<vmem>>) attributes {dimension_semantics = [#tpu.dimension_semantics<arbitrary>, #tpu.dimension_semantics<arbitrary>], iteration_bounds = array<i64: 10, 2>, scalar_prefetch = 0 : i64, scratch_operands = 0 : i64, tpu.core_type = #tpu.core_type<tc>, window_params = [{transform_indices = @transform_0, window_bounds = array<i64: 1, 1000, 128>}, {transform_indices = @transform_1, window_bounds = array<i64: 1, 1000, 128>}, {transform_indices = @transform_2, window_bounds = array<i64: 1000, 1>}, {transform_indices = @transform_3, window_bounds = array<i64: 256, 128>}, {transform_indices = @transform_4, window_bounds = array<i64: 1, 128>}, {transform_indices = @transform_5, window_bounds = array<i64: 1, 1000, 128>}]} {
    %get3A = arith.constant 0 : index
    %get3A_0 = arith.constant 0 : index
    %get3A_1 = vector.load %arg4[%get3A, %get3A_0] : memref<1000x1xf32, #tpu.memory_space<vmem>>, vector<1000x1xf32>
    %get3A_2 = arith.constant 0 : index
    %get3A_3 = arith.constant 0 : index
    %get3A_4 = arith.constant 0 : index
    %get3A_5 = vector.load %arg2[%get3A_2, %get3A_3, %get3A_4] : memref<1x1000x128xf32, #tpu.memory_space<vmem>>, vector<1x1000x128xf32>
    %get3A_6 = vector.shape_cast %get3A_5 : vector<1x1000x128xf32> to vector<1000x128xf32>
    %get3A_7 = arith.constant 0 : index
    %get3A_8 = arith.constant 0 : index
    %get3A_9 = arith.constant 0 : index
    %get3A_10 = vector.load %arg3[%get3A_7, %get3A_8, %get3A_9] : memref<1x1000x128xf32, #tpu.memory_space<vmem>>, vector<1x1000x128xf32>
    %get3A_11 = vector.shape_cast %get3A_10 : vector<1x1000x128xf32> to vector<1000x128xf32>
    %concatenate3A = tpu.concatenate %get3A_6, %get3A_11 in 1 : vector<1000x128xf32>, vector<1000x128xf32> -> vector<1000x256xf32>
    %mul3A = vector.broadcast %get3A_1 : vector<1000x1xf32> to vector<1000x256xf32>
    %mul3A_12 = arith.mulf %mul3A, %concatenate3A : vector<1000x256xf32>
    %max3A = arith.constant 0.000000e+00 : f32
    %max3A_13 = vector.broadcast %max3A : f32 to vector<1000x256xf32>
    %max3A_14 = arith.maximumf %mul3A_12, %max3A_13 : vector<1000x256xf32>
    %get3A_15 = arith.constant 0 : index
    %get3A_16 = arith.constant 0 : index
    %get3A_17 = vector.load %arg5[%get3A_15, %get3A_16] : memref<256x128xf32, #tpu.memory_space<vmem>>, vector<256x128xf32>
    %dot_general3A = arith.constant dense<0.000000e+00> : vector<1000x128xf32>
    %dot_general3A_18 = tpu.matmul %max3A_14, %get3A_17, %dot_general3A {dimension_numbers = #tpu.dot_dimension_numbers<[1], [0], [0], [1], [0, 0, 1, 1], [], []>, transpose_lhs_hint = false} : vector<1000x256xf32>, vector<256x128xf32>, vector<1000x128xf32> -> vector<1000x128xf32>
    %get3A_19 = arith.constant 0 : index
    %get3A_20 = arith.constant 0 : index
    %get3A_21 = vector.load %arg6[%get3A_19, %get3A_20] : memref<1x128xf32, #tpu.memory_space<vmem>>, vector<1x128xf32>
    %add3A = vector.broadcast %get3A_21 : vector<1x128xf32> to vector<1000x128xf32>
    %add3A_22 = arith.addf %dot_general3A_18, %add3A : vector<1000x128xf32>
    %mul3A_23 = vector.broadcast %get3A_1 : vector<1000x1xf32> to vector<1000x128xf32>
    %mul3A_24 = arith.mulf %mul3A_23, %add3A_22 : vector<1000x128xf32>
    %broadcast_in_dim3A = vector.shape_cast %mul3A_24 : vector<1000x128xf32> to vector<1x1000x128xf32>
    %swap3A = arith.constant 0 : index
    %swap3A_25 = arith.constant 0 : index
    %swap3A_26 = arith.constant 0 : index
    %swap3A_27 = vector.load %arg7[%swap3A, %swap3A_25, %swap3A_26] : memref<1x1000x128xf32, #tpu.memory_space<vmem>>, vector<1x1000x128xf32>
    tpu.vector_store %arg7[%swap3A, %swap3A_25, %swap3A_26], %broadcast_in_dim3A {strides = array<i32>} : memref<1x1000x128xf32, #tpu.memory_space<vmem>>, vector<1x1000x128xf32>,
    return
  }
  func.func @transform_0(%arg0: i32, %arg1: i32) -> (i32, i32, i32) {
    %c0_i32 = arith.constant 0 : i32
    %c0_i32_0 = arith.constant 0 : i32
    %c0_i32_1 = arith.constant 0 : i32
    return %c0_i32, %arg0, %c0_i32_0 : i32, i32, i32
  }
  func.func @transform_1(%arg0: i32, %arg1: i32) -> (i32, i32, i32) {
    %c1_i32 = arith.constant 1 : i32
    %c0_i32 = arith.constant 0 : i32
    %c0_i32_0 = arith.constant 0 : i32
    return %c1_i32, %arg0, %c0_i32 : i32, i32, i32
  }
  func.func @transform_2(%arg0: i32, %arg1: i32) -> (i32, i32) {
    %c0_i32 = arith.constant 0 : i32
    %c0_i32_0 = arith.constant 0 : i32
    return %arg0, %c0_i32 : i32, i32
  }
  func.func @transform_3(%arg0: i32, %arg1: i32) -> (i32, i32) {
    %c0_i32 = arith.constant 0 : i32
    %c0_i32_0 = arith.constant 0 : i32
    return %c0_i32, %arg1 : i32, i32
  }
  func.func @transform_4(%arg0: i32, %arg1: i32) -> (i32, i32) {
    %c0_i32 = arith.constant 0 : i32
    %c0_i32_0 = arith.constant 0 : i32
    return %c0_i32, %arg1 : i32, i32
  }
  func.func @transform_5(%arg0: i32, %arg1: i32) -> (i32, i32, i32) {
    %c0_i32 = arith.constant 0 : i32
    %c0_i32_0 = arith.constant 0 : i32
    return %arg1, %arg0, %c0_i32 : i32, i32, i32
  }
}

module attributes {stable_mosaic.version = 14 : i64} {
  func.func @_heads_body(%arg0: memref<4608x128xf32, #tpu.memory_space<vmem>>, %arg1: memref<4608x128xf32, #tpu.memory_space<vmem>>, %arg2: memref<4608x128xf32, #tpu.memory_space<vmem>>, %arg3: memref<4608x128xf32, #tpu.memory_space<vmem>>, %arg4: memref<4608x1xf32, #tpu.memory_space<vmem>>, %arg5: memref<4608x1xf32, #tpu.memory_space<vmem>>, %arg6: memref<4608x1xi32, #tpu.memory_space<vmem>>, %arg7: memref<4608x1xi32, #tpu.memory_space<vmem>>, %arg8: memref<256x256xf32, #tpu.memory_space<vmem>>, %arg9: memref<1x256xf32, #tpu.memory_space<vmem>>, %arg10: memref<256x4xf32, #tpu.memory_space<vmem>>, %arg11: memref<1x4xf32, #tpu.memory_space<vmem>>, %arg12: memref<256x256xf32, #tpu.memory_space<vmem>>, %arg13: memref<1x256xf32, #tpu.memory_space<vmem>>, %arg14: memref<256x3xf32, #tpu.memory_space<vmem>>, %arg15: memref<1x3xf32, #tpu.memory_space<vmem>>, %arg16: memref<1x1xf32, #tpu.memory_space<vmem>>, %arg17: memref<1x1xf32, #tpu.memory_space<vmem>>) attributes {dimension_semantics = [], scalar_prefetch = 0 : i64, scratch_operands = 0 : i64, tpu.core_type = #tpu.core_type<tc>} {
    %iota3A = tpu.iota {dimensions = array<i32: 0>} : vector<4608x1xi32>
    %lt3A = arith.constant 4548 : i32
    %lt3A_0 = vector.broadcast %lt3A : i32 to vector<4608x1xi32>
    %lt3A_1 = arith.cmpi slt, %iota3A, %lt3A_0 : vector<4608x1xi32>
    %convert_element_type3A = arith.extui %lt3A_1 : vector<4608x1xi1> to vector<4608x1xi32>
    %convert_element_type3A_2 = arith.sitofp %convert_element_type3A : vector<4608x1xi32> to vector<4608x1xf32>
    %get3A = arith.constant 0 : index
    %get3A_3 = arith.constant 0 : index
    %get3A_4 = vector.load %arg4[%get3A, %get3A_3] : memref<4608x1xf32, #tpu.memory_space<vmem>>, vector<4608x1xf32>
    %get3A_5 = arith.constant 0 : index
    %get3A_6 = arith.constant 0 : index
    %get3A_7 = vector.load %arg0[%get3A_5, %get3A_6] : memref<4608x128xf32, #tpu.memory_space<vmem>>, vector<4608x128xf32>
    %get3A_8 = arith.constant 0 : index
    %get3A_9 = arith.constant 0 : index
    %get3A_10 = vector.load %arg1[%get3A_8, %get3A_9] : memref<4608x128xf32, #tpu.memory_space<vmem>>, vector<4608x128xf32>
    %concatenate3A = tpu.concatenate %get3A_7, %get3A_10 in 1 : vector<4608x128xf32>, vector<4608x128xf32> -> vector<4608x256xf32>
    %mul3A = vector.broadcast %get3A_4 : vector<4608x1xf32> to vector<4608x256xf32>
    %mul3A_11 = arith.mulf %mul3A, %concatenate3A : vector<4608x256xf32>
    %max3A = arith.constant 0.000000e+00 : f32
    %max3A_12 = vector.broadcast %max3A : f32 to vector<4608x256xf32>
    %max3A_13 = arith.maximumf %mul3A_11, %max3A_12 : vector<4608x256xf32>
    %get3A_14 = arith.constant 0 : index
    %get3A_15 = arith.constant 0 : index
    %get3A_16 = vector.load %arg5[%get3A_14, %get3A_15] : memref<4608x1xf32, #tpu.memory_space<vmem>>, vector<4608x1xf32>
    %get3A_17 = arith.constant 0 : index
    %get3A_18 = arith.constant 0 : index
    %get3A_19 = vector.load %arg2[%get3A_17, %get3A_18] : memref<4608x128xf32, #tpu.memory_space<vmem>>, vector<4608x128xf32>
    %get3A_20 = arith.constant 0 : index
    %get3A_21 = arith.constant 0 : index
    %get3A_22 = vector.load %arg3[%get3A_20, %get3A_21] : memref<4608x128xf32, #tpu.memory_space<vmem>>, vector<4608x128xf32>
    %concatenate3A_23 = tpu.concatenate %get3A_19, %get3A_22 in 1 : vector<4608x128xf32>, vector<4608x128xf32> -> vector<4608x256xf32>
    %mul3A_24 = vector.broadcast %get3A_16 : vector<4608x1xf32> to vector<4608x256xf32>
    %mul3A_25 = arith.mulf %mul3A_24, %concatenate3A_23 : vector<4608x256xf32>
    %max3A_26 = arith.constant 0.000000e+00 : f32
    %max3A_27 = vector.broadcast %max3A_26 : f32 to vector<4608x256xf32>
    %max3A_28 = arith.maximumf %mul3A_25, %max3A_27 : vector<4608x256xf32>
    %sub3A = arith.subf %max3A_13, %max3A_28 : vector<4608x256xf32>
    %mul3A_29 = arith.mulf %max3A_13, %max3A_28 : vector<4608x256xf32>
    %add3A = arith.addf %sub3A, %mul3A_29 : vector<4608x256xf32>
    %get3A_30 = arith.constant 0 : index
    %get3A_31 = arith.constant 0 : index
    %get3A_32 = vector.load %arg6[%get3A_30, %get3A_31] : memref<4608x1xi32, #tpu.memory_space<vmem>>, vector<4608x1xi32>
    %get3A_33 = arith.constant 0 : index
    %get3A_34 = arith.constant 0 : index
    %get3A_35 = vector.load %arg7[%get3A_33, %get3A_34] : memref<4608x1xi32, #tpu.memory_space<vmem>>, vector<4608x1xi32>
    %sub3A_36 = arith.subi %get3A_32, %get3A_35 : vector<4608x1xi32>
    %lt3A_37 = arith.constant 0 : i32
    %lt3A_38 = vector.broadcast %lt3A_37 : i32 to vector<4608x1xi32>
    %lt3A_39 = arith.cmpi slt, %sub3A_36, %lt3A_38 : vector<4608x1xi32>
    %eq3A = arith.constant 0 : i32
    %eq3A_40 = vector.broadcast %eq3A : i32 to vector<4608x1xi32>
    %eq3A_41 = arith.cmpi eq, %sub3A_36, %eq3A_40 : vector<4608x1xi32>
    %jit3A = arith.constant 1 : i32
    %jit3A_42 = arith.constant 2 : i32
    %broadcast_in_dim3A = vector.broadcast %jit3A : i32 to vector<4608x1xi32>
    %broadcast_in_dim3A_43 = vector.broadcast %jit3A_42 : i32 to vector<4608x1xi32>
    %select_n3A = arith.select %eq3A_41, %broadcast_in_dim3A, %broadcast_in_dim3A_43 : vector<4608x1xi1>, vector<4608x1xi32>
    %jit3A_44 = arith.constant 0 : i32
    %broadcast_in_dim3A_45 = vector.broadcast %jit3A_44 : i32 to vector<4608x1xi32>
    %select_n3A_46 = arith.select %lt3A_39, %broadcast_in_dim3A_45, %select_n3A : vector<4608x1xi1>, vector<4608x1xi32>
    %get3A_47 = arith.constant 0 : index
    %get3A_48 = arith.constant 0 : index
    %get3A_49 = vector.load %arg12[%get3A_47, %get3A_48] : memref<256x256xf32, #tpu.memory_space<vmem>>, vector<256x256xf32>
    %dot_general3A = arith.constant dense<0.000000e+00> : vector<4608x256xf32>
    %dot_general3A_50 = tpu.matmul %add3A, %get3A_49, %dot_general3A {dimension_numbers = #tpu.dot_dimension_numbers<[1], [0], [0], [1], [0, 0, 1, 1], [], []>, transpose_lhs_hint = false} : vector<4608x256xf32>, vector<256x256xf32>, vector<4608x256xf32> -> vector<4608x256xf32>
    %get3A_51 = arith.constant 0 : index
    %get3A_52 = arith.constant 0 : index
    %get3A_53 = vector.load %arg13[%get3A_51, %get3A_52] : memref<1x256xf32, #tpu.memory_space<vmem>>, vector<1x256xf32>
    %add3A_54 = vector.broadcast %get3A_53 : vector<1x256xf32> to vector<4608x256xf32>
    %add3A_55 = arith.addf %dot_general3A_50, %add3A_54 : vector<4608x256xf32>
    %max3A_56 = arith.constant 0.000000e+00 : f32
    %max3A_57 = vector.broadcast %max3A_56 : f32 to vector<4608x256xf32>
    %max3A_58 = arith.maximumf %add3A_55, %max3A_57 : vector<4608x256xf32>
    %get3A_59 = arith.constant 0 : index
    %get3A_60 = arith.constant 0 : index
    %get3A_61 = vector.load %arg14[%get3A_59, %get3A_60] : memref<256x3xf32, #tpu.memory_space<vmem>>, vector<256x3xf32>
    %dot_general3A_62 = arith.constant dense<0.000000e+00> : vector<4608x3xf32>
    %dot_general3A_63 = tpu.matmul %max3A_58, %get3A_61, %dot_general3A_62 {dimension_numbers = #tpu.dot_dimension_numbers<[1], [0], [0], [1], [0, 0, 1, 1], [], []>, transpose_lhs_hint = false} : vector<4608x256xf32>, vector<256x3xf32>, vector<4608x3xf32> -> vector<4608x3xf32>
    %get3A_64 = arith.constant 0 : index
    %get3A_65 = arith.constant 0 : index
    %get3A_66 = vector.load %arg15[%get3A_64, %get3A_65] : memref<1x3xf32, #tpu.memory_space<vmem>>, vector<1x3xf32>
    %add3A_67 = vector.broadcast %get3A_66 : vector<1x3xf32> to vector<4608x3xf32>
    %add3A_68 = arith.addf %dot_general3A_63, %add3A_67 : vector<4608x3xf32>
    %reduce_max3A = arith.constant dense<0xFF800000> : vector<4608xf32>
    %reduce_max3A_69 = vector.multi_reduction <maximumf>, %add3A_68, %reduce_max3A [1] : vector<4608x3xf32> to vector<4608xf32>
    %broadcast_in_dim3A_70 = vector.shape_cast %reduce_max3A_69 : vector<4608xf32> to vector<4608x1xf32>
    %sub3A_71 = vector.broadcast %broadcast_in_dim3A_70 : vector<4608x1xf32> to vector<4608x3xf32>
    %sub3A_72 = arith.subf %add3A_68, %sub3A_71 : vector<4608x3xf32>
    %exp3A = math.exp %sub3A_72 : vector<4608x3xf32>
    %reduce_sum3A = arith.constant dense<0.000000e+00> : vector<4608xf32>
    %reduce_sum3A_73 = vector.multi_reduction <add>, %exp3A, %reduce_sum3A [1] : vector<4608x3xf32> to vector<4608xf32>
    %broadcast_in_dim3A_74 = vector.shape_cast %reduce_sum3A_73 : vector<4608xf32> to vector<4608x1xf32>
    %div3A = vector.broadcast %broadcast_in_dim3A_74 : vector<4608x1xf32> to vector<4608x3xf32>
    %div3A_75 = arith.divf %exp3A, %div3A : vector<4608x3xf32>
    %reduce_max3A_76 = arith.constant dense<0xFF800000> : vector<4608xf32>
    %reduce_max3A_77 = vector.multi_reduction <maximumf>, %div3A_75, %reduce_max3A_76 [1] : vector<4608x3xf32> to vector<4608xf32>
    %broadcast_in_dim3A_78 = vector.shape_cast %reduce_max3A_77 : vector<4608xf32> to vector<4608x1xf32>
    %sub3A_79 = vector.broadcast %broadcast_in_dim3A_78 : vector<4608x1xf32> to vector<4608x3xf32>
    %sub3A_80 = arith.subf %div3A_75, %sub3A_79 : vector<4608x3xf32>
    %exp3A_81 = math.exp %sub3A_80 : vector<4608x3xf32>
    %reduce_sum3A_82 = arith.constant dense<0.000000e+00> : vector<4608xf32>
    %reduce_sum3A_83 = vector.multi_reduction <add>, %exp3A_81, %reduce_sum3A_82 [1] : vector<4608x3xf32> to vector<4608xf32>
    %broadcast_in_dim3A_84 = vector.shape_cast %reduce_sum3A_83 : vector<4608xf32> to vector<4608x1xf32>
    %log3A = math.log %broadcast_in_dim3A_84 : vector<4608x1xf32>
    %add3A_85 = arith.addf %broadcast_in_dim3A_78, %log3A : vector<4608x1xf32>
    %iota3A_86 = tpu.iota {dimensions = array<i32: 1>} : vector<4608x3xi32>
    %eq3A_87 = vector.broadcast %select_n3A_46 : vector<4608x1xi32> to vector<4608x3xi32>
    %eq3A_88 = arith.cmpi eq, %iota3A_86, %eq3A_87 : vector<4608x3xi32>
    %convert_element_type3A_89 = arith.extui %eq3A_88 : vector<4608x3xi1> to vector<4608x3xi32>
    %convert_element_type3A_90 = arith.sitofp %convert_element_type3A_89 : vector<4608x3xi32> to vector<4608x3xf32>
    %mul3A_91 = arith.mulf %div3A_75, %convert_element_type3A_90 : vector<4608x3xf32>
    %reduce_sum3A_92 = arith.constant dense<0.000000e+00> : vector<4608xf32>
    %reduce_sum3A_93 = vector.multi_reduction <add>, %mul3A_91, %reduce_sum3A_92 [1] : vector<4608x3xf32> to vector<4608xf32>
    %broadcast_in_dim3A_94 = vector.shape_cast %reduce_sum3A_93 : vector<4608xf32> to vector<4608x1xf32>
    %sub3A_95 = arith.subf %broadcast_in_dim3A_94, %add3A_85 : vector<4608x1xf32>
    %mul3A_96 = arith.mulf %sub3A_95, %convert_element_type3A_2 : vector<4608x1xf32>
    %reduce_sum3A_97 = vector.shape_cast %mul3A_96 : vector<4608x1xf32> to vector<1x4608x1xf32>
    %reduce_sum3A_98 = arith.constant dense<0.000000e+00> : vector<1xf32>
    %reduce_sum3A_99 = vector.multi_reduction <add>, %reduce_sum3A_97, %reduce_sum3A_98 [1, 2] : vector<1x4608x1xf32> to vector<1xf32>
    %reduce_sum3A_100 = vector.shape_cast %reduce_sum3A_99 : vector<1xf32> to vector<1x1x1xf32>
    %reduce_sum3A_101 = vector.extract %reduce_sum3A_100[0, 0, 0] : f32 from vector<1x1x1xf32>
    %neg3A = arith.constant 0.000000e+00 : f32
    %neg3A_102 = arith.subf %neg3A, %reduce_sum3A_101 : f32
    %mul3A_103 = arith.constant 2.19876863E-4 : f32
    %mul3A_104 = arith.mulf %neg3A_102, %mul3A_103 : f32
    %reshape3A = vector.broadcast %mul3A_104 : f32 to vector<1x1xf32>
    %swap3A = arith.constant 0 : index
    %swap3A_105 = arith.constant 0 : index
    %swap3A_106 = vector.load %arg16[%swap3A, %swap3A_105] : memref<1x1xf32, #tpu.memory_space<vmem>>, vector<1x1xf32>
    tpu.vector_store %arg16[%swap3A, %swap3A_105], %reshape3A {strides = array<i32>} : memref<1x1xf32, #tpu.memory_space<vmem>>, vector<1x1xf32>,
    %abs3A = math.absi %sub3A_36 : vector<4608x1xi32>
    %abs3A_107 = math.absf %add3A : vector<4608x256xf32>
    %get3A_108 = arith.constant 0 : index
    %get3A_109 = arith.constant 0 : index
    %get3A_110 = vector.load %arg8[%get3A_108, %get3A_109] : memref<256x256xf32, #tpu.memory_space<vmem>>, vector<256x256xf32>
    %dot_general3A_111 = arith.constant dense<0.000000e+00> : vector<4608x256xf32>
    %dot_general3A_112 = tpu.matmul %abs3A_107, %get3A_110, %dot_general3A_111 {dimension_numbers = #tpu.dot_dimension_numbers<[1], [0], [0], [1], [0, 0, 1, 1], [], []>, transpose_lhs_hint = false} : vector<4608x256xf32>, vector<256x256xf32>, vector<4608x256xf32> -> vector<4608x256xf32>
    %get3A_113 = arith.constant 0 : index
    %get3A_114 = arith.constant 0 : index
    %get3A_115 = vector.load %arg9[%get3A_113, %get3A_114] : memref<1x256xf32, #tpu.memory_space<vmem>>, vector<1x256xf32>
    %add3A_116 = vector.broadcast %get3A_115 : vector<1x256xf32> to vector<4608x256xf32>
    %add3A_117 = arith.addf %dot_general3A_112, %add3A_116 : vector<4608x256xf32>
    %max3A_118 = arith.constant 0.000000e+00 : f32
    %max3A_119 = vector.broadcast %max3A_118 : f32 to vector<4608x256xf32>
    %max3A_120 = arith.maximumf %add3A_117, %max3A_119 : vector<4608x256xf32>
    %get3A_121 = arith.constant 0 : index
    %get3A_122 = arith.constant 0 : index
    %get3A_123 = vector.load %arg10[%get3A_121, %get3A_122] : memref<256x4xf32, #tpu.memory_space<vmem>>, vector<256x4xf32>
    %dot_general3A_124 = arith.constant dense<0.000000e+00> : vector<4608x4xf32>
    %dot_general3A_125 = tpu.matmul %max3A_120, %get3A_123, %dot_general3A_124 {dimension_numbers = #tpu.dot_dimension_numbers<[1], [0], [0], [1], [0, 0, 1, 1], [], []>, transpose_lhs_hint = false} : vector<4608x256xf32>, vector<256x4xf32>, vector<4608x4xf32> -> vector<4608x4xf32>
    %get3A_126 = arith.constant 0 : index
    %get3A_127 = arith.constant 0 : index
    %get3A_128 = vector.load %arg11[%get3A_126, %get3A_127] : memref<1x4xf32, #tpu.memory_space<vmem>>, vector<1x4xf32>
    %add3A_129 = vector.broadcast %get3A_128 : vector<1x4xf32> to vector<4608x4xf32>
    %add3A_130 = arith.addf %dot_general3A_125, %add3A_129 : vector<4608x4xf32>
    %reduce_max3A_131 = arith.constant dense<0xFF800000> : vector<4608xf32>
    %reduce_max3A_132 = vector.multi_reduction <maximumf>, %add3A_130, %reduce_max3A_131 [1] : vector<4608x4xf32> to vector<4608xf32>
    %broadcast_in_dim3A_133 = vector.shape_cast %reduce_max3A_132 : vector<4608xf32> to vector<4608x1xf32>
    %sub3A_134 = vector.broadcast %broadcast_in_dim3A_133 : vector<4608x1xf32> to vector<4608x4xf32>
    %sub3A_135 = arith.subf %add3A_130, %sub3A_134 : vector<4608x4xf32>
    %exp3A_136 = math.exp %sub3A_135 : vector<4608x4xf32>
    %reduce_sum3A_137 = arith.constant dense<0.000000e+00> : vector<4608xf32>
    %reduce_sum3A_138 = vector.multi_reduction <add>, %exp3A_136, %reduce_sum3A_137 [1] : vector<4608x4xf32> to vector<4608xf32>
    %broadcast_in_dim3A_139 = vector.shape_cast %reduce_sum3A_138 : vector<4608xf32> to vector<4608x1xf32>
    %div3A_140 = vector.broadcast %broadcast_in_dim3A_139 : vector<4608x1xf32> to vector<4608x4xf32>
    %div3A_141 = arith.divf %exp3A_136, %div3A_140 : vector<4608x4xf32>
    %reduce_max3A_142 = arith.constant dense<0xFF800000> : vector<4608xf32>
    %reduce_max3A_143 = vector.multi_reduction <maximumf>, %div3A_141, %reduce_max3A_142 [1] : vector<4608x4xf32> to vector<4608xf32>
    %broadcast_in_dim3A_144 = vector.shape_cast %reduce_max3A_143 : vector<4608xf32> to vector<4608x1xf32>
    %sub3A_145 = vector.broadcast %broadcast_in_dim3A_144 : vector<4608x1xf32> to vector<4608x4xf32>
    %sub3A_146 = arith.subf %div3A_141, %sub3A_145 : vector<4608x4xf32>
    %exp3A_147 = math.exp %sub3A_146 : vector<4608x4xf32>
    %reduce_sum3A_148 = arith.constant dense<0.000000e+00> : vector<4608xf32>
    %reduce_sum3A_149 = vector.multi_reduction <add>, %exp3A_147, %reduce_sum3A_148 [1] : vector<4608x4xf32> to vector<4608xf32>
    %broadcast_in_dim3A_150 = vector.shape_cast %reduce_sum3A_149 : vector<4608xf32> to vector<4608x1xf32>
    %log3A_151 = math.log %broadcast_in_dim3A_150 : vector<4608x1xf32>
    %add3A_152 = arith.addf %broadcast_in_dim3A_144, %log3A_151 : vector<4608x1xf32>
    %iota3A_153 = tpu.iota {dimensions = array<i32: 1>} : vector<4608x4xi32>
    %eq3A_154 = vector.broadcast %abs3A : vector<4608x1xi32> to vector<4608x4xi32>
    %eq3A_155 = arith.cmpi eq, %iota3A_153, %eq3A_154 : vector<4608x4xi32>
    %convert_element_type3A_156 = arith.extui %eq3A_155 : vector<4608x4xi1> to vector<4608x4xi32>
    %convert_element_type3A_157 = arith.sitofp %convert_element_type3A_156 : vector<4608x4xi32> to vector<4608x4xf32>
    %mul3A_158 = arith.mulf %div3A_141, %convert_element_type3A_157 : vector<4608x4xf32>
    %reduce_sum3A_159 = arith.constant dense<0.000000e+00> : vector<4608xf32>
    %reduce_sum3A_160 = vector.multi_reduction <add>, %mul3A_158, %reduce_sum3A_159 [1] : vector<4608x4xf32> to vector<4608xf32>
    %broadcast_in_dim3A_161 = vector.shape_cast %reduce_sum3A_160 : vector<4608xf32> to vector<4608x1xf32>
    %sub3A_162 = arith.subf %broadcast_in_dim3A_161, %add3A_152 : vector<4608x1xf32>
    %mul3A_163 = arith.mulf %sub3A_162, %convert_element_type3A_2 : vector<4608x1xf32>
    %reduce_sum3A_164 = vector.shape_cast %mul3A_163 : vector<4608x1xf32> to vector<1x4608x1xf32>
    %reduce_sum3A_165 = arith.constant dense<0.000000e+00> : vector<1xf32>
    %reduce_sum3A_166 = vector.multi_reduction <add>, %reduce_sum3A_164, %reduce_sum3A_165 [1, 2] : vector<1x4608x1xf32> to vector<1xf32>
    %reduce_sum3A_167 = vector.shape_cast %reduce_sum3A_166 : vector<1xf32> to vector<1x1x1xf32>
    %reduce_sum3A_168 = vector.extract %reduce_sum3A_167[0, 0, 0] : f32 from vector<1x1x1xf32>
    %neg3A_169 = arith.constant 0.000000e+00 : f32
    %neg3A_170 = arith.subf %neg3A_169, %reduce_sum3A_168 : f32
    %mul3A_171 = arith.constant 2.19876863E-4 : f32
    %mul3A_172 = arith.mulf %neg3A_170, %mul3A_171 : f32
    %reshape3A_173 = vector.broadcast %mul3A_172 : f32 to vector<1x1xf32>
    %swap3A_174 = arith.constant 0 : index
    %swap3A_175 = arith.constant 0 : index
    %swap3A_176 = vector.load %arg17[%swap3A_174, %swap3A_175] : memref<1x1xf32, #tpu.memory_space<vmem>>, vector<1x1xf32>
    tpu.vector_store %arg17[%swap3A_174, %swap3A_175], %reshape3A_173 {strides = array<i32>} : memref<1x1xf32, #tpu.memory_space<vmem>>, vector<1x1xf32>,
    return
  }
}

</mosaic_0001>

<sc_bundles>
// kernel: kernel.12.cloned.1.call-start
scs
__scs_entry_jumppad:
0x0: {  	(pc) =	sbr.rel $0x88, $3  }
0x1: {  	(tag) =	ssettag $0x0;
	lr =	simm.s32 $0x1  }
0x2: {  	[smem:$0x3F92] =	sst lr;
	_ =	strace $0xD0000000  }
0x3: {  	_ = 	snop  }
0x4: {  	_ = 	snop  }
0x5: {  	_ = 	snop  }
0x6: {  	_ = 	snop  }
0x7: {  	_ = 	snop  }
__scs_overlays_trampoline_lowered:
0x8: {  	[smem:$0x3FA1] =	sst s0  }
0x9: {  	[smem:$0x3FA2] =	sst s1  }
0xa: {  	[smem:$0x3FA3] =	sst s2  }
0xb: {  	[smem:$0x3FA4] =	sst s3  }
0xc: {  	[smem:$0x3FA5] =	sst s4  }
0xd: {  	[smem:$0x3FA6] =	sst s5  }
0xe: {  	[smem:$0x3FA7] =	sst s6  }
0xf: {  	[smem:$0x3FA8] =	sst s7  }
0x10: {  	[smem:$0x3FA9] =	sst s8  }
0x11: {  	[smem:$0x3FAA] =	sst s9;
	s0 =	simm.s32 @!p0 $0x0  }
0x12: {  	s1 =	sld [smem:$0x3F90];
	s0 =	simm.s32 @p0 $0x1  }
0x13: {  	[smem:$0x3FAB] =	sst s0;
	s0 =	simm.s32 @!p1 $0x0  }
0x14: {  	s2 =	sld [smem:$0x3F8F];
	s0 =	simm.s32 @p1 $0x1  }
0x15: {  	[smem:$0x3FAC] =	sst s0;
	s0 =	simm.s32 @!p2 $0x0  }
0x16: {  	s3 =	sld [smem:$0x3FDB];
	s0 =	simm.s32 @p2 $0x1  }
0x17: {  	s4 =	simm.s32 $0x1BF5;
	[smem:$0x3FAE] =	sst s0  }
0x18: {  	s0 =	sld [smem:$0x3F91];
	_ =	swait.ge [sflag:s4], $0x0  }
0x19: {  	s7 =	sld [smem:$0x3F92]  }
0x1a: {  	s8 =	sadd.s32 $0xFFFFE003, lr  }
0x1b: {  	s9 =	sadd.s32 $0xFFFFFEF7, lr;
	s5 =	simm.s32 $0xFFFFFFFF;
	p2 =	slt.u32 s8, $0xFFFFF086  }
0x1c: {  	p1 =	slt.u32 s9, $0xF7A;
	s5 =	simm.s32 @!p2 $0x0  }
0x1d: {  	s5 =	simm.s32 @p1 $0x1;
	p0 =	seq.s32 s7, s2  }
0x1e: {  	s7 =	smul.u32 @!p0 $0xF7A, s2;
	p2 =	seq.s32 @!p0 s5, $0x0  }
0x1f: {  	s9 =	smul.u32 $0xF7A, s1;
	s8 =	simm.s32 @!p0 $0x1BF5;
	p2 =	por !p2, p0  }
0x20: {  	[sflag:s8] =	ssyncset.s32 @!p0 $0xFFFFF086;
	s6 =	sadd.s32 @!p0 s3, s7;
	s7 =	simm.s32 @!p0 $0x108  }
0x21: {  	s3 =	sadd.s32 s3, s9;
	s6 =	sadd.s32 @!p0 $0x88, s6;
	s7 =	simm.s32 @p2 $0x1082  }
0x22: {  	[simem:s7], [sflag:s8] =	dma.local @!p0 [hbm:s6], $0xF7A  }
0x23: {  	s9 =	sor.u32 $0xD0000000, s2;
	s6 =	simm.s32 $0x108;
	_ =	swait.ge @!p0 [sflag:s8], $0x0  }
0x24: {  	s3 =	sadd.s32 $0x88, s3;
	s6 =	simm.s32 @!p1 $0x1082;
	[sflag:s4] =	ssyncset.s32 $0xFFFFF086  }
0x25: {  	[simem:s6], [sflag:s4] =	dma.local [hbm:s3], $0xF7A  }
0x26: {  	[smem:$0x3F92] =	sst s1;
	(tag) =	ssettag s2;
	_ =	strace s9  }
0x27: {  	s1 =	sld [smem:$0x3FA2]  }
0x28: {  	s2 =	sld [smem:$0x3FA3]  }
0x29: {  	s4 =	sld [smem:$0x3FA5]  }
0x2a: {  	p0 =	seq.s32 s5, $0x0;
	s5 =	sld [smem:$0x3FA6]  }
0x2b: {  	s6 =	sld [smem:$0x3FA7]  }
0x2c: {  	s7 =	sld [smem:$0x3FA8]  }
0x2d: {  	s3 =	simm.s32 $0x108;
	s8 =	sld [smem:$0x3FA9]  }
0x2e: {  	s3 =	simm.s32 @!p0 $0x1082;
	s9 =	sld [smem:$0x3FAA]  }
0x2f: {  	lr =	sadd.s32 s0, s3;
	s0 =	sld [smem:$0x3FA1]  }
0x30: {  	s3 =	sld [smem:$0x3FA4]  }
0x31: {  	[smem:$0x3FAD] =	sst s10  }
0x32: {  	s10 =	sld [smem:$0x3FAB];
	_ =	sdelay $0x3  }
0x33: {  	p0 =	seq.s32 s10, $0x1;
	s10 =	sld [smem:$0x3FAD];
	_ =	sdelay $0x3  }
0x34: {  	[smem:$0x3FAD] =	sst s10  }
0x35: {  	s10 =	sld [smem:$0x3FAC];
	_ =	sdelay $0x3  }
0x36: {  	p1 =	seq.s32 s10, $0x1;
	s10 =	sld [smem:$0x3FAD];
	_ =	sdelay $0x3  }
0x37: {  	[smem:$0x3FAD] =	sst s10  }
0x38: {  	s10 =	sld [smem:$0x3FAE]  }
0x39: {  	_ = 	snop;
	(pc) =	sbr.ind lr, $3  }
0x3a: {  	_ = 	snop  }
0x3b: {  	_ = 	snop  }
0x3c: {  	p2 =	seq.s32 s10, $0x1;
	s10 =	sld [smem:$0x3FAD]  }
0x3d: {  	_ =	shalt  }
0x3e: {  	_ =	shalt  }
0x3f: {  	_ =	shalt  }
0x40: {  	_ =	shalt  }
0x41: {  	_ =	shalt  }
0x42: {  	_ =	shalt  }
0x43: {  	_ =	shalt  }
0x44: {  	_ =	shalt  }
0x45: {  	_ =	shalt  }
0x46: {  	_ =	shalt  }
0x47: {  	_ =	shalt  }
0x48: {  	_ =	shalt  }
0x49: {  	_ =	shalt  }
0x4a: {  	_ =	shalt  }
0x4b: {  	_ =	shalt  }
0x4c: {  	_ =	shalt  }
0x4d: {  	_ =	shalt  }
0x4e: {  	_ =	shalt  }
0x4f: {  	_ =	shalt  }
0x50: {  	_ =	shalt  }
0x51: {  	_ =	shalt  }
0x52: {  	_ =	shalt  }
0x53: {  	_ =	shalt  }
0x54: {  	_ =	shalt  }
0x55: {  	_ =	shalt  }
0x56: {  	_ =	shalt  }
0x57: {  	_ =	shalt  }
0x58: {  	_ =	shalt  }
0x59: {  	_ =	shalt  }
0x5a: {  	_ =	shalt  }
0x5b: {  	_ =	shalt  }
0x5c: {  	_ =	shalt  }
0x5d: {  	_ =	shalt  }
0x5e: {  	_ =	shalt  }
0x5f: {  	_ =	shalt  }
0x60: {  	_ =	shalt  }
0x61: {  	_ =	shalt  }
0x62: {  	_ =	shalt  }
0x63: {  	_ =	shalt  }
0x64: {  	_ =	shalt  }
0x65: {  	_ =	shalt  }
0x66: {  	_ =	shalt  }
0x67: {  	_ =	shalt  }
0x68: {  	_ =	shalt  }
0x69: {  	_ =	shalt  }
0x6a: {  	_ =	shalt  }
0x6b: {  	_ =	shalt  }
0x6c: {  	_ =	shalt  }
0x6d: {  	_ =	shalt  }
0x6e: {  	_ =	shalt  }
0x6f: {  	_ =	shalt  }
0x70: {  	_ =	shalt  }
0x71: {  	_ =	shalt  }
0x72: {  	_ =	shalt  }
0x73: {  	_ =	shalt  }
0x74: {  	_ =	shalt  }
0x75: {  	_ =	shalt  }
0x76: {  	_ =	shalt  }
0x77: {  	_ =	shalt  }
0x78: {  	_ =	shalt  }
0x79: {  	_ =	shalt  }
0x7a: {  	_ =	shalt  }
0x7b: {  	_ =	shalt  }
0x7c: {  	_ =	shalt  }
0x7d: {  	_ =	shalt  }
0x7e: {  	_ =	shalt  }
0x7f: {  	_ =	shalt  }
0x80: {  	_ =	shalt  }
0x81: {  	_ =	shalt  }
0x82: {  	_ =	shalt  }
0x83: {  	_ =	shalt  }
0x84: {  	_ =	shalt  }
0x85: {  	_ =	shalt  }
0x86: {  	_ =	shalt  }
0x87: {  	_ =	shalt  }
.Lfunc_end0:
.L_simem_size_0:
called_computation.1_lowered:
.L_overlay_start_0:
0x88: {  	s2 =	sld [smem:$0x3FD9]  }
0x89: {  	s3 =	sld [smem:$0x3FFE];
	_ =	sdelay $0x1  }
0x8a: {  	s1 =	srdreg.scid  }
0x8b: {  	s0 =	sand.u32 $0x1, s1  }
0x8c: {  	s16 =	sshll.u32 s0, $0xA;
	s2 =	sadd.s32 s3, s2  }
0x8d: {  	s2 =	sadd.s32 s2, s16  }
0x8e: {  	[smem:$0x3FB9] =	sst s2  }
0x8f: {  	_ = 	snop  }
0x90: {  	(tm) =	ssettm $0x1  }
0x91: {  	s17 =	sld [smem:$0x3FFB];
	_ =	sdelay $0x3  }
0x92: {  	_ =	strace s17  }
0x93: {  	s2 =	sld [smem:$0x3FFC];
	_ =	sdelay $0x3  }
0x94: {  	_ =	strace s2  }
0x95: {  	s2 =	sld [smem:$0x3FFD];
	_ =	sdelay $0x3  }
0x96: {  	_ =	strace s2  }
0x97: {  	_ =	strace $0x8FFFFFFF  }
0x98: {  	s18 =	sld [smem:$0x3FDB];
	_ =	sdelay $0x1  }
0x99: {  	s19 =	simm.s32 $_scs_section_size  }
0x9a: {  	s4 =	simm.s32 $_size__tile_overlayer_lowered;
	s5 =	simm.s32 $_tile_overlayer_lowered  }
0x9b: {  	s22 =	simm.s32 $0x1BFF;
	s21 =	sshll.u32 s5, $0x1;
	s2 =	sadd.s32 s19, s18  }
0x9c: {  	s6 =	simm.s32 $0x0;
	s20 =	sshll.u32 s4, $0x1;
	s4 =	sadd.s32 s21, s2  }
0x9d: {  	[timem:s6], [sflag:s22] =	dma.local [hbm:s4], s20  }
0x9e: {  	_ =	swait.ge [sflag:s22], s20  }
0x9f: {  	s3 =	ssub.s32 $0x0, s20;
	[sflag:s22] =	ssyncset.done $0x0  }
0xa0: {  	[sflag:s22] =	ssyncadd.s32 s3;
	_ =	sdelay $0x1  }
0xa1: {  	s23 =	simm.s32 $0x1B8B  }
0xa2: {  	_ =	swait.ge [sflag:s23], $0x1  }
0xa3: {  	[sflag:s23] =	ssyncset.done $0x0  }
0xa4: {  	s25 =	simm.s32 $0x1B8E;
	s24 =	sld [smem:$0x3FFE];
	[sflag:s23] =	ssyncadd.s32 $0xFFFFFFFF  }
0xa5: {  	s26 =	simm.s32 $execute0_lowered;
	[smem:$0x3FD2] =	sst s25  }
0xa6: {  	s4 =	sshll.u32 s26, $0x1;
	_ =	strace $0x80000049;
	[dreg:$0x1] =	wrdreg $0xFFFFFFFF  }
0xa7: {  	s28 =	simm.s32 $_size_execute0_lowered;
	s2 =	sadd.s32 s2, s4;
	[dreg:$0x0] =	wrdreg $0x0  }
0xa8: {  	s4 =	sshll.u32 s28, $0x1;
	[dreg:$0x2] =	wrdreg s2  }
0xa9: {  	[dreg:$0x3] =	wrdreg s4  }
0xaa: {  	[dreg:$0x4] =	wrdreg $0xC0  }
0xab: {  	_ =	task [dreg:s6], $0x5FFFF  }
0xac: {  	[dreg:$0x1] =	wrdreg $0xFFFFFFFF  }
0xad: {  	[dreg:$0x0] =	wrdreg $0x60  }
0xae: {  	[dreg:$0x2] =	wrdreg s24  }
0xaf: {  	[dreg:$0x3] =	wrdreg $0xA8000  }
0xb0: {  	[dreg:$0x4] =	wrdreg $0x9  }
0xb1: {  	_ =	task.clear_ibuf [dreg:s6], $0x5FFFF;
	_ =	strace $0x90000049  }
0xb2: {  	s29 =	simm.s32 $0x9;
	_ =	strace $0x8000004B  }
0xb3: {  	_ =	swait.ge [sflag:s29], $0x1  }
0xb4: {  	[sflag:s29] =	ssyncadd.s32 $0xFFFFFFFF  }
0xb5: {  	_ =	strace $0x9000004B  }
0xb6: {  	_ =	sfence  }
0xb7: {  	s30 =	sld [smem:$0x0];
	_ =	sdelay $0x2  }
0xb8: {  	s31 =	sshll.u32 s1, $0xD;
	s1 =	sshrl.u32 s1, $0x2  }
0xb9: {  	s3 =	sand.u32 $0x4000, s31;
	s1 =	sadd.s32 s1, s30  }
0xba: {  	s0 =	sor.u32 s3, s0;
	s1 =	sshll.u32 s1, $0x11  }
0xbb: {  	s0 =	sor.u32 s1, s0  }
0xbc: {  	s0 =	sadd.s32 $0x8F2B, s0  }
0xbd: {  	[sflag:s0] =	ssyncadd.remote.s32 $0x1  }
0xbe: {  	_ =	sfence.sel $0xFFFF  }
0xbf: {  	[dreg:$0x0] =	wrdreg $0xFFFFFFFF;
	(pc) =	sbr.abs _section_cstart, $3  }
0xc0: {  	[dreg:$0x1] =	wrdreg $0xFFFFFFFF  }
0xc1: {  	_ =	task.clear_ibuf [dreg:s6], $0x2FFFF;
	_ =	strace $0x9FFFFFFF  }
0xc2: {  	(tm) =	ssettm $0x7FFFFFFF  }
0xc3: {  	_ =	shalt  }
tec
execute0_lowered:
.L_overlay_start_1:
0x0: {  	(tag) =	ssettag $0x1  }
0x1: {  	s5 =	rddreg [dreg:$0x0]  }
0x2: {  	s2 =	rddreg [dreg:$0x1]  }
0x3: {  	s0 =	srdreg.scid;
	s1 =	rddreg [dreg:$0x2]  }
0x4: {  	s3 =	simm.s32 $0x0;
	s15 =	simm.s32 $0x1400;
	s16 =	simm.s32 $0x80  }
0x5: {  	s17 =	simm.s32 $0x2800;
	s18 =	simm.s32 $0x1;
	s6 =	sand.u32 $0x1, s0  }
0x6: {  	s19 =	simm.s32 $0x6800;
	s0 =	stileid.u32;
	s4 =	smul.u32 $0x28000, s6  }
0x7: {  	s20 =	simm.s32 $0x2;
	s21 =	simm.s32 $0x1380;
	s7 =	smul.u32 $0x2800, s0  }
0x8: {  	s22 =	simm.s32 $0x2700;
	s23 =	simm.s32 $0x2780;
	s8 =	smul.u32 $0x2800, s6  }
0x9: {  	s24 =	simm.s32 $0x0;
	[smem:$0x7FF] =	sst s3;
	s10 =	smul.u32 $0x280, s0  }
0xa: {  	_ =	strace $0x8000004A;
	s6 =	ssub.s32 $0x2, s6;
	s28 =	smul.u32 $0x50000, s0  }
0xb: {  	s31 =	sshll.u32 s0, $0x6;
	s29 =	sshrl.u32 s6, $0x1;
	s9 =	sadd.s32 s7, s4  }
0xc: {  	s4 =	sadd.s32 $0x13600, s5;
	s7 =	sshrl.u32 s7, $0x3;
	s8 =	sadd.s32 s10, s8  }
0xd: {  	s13 =	ssub.s32 s6, s29;
	s30 =	sshrl.u32 s28, $0x2;
	s6 =	sor.u32 $0x1C03, s31  }
0xe: {  	s9 =	sshrl.u32 s9, $0x3;
	s8 =	sshll.u32 s8, $0x4;
	s11 =	sadd.s32 s7, s5  }
0xf: {  	s14 =	sadd.s32 s30, s2;
	s9 =	sadd.s32 s9, s5;
	s12 =	sadd.s32 s8, s5  }
0x10: {  	s5 =	sadd.s32 s4, s8;
	s8 =	sadd.s32 $0x9600, s11;
	s10 =	sadd.s32 $0x9880, s11  }
0x11: {  	s7 =	sadd.s32 $0xB6600, s9;
	s9 =	sadd.s32 $0xB6880, s9;
	s11 =	sadd.s32 $0x63600, s12  }
0x12: {  	s12 =	smax.u32 s13, $0x1;
	s13 =	sshrl.u32 s14, $0x3;
	s14 =	simm.s32 $0x3  }
.LBB2_1:
0x13: {  	[spmem:s13], [sflag:s6] =	dma.local [hbm:s5], $0x2800  }
0x14: {  	_ =	swait.ge [sflag:s14], $0x2800  }
0x15: {  	[sflag:s14] =	ssyncset.done $0x0  }
0x16: {  	[sflag:s14] =	ssyncadd.s32 $0xFFFFD800  }
0x17: {  	[tilespmem:s3], [sflag:$0x3] =	stream.linear.gather [hbm4b:s7+s3], $0x1400, $0x38;
	[tilespmem:$0x1E800] =	vst v63  }
0x18: {  	_ =	swait.ge [sflag:s14], $0x1400  }
0x19: {  	[sflag:s14] =	ssyncset.done $0x0  }
0x1a: {  	[sflag:s14] =	ssyncadd.s32 $0xFFFFEC00  }
0x1b: {  	[tilespmem:s15], [sflag:$0x3] =	stream.linear.gather [hbm4b:s8+s3], $0x1400, $0x38;
	[tilespmem:$0x1E800] =	vst v63  }
0x1c: {  	_ =	swait.ge [sflag:s14], $0x1400  }
0x1d: {  	[sflag:s14] =	ssyncset.done $0x0  }
0x1e: {  	[sflag:s14] =	ssyncadd.s32 $0xFFFFEC00;
	(ifvalue) =	ssetifvalue $0xFFFFFFFF  }
0x1f: {  	(ifvalue) =	ssetifvalue $0xFFFFFFFF  }
0x20: {  	[tilespmem:s17], [sflag:$0x1] =	stream.indirect.gather [hbm4b:s4+s16], $0x80, s3, s16, $0x40b8;
	[tilespmem:$0x1E800] =	vst v63  }
0x21: {  	[bflag:$0x0] =	sbarrier.arrive $0xFFFF  }
0x22: {  	_ =	swait.ge [sflag:s18], $0x4000  }
0x23: {  	[sflag:s18] =	ssyncset.done $0x0  }
0x24: {  	[sflag:s18] =	ssyncadd.s32 $0xFFFFC000;
	(ifvalue) =	ssetifvalue $0xFFFFFFFF  }
0x25: {  	s25 =	simm.s32 $0x80;
	(ifvalue) =	ssetifvalue $0xFFFFFFFF  }
0x26: {  	[tilespmem:s19], [sflag:$0x2] =	stream.indirect.gather [hbm4b:s4+s16], $0x80, s25, s16, $0x40b8;
	[tilespmem:$0x1E800] =	vst v63  }
0x27: {  	s29 =	simm.s32 $0x1400;
	(ifvalue) =	ssetifvalue $0xFFFFFFFF  }
0x28: {  	[spmem:s2] =	stream.indirect.scatter.add.f32 [tilespmem:s17], [sflag:$0x3], $0x80, s29, s16, $0x40b8;
	[tilespmem:$0x1E800] =	vst v63  }
0x29: {  	_ =	swait.ge [sflag:s14], $0x4000  }
0x2a: {  	[sflag:s14] =	ssyncset.done $0x0  }
0x2b: {  	[sflag:s14] =	ssyncadd.s32 $0xFFFFC000  }
0x2c: {  	_ =	swait.ge [sflag:s20], $0x4000  }
0x2d: {  	[sflag:s20] =	ssyncset.done $0x0  }
0x2e: {  	[sflag:s20] =	ssyncadd.s32 $0xFFFFC000;
	(ifvalue) =	ssetifvalue $0xFFFFFFFF  }
0x2f: {  	s30 =	simm.s32 $0x100;
	(ifvalue) =	ssetifvalue $0xFFFFFFFF  }
0x30: {  	[tilespmem:s17], [sflag:$0x1] =	stream.indirect.gather [hbm4b:s4+s16], $0x80, s30, s16, $0x40b8;
	[tilespmem:$0x1E800] =	vst v63  }
0x31: {  	s31 =	simm.s32 $0x1480;
	(ifvalue) =	ssetifvalue $0xFFFFFFFF  }
0x32: {  	[spmem:s2] =	stream.indirect.scatter.add.f32 [tilespmem:s19], [sflag:$0x3], $0x80, s31, s16, $0x40b8;
	[tilespmem:$0x1E800] =	vst v63  }
0x33: {  	_ =	swait.ge [sflag:s14], $0x4000  }
0x34: {  	s25 =	simm.s32 $0x400;
	[sflag:s14] =	ssyncset.done $0x0  }
.LBB2_2:
0x35: {  	p0 =	sne.s32 s25, $0x4800  }
0x36: {  	[sflag:s14] =	ssyncadd.s32 $0xFFFFC000;
	s26 =	smov.u32 s25;
	s25 =	sadd.s32 $0x400, s25  }
0x37: {  	_ = 	snop  }
0x38: {  	_ =	swait.ge [sflag:s18], $0x4000  }
0x39: {  	[sflag:s18] =	ssyncset.done $0x0  }
0x3a: {  	[sflag:s18] =	ssyncadd.s32 $0xFFFFC000  }
0x3b: {  	s26 =	sshra.s32 s26, $0x2;
	(ifvalue) =	ssetifvalue $0xFFFFFFFF  }
0x3c: {  	s28 =	sadd.s32 $0x80, s26;
	(ifvalue) =	ssetifvalue $0xFFFFFFFF  }
0x3d: {  	[tilespmem:s19], [sflag:$0x2] =	stream.indirect.gather [hbm4b:s4+s16], $0x80, s28, s16, $0x40b8;
	[tilespmem:$0x1E800] =	vst v63  }
0x3e: {  	s28 =	sadd.s32 $0x1400, s26;
	(ifvalue) =	ssetifvalue $0xFFFFFFFF  }
0x3f: {  	[spmem:s2] =	stream.indirect.scatter.add.f32 [tilespmem:s17], [sflag:$0x3], $0x80, s28, s16, $0x40b8;
	[tilespmem:$0x1E800] =	vst v63  }
0x40: {  	_ =	swait.ge [sflag:s14], $0x4000  }
0x41: {  	[sflag:s14] =	ssyncset.done $0x0  }
0x42: {  	[sflag:s14] =	ssyncadd.s32 $0xFFFFC000  }
0x43: {  	_ =	swait.ge [sflag:s20], $0x4000  }
0x44: {  	[sflag:s20] =	ssyncset.done $0x0  }
0x45: {  	[sflag:s20] =	ssyncadd.s32 $0xFFFFC000  }
0x46: {  	(ifvalue) =	ssetifvalue $0xFFFFFFFF  }
0x47: {  	s28 =	sadd.s32 $0x100, s26;
	(ifvalue) =	ssetifvalue $0xFFFFFFFF  }
0x48: {  	[tilespmem:s17], [sflag:$0x1] =	stream.indirect.gather [hbm4b:s4+s16], $0x80, s28, s16, $0x40b8;
	[tilespmem:$0x1E800] =	vst v63  }
.Ltmp0:
0x49: {  	_ = 	snop;
	(pc) =	sbr.rel @p0 .LBB2_2-.Ltmp0, $4  }
0x4a: {  	s26 =	sadd.s32 $0x1480, s26;
	(ifvalue) =	ssetifvalue $0xFFFFFFFF  }
0x4b: {  	[spmem:s2] =	stream.indirect.scatter.add.f32 [tilespmem:s19], [sflag:$0x3], $0x80, s26, s16, $0x40b8;
	[tilespmem:$0x1E800] =	vst v63  }
0x4c: {  	_ =	swait.ge [sflag:s14], $0x4000  }
0x4d: {  	[sflag:s14] =	ssyncset.done $0x0  }
0x4e: {  	[sflag:s14] =	ssyncadd.s32 $0xFFFFC000  }
0x4f: {  	_ =	swait.ge [sflag:s18], $0x4000  }
0x50: {  	[sflag:s18] =	ssyncset.done $0x0  }
0x51: {  	[sflag:s18] =	ssyncadd.s32 $0xFFFFC000;
	(ifvalue) =	ssetifvalue $0xFFFFFFFF  }
0x52: {  	(ifvalue) =	ssetifvalue $0xFFFFFFFF  }
0x53: {  	[tilespmem:s19], [sflag:$0x2] =	stream.indirect.gather [hbm4b:s4+s16], $0x80, s21, s16, $0x40b8;
	[tilespmem:$0x1E800] =	vst v63  }
0x54: {  	(ifvalue) =	ssetifvalue $0xFFFFFFFF  }
0x55: {  	[spmem:s2] =	stream.indirect.scatter.add.f32 [tilespmem:s17], [sflag:$0x3], $0x80, s22, s16, $0x40b8;
	[tilespmem:$0x1E800] =	vst v63  }
0x56: {  	_ =	swait.ge [sflag:s14], $0x4000  }
0x57: {  	[sflag:s14] =	ssyncset.done $0x0  }
0x58: {  	[sflag:s14] =	ssyncadd.s32 $0xFFFFC000  }
0x59: {  	_ =	swait.ge [sflag:s20], $0x4000  }
0x5a: {  	[sflag:s20] =	ssyncset.done $0x0  }
0x5b: {  	[sflag:s20] =	ssyncadd.s32 $0xFFFFC000;
	(ifvalue) =	ssetifvalue $0xFFFFFFFF  }
0x5c: {  	[spmem:s2] =	stream.indirect.scatter.add.f32 [tilespmem:s19], [sflag:$0x3], $0x80, s23, s16, $0x40b8;
	[tilespmem:$0x1E800] =	vst v63  }
0x5d: {  	_ =	swait.ge [sflag:s14], $0x4000  }
0x5e: {  	[sflag:s14] =	ssyncset.done $0x0  }
0x5f: {  	s25 =	simm.s32 $0x0;
	[sflag:s14] =	ssyncadd.s32 $0xFFFFC000  }
0x60: {  	[tilespmem:s25], [sflag:$0x3] =	stream.linear.gather [hbm4b:s9+s25], $0x1400, $0x38;
	[tilespmem:$0x1E800] =	vst v63  }
0x61: {  	_ =	swait.ge [sflag:s14], $0x1400  }
0x62: {  	[sflag:s14] =	ssyncset.done $0x0  }
0x63: {  	[sflag:s14] =	ssyncadd.s32 $0xFFFFEC00  }
0x64: {  	[tilespmem:s15], [sflag:$0x3] =	stream.linear.gather [hbm4b:s10+s25], $0x1400, $0x38;
	[tilespmem:$0x1E800] =	vst v63  }
0x65: {  	_ =	swait.ge [sflag:s14], $0x1400  }
0x66: {  	[sflag:s14] =	ssyncset.done $0x0  }
0x67: {  	[sflag:s14] =	ssyncadd.s32 $0xFFFFEC00;
	(ifvalue) =	ssetifvalue $0xFFFFFFFF  }
0x68: {  	(ifvalue) =	ssetifvalue $0xFFFFFFFF  }
0x69: {  	[tilespmem:s17], [sflag:$0x1] =	stream.indirect.gather [hbm4b:s4+s16], $0x80, s25, s16, $0x40b8;
	[tilespmem:$0x1E800] =	vst v63  }
0x6a: {  	_ =	swait.ge [sflag:s18], $0x4000  }
0x6b: {  	[sflag:s18] =	ssyncset.done $0x0  }
0x6c: {  	[sflag:s18] =	ssyncadd.s32 $0xFFFFC000;
	(ifvalue) =	ssetifvalue $0xFFFFFFFF  }
0x6d: {  	s28 =	simm.s32 $0x80;
	(ifvalue) =	ssetifvalue $0xFFFFFFFF  }
0x6e: {  	[tilespmem:s19], [sflag:$0x2] =	stream.indirect.gather [hbm4b:s4+s16], $0x80, s28, s16, $0x40b8;
	[tilespmem:$0x1E800] =	vst v63  }
0x6f: {  	s29 =	simm.s32 $0x1400;
	(ifvalue) =	ssetifvalue $0xFFFFFFFF  }
0x70: {  	[spmem:s2] =	stream.indirect.scatter.add.f32 [tilespmem:s17], [sflag:$0x3], $0x80, s29, s16, $0x40b8;
	[tilespmem:$0x1E800] =	vst v63  }
0x71: {  	_ =	swait.ge [sflag:s14], $0x4000  }
0x72: {  	[sflag:s14] =	ssyncset.done $0x0  }
0x73: {  	[sflag:s14] =	ssyncadd.s32 $0xFFFFC000  }
0x74: {  	_ =	swait.ge [sflag:s20], $0x4000  }
0x75: {  	[sflag:s20] =	ssyncset.done $0x0  }
0x76: {  	[sflag:s20] =	ssyncadd.s32 $0xFFFFC000;
	(ifvalue) =	ssetifvalue $0xFFFFFFFF  }
0x77: {  	s30 =	simm.s32 $0x100;
	(ifvalue) =	ssetifvalue $0xFFFFFFFF  }
0x78: {  	[tilespmem:s17], [sflag:$0x1] =	stream.indirect.gather [hbm4b:s4+s16], $0x80, s30, s16, $0x40b8;
	[tilespmem:$0x1E800] =	vst v63  }
0x79: {  	s31 =	simm.s32 $0x1480;
	(ifvalue) =	ssetifvalue $0xFFFFFFFF  }
0x7a: {  	[spmem:s2] =	stream.indirect.scatter.add.f32 [tilespmem:s19], [sflag:$0x3], $0x80, s31, s16, $0x40b8;
	[tilespmem:$0x1E800] =	vst v63  }
0x7b: {  	_ =	swait.ge [sflag:s14], $0x4000  }
0x7c: {  	s25 =	simm.s32 $0x400;
	[sflag:s14] =	ssyncset.done $0x0  }
.LBB2_4:
0x7d: {  	p0 =	sne.s32 s25, $0x4800  }
0x7e: {  	[sflag:s14] =	ssyncadd.s32 $0xFFFFC000;
	s26 =	smov.u32 s25;
	s25 =	sadd.s32 $0x400, s25  }
0x7f: {  	_ = 	snop  }
0x80: {  	_ =	swait.ge [sflag:s18], $0x4000  }
0x81: {  	[sflag:s18] =	ssyncset.done $0x0  }
0x82: {  	[sflag:s18] =	ssyncadd.s32 $0xFFFFC000  }
0x83: {  	s26 =	sshra.s32 s26, $0x2;
	(ifvalue) =	ssetifvalue $0xFFFFFFFF  }
0x84: {  	s28 =	sadd.s32 $0x80, s26;
	(ifvalue) =	ssetifvalue $0xFFFFFFFF  }
0x85: {  	[tilespmem:s19], [sflag:$0x2] =	stream.indirect.gather [hbm4b:s4+s16], $0x80, s28, s16, $0x40b8;
	[tilespmem:$0x1E800] =	vst v63  }
0x86: {  	s28 =	sadd.s32 $0x1400, s26;
	(ifvalue) =	ssetifvalue $0xFFFFFFFF  }
0x87: {  	[spmem:s2] =	stream.indirect.scatter.add.f32 [tilespmem:s17], [sflag:$0x3], $0x80, s28, s16, $0x40b8;
	[tilespmem:$0x1E800] =	vst v63  }
0x88: {  	_ =	swait.ge [sflag:s14], $0x4000  }
0x89: {  	[sflag:s14] =	ssyncset.done $0x0  }
0x8a: {  	[sflag:s14] =	ssyncadd.s32 $0xFFFFC000  }
0x8b: {  	_ =	swait.ge [sflag:s20], $0x4000  }
0x8c: {  	[sflag:s20] =	ssyncset.done $0x0  }
0x8d: {  	[sflag:s20] =	ssyncadd.s32 $0xFFFFC000  }
0x8e: {  	(ifvalue) =	ssetifvalue $0xFFFFFFFF  }
0x8f: {  	s28 =	sadd.s32 $0x100, s26;
	(ifvalue) =	ssetifvalue $0xFFFFFFFF  }
0x90: {  	[tilespmem:s17], [sflag:$0x1] =	stream.indirect.gather [hbm4b:s4+s16], $0x80, s28, s16, $0x40b8;
	[tilespmem:$0x1E800] =	vst v63  }
.Ltmp1:
0x91: {  	_ = 	snop;
	(pc) =	sbr.rel @p0 .LBB2_4-.Ltmp1, $4  }
0x92: {  	s26 =	sadd.s32 $0x1480, s26;
	(ifvalue) =	ssetifvalue $0xFFFFFFFF  }
0x93: {  	[spmem:s2] =	stream.indirect.scatter.add.f32 [tilespmem:s19], [sflag:$0x3], $0x80, s26, s16, $0x40b8;
	[tilespmem:$0x1E800] =	vst v63  }
0x94: {  	_ =	swait.ge [sflag:s14], $0x4000  }
0x95: {  	[sflag:s14] =	ssyncset.done $0x0  }
0x96: {  	[sflag:s14] =	ssyncadd.s32 $0xFFFFC000  }
0x97: {  	_ =	swait.ge [sflag:s18], $0x4000  }
0x98: {  	[sflag:s18] =	ssyncset.done $0x0  }
0x99: {  	[sflag:s18] =	ssyncadd.s32 $0xFFFFC000;
	(ifvalue) =	ssetifvalue $0xFFFFFFFF  }
0x9a: {  	(ifvalue) =	ssetifvalue $0xFFFFFFFF  }
0x9b: {  	[tilespmem:s19], [sflag:$0x2] =	stream.indirect.gather [hbm4b:s4+s16], $0x80, s21, s16, $0x40b8;
	[tilespmem:$0x1E800] =	vst v63  }
0x9c: {  	(ifvalue) =	ssetifvalue $0xFFFFFFFF  }
0x9d: {  	[spmem:s2] =	stream.indirect.scatter.add.f32 [tilespmem:s17], [sflag:$0x3], $0x80, s22, s16, $0x40b8;
	[tilespmem:$0x1E800] =	vst v63  }
0x9e: {  	_ =	swait.ge [sflag:s14], $0x4000  }
0x9f: {  	[sflag:s14] =	ssyncset.done $0x0  }
0xa0: {  	[sflag:s14] =	ssyncadd.s32 $0xFFFFC000  }
0xa1: {  	_ =	swait.ge [sflag:s20], $0x4000  }
0xa2: {  	[sflag:s20] =	ssyncset.done $0x0  }
0xa3: {  	[sflag:s20] =	ssyncadd.s32 $0xFFFFC000;
	(ifvalue) =	ssetifvalue $0xFFFFFFFF  }
0xa4: {  	[spmem:s2] =	stream.indirect.scatter.add.f32 [tilespmem:s19], [sflag:$0x3], $0x80, s23, s16, $0x40b8;
	[tilespmem:$0x1E800] =	vst v63  }
0xa5: {  	_ =	swait.ge [sflag:s14], $0x4000  }
0xa6: {  	s24 =	sadd.s32 $0x1, s24;
	[sflag:s14] =	ssyncset.done $0x0  }
0xa7: {  	p0 =	sne.s32 s24, s12;
	[sflag:s14] =	ssyncadd.s32 $0xFFFFC000  }
.Ltmp2:
0xa8: {  	[bflag:$0x0] =	sbarrier.arrive $0xFFFF;
	(pc) =	sbr.rel @p0 .LBB2_1-.Ltmp2, $4  }
0xa9: {  	[hbm:s11], [sflag:s6] =	dma.local [spmem:s13], $0x2800  }
0xaa: {  	_ =	swait.ge [sflag:s14], $0x2800  }
0xab: {  	[sflag:s14] =	ssyncset.done $0x0  }
0xac: {  	[sflag:s14] =	ssyncadd.s32 $0xFFFFD800  }
0xad: {  	_ =	sfence.sel $0x180000  }
0xae: {  	[bflag:$0x0] =	sbarrier.arrive $0xFFFF  }
0xaf: {  	p0 =	sne.s32 s0, $0x0;
	_ =	strace $0x9000004A  }
0xb0: {  	s0 =	sadd.s32 @!p0 $0x100000, s1;
	[bflag:$0x2] =	sbarrier.arrive $0xFFFF  }
0xb1: {  	[sflag:s0] =	ssyncadd.tile.s32 @!p0 $0x1;
	_ =	shalt  }
.Lfunc_end2:
_tile_overlayer_lowered:
.L_overlay_start_2:
0xb2: {  	(tag) =	ssettag $0x2  }
0xb3: {  	s0 =	rddreg [dreg:$0x0];
	s2 =	stileid.u32  }
0xb4: {  	s1 =	rddreg [dreg:$0x1];
	p0 =	sne.s32 s2, $0x0  }
0xb5: {  	s3 =	rddreg [dreg:$0x2];
	[bflag:$0x3] =	sbarrier.arrive $0xFFFF;
	s2 =	simm.s32 @!p0 $0x1C03  }
0xb6: {  	[timem:s3], [sflag:s2] =	dma.local @!p0 [hbm:s0], s1  }
0xb7: {  	s0 =	simm.s32 @!p0 $0x3  }
0xb8: {  	_ =	swait.ge @!p0 [sflag:s0], s1  }
0xb9: {  	s1 =	ssub.s32 @!p0 $0x0, s1;
	[sflag:s0] =	ssyncset.done @!p0 $0x0  }
0xba: {  	[sflag:s0] =	ssyncadd.s32 @!p0 s1  }
0xbb: {  	[bflag:$0x3] =	sbarrier.arrive $0xFFFF  }
0xbc: {  	_ =	shalt  }

// kernel: kernel.15.cloned.1.call-start
scs
__scs_entry_jumppad:
0x0: {  	(pc) =	sbr.rel $0x88, $3  }
0x1: {  	(tag) =	ssettag $0x0;
	lr =	simm.s32 $0x1  }
0x2: {  	[smem:$0x3F92] =	sst lr;
	_ =	strace $0xD0000000  }
0x3: {  	_ = 	snop  }
0x4: {  	_ = 	snop  }
0x5: {  	_ = 	snop  }
0x6: {  	_ = 	snop  }
0x7: {  	_ = 	snop  }
__scs_overlays_trampoline_lowered:
0x8: {  	[smem:$0x3FA1] =	sst s0  }
0x9: {  	[smem:$0x3FA2] =	sst s1  }
0xa: {  	[smem:$0x3FA3] =	sst s2  }
0xb: {  	[smem:$0x3FA4] =	sst s3  }
0xc: {  	[smem:$0x3FA5] =	sst s4  }
0xd: {  	[smem:$0x3FA6] =	sst s5  }
0xe: {  	[smem:$0x3FA7] =	sst s6  }
0xf: {  	[smem:$0x3FA8] =	sst s7  }
0x10: {  	[smem:$0x3FA9] =	sst s8  }
0x11: {  	[smem:$0x3FAA] =	sst s9;
	s0 =	simm.s32 @!p0 $0x0  }
0x12: {  	s1 =	sld [smem:$0x3F90];
	s0 =	simm.s32 @p0 $0x1  }
0x13: {  	[smem:$0x3FAB] =	sst s0;
	s0 =	simm.s32 @!p1 $0x0  }
0x14: {  	s2 =	sld [smem:$0x3F8F];
	s0 =	simm.s32 @p1 $0x1  }
0x15: {  	[smem:$0x3FAC] =	sst s0;
	s0 =	simm.s32 @!p2 $0x0  }
0x16: {  	s3 =	sld [smem:$0x3FDB];
	s0 =	simm.s32 @p2 $0x1  }
0x17: {  	s4 =	simm.s32 $0x1BF5;
	[smem:$0x3FAE] =	sst s0  }
0x18: {  	s0 =	sld [smem:$0x3F91];
	_ =	swait.ge [sflag:s4], $0x0  }
0x19: {  	s7 =	sld [smem:$0x3F92]  }
0x1a: {  	s8 =	sadd.s32 $0xFFFFE003, lr  }
0x1b: {  	s9 =	sadd.s32 $0xFFFFFEF7, lr;
	s5 =	simm.s32 $0xFFFFFFFF;
	p2 =	slt.u32 s8, $0xFFFFF086  }
0x1c: {  	p1 =	slt.u32 s9, $0xF7A;
	s5 =	simm.s32 @!p2 $0x0  }
0x1d: {  	s5 =	simm.s32 @p1 $0x1;
	p0 =	seq.s32 s7, s2  }
0x1e: {  	s7 =	smul.u32 @!p0 $0xF7A, s2;
	p2 =	seq.s32 @!p0 s5, $0x0  }
0x1f: {  	s9 =	smul.u32 $0xF7A, s1;
	s8 =	simm.s32 @!p0 $0x1BF5;
	p2 =	por !p2, p0  }
0x20: {  	[sflag:s8] =	ssyncset.s32 @!p0 $0xFFFFF086;
	s6 =	sadd.s32 @!p0 s3, s7;
	s7 =	simm.s32 @!p0 $0x108  }
0x21: {  	s3 =	sadd.s32 s3, s9;
	s6 =	sadd.s32 @!p0 $0x88, s6;
	s7 =	simm.s32 @p2 $0x1082  }
0x22: {  	[simem:s7], [sflag:s8] =	dma.local @!p0 [hbm:s6], $0xF7A  }
0x23: {  	s9 =	sor.u32 $0xD0000000, s2;
	s6 =	simm.s32 $0x108;
	_ =	swait.ge @!p0 [sflag:s8], $0x0  }
0x24: {  	s3 =	sadd.s32 $0x88, s3;
	s6 =	simm.s32 @!p1 $0x1082;
	[sflag:s4] =	ssyncset.s32 $0xFFFFF086  }
0x25: {  	[simem:s6], [sflag:s4] =	dma.local [hbm:s3], $0xF7A  }
0x26: {  	[smem:$0x3F92] =	sst s1;
	(tag) =	ssettag s2;
	_ =	strace s9  }
0x27: {  	s1 =	sld [smem:$0x3FA2]  }
0x28: {  	s2 =	sld [smem:$0x3FA3]  }
0x29: {  	s4 =	sld [smem:$0x3FA5]  }
0x2a: {  	p0 =	seq.s32 s5, $0x0;
	s5 =	sld [smem:$0x3FA6]  }
0x2b: {  	s6 =	sld [smem:$0x3FA7]  }
0x2c: {  	s7 =	sld [smem:$0x3FA8]  }
0x2d: {  	s3 =	simm.s32 $0x108;
	s8 =	sld [smem:$0x3FA9]  }
0x2e: {  	s3 =	simm.s32 @!p0 $0x1082;
	s9 =	sld [smem:$0x3FAA]  }
0x2f: {  	lr =	sadd.s32 s0, s3;
	s0 =	sld [smem:$0x3FA1]  }
0x30: {  	s3 =	sld [smem:$0x3FA4]  }
0x31: {  	[smem:$0x3FAD] =	sst s10  }
0x32: {  	s10 =	sld [smem:$0x3FAB];
	_ =	sdelay $0x3  }
0x33: {  	p0 =	seq.s32 s10, $0x1;
	s10 =	sld [smem:$0x3FAD];
	_ =	sdelay $0x3  }
0x34: {  	[smem:$0x3FAD] =	sst s10  }
0x35: {  	s10 =	sld [smem:$0x3FAC];
	_ =	sdelay $0x3  }
0x36: {  	p1 =	seq.s32 s10, $0x1;
	s10 =	sld [smem:$0x3FAD];
	_ =	sdelay $0x3  }
0x37: {  	[smem:$0x3FAD] =	sst s10  }
0x38: {  	s10 =	sld [smem:$0x3FAE]  }
0x39: {  	_ = 	snop;
	(pc) =	sbr.ind lr, $3  }
0x3a: {  	_ = 	snop  }
0x3b: {  	_ = 	snop  }
0x3c: {  	p2 =	seq.s32 s10, $0x1;
	s10 =	sld [smem:$0x3FAD]  }
0x3d: {  	_ =	shalt  }
0x3e: {  	_ =	shalt  }
0x3f: {  	_ =	shalt  }
0x40: {  	_ =	shalt  }
0x41: {  	_ =	shalt  }
0x42: {  	_ =	shalt  }
0x43: {  	_ =	shalt  }
0x44: {  	_ =	shalt  }
0x45: {  	_ =	shalt  }
0x46: {  	_ =	shalt  }
0x47: {  	_ =	shalt  }
0x48: {  	_ =	shalt  }
0x49: {  	_ =	shalt  }
0x4a: {  	_ =	shalt  }
0x4b: {  	_ =	shalt  }
0x4c: {  	_ =	shalt  }
0x4d: {  	_ =	shalt  }
0x4e: {  	_ =	shalt  }
0x4f: {  	_ =	shalt  }
0x50: {  	_ =	shalt  }
0x51: {  	_ =	shalt  }
0x52: {  	_ =	shalt  }
0x53: {  	_ =	shalt  }
0x54: {  	_ =	shalt  }
0x55: {  	_ =	shalt  }
0x56: {  	_ =	shalt  }
0x57: {  	_ =	shalt  }
0x58: {  	_ =	shalt  }
0x59: {  	_ =	shalt  }
0x5a: {  	_ =	shalt  }
0x5b: {  	_ =	shalt  }
0x5c: {  	_ =	shalt  }
0x5d: {  	_ =	shalt  }
0x5e: {  	_ =	shalt  }
0x5f: {  	_ =	shalt  }
0x60: {  	_ =	shalt  }
0x61: {  	_ =	shalt  }
0x62: {  	_ =	shalt  }
0x63: {  	_ =	shalt  }
0x64: {  	_ =	shalt  }
0x65: {  	_ =	shalt  }
0x66: {  	_ =	shalt  }
0x67: {  	_ =	shalt  }
0x68: {  	_ =	shalt  }
0x69: {  	_ =	shalt  }
0x6a: {  	_ =	shalt  }
0x6b: {  	_ =	shalt  }
0x6c: {  	_ =	shalt  }
0x6d: {  	_ =	shalt  }
0x6e: {  	_ =	shalt  }
0x6f: {  	_ =	shalt  }
0x70: {  	_ =	shalt  }
0x71: {  	_ =	shalt  }
0x72: {  	_ =	shalt  }
0x73: {  	_ =	shalt  }
0x74: {  	_ =	shalt  }
0x75: {  	_ =	shalt  }
0x76: {  	_ =	shalt  }
0x77: {  	_ =	shalt  }
0x78: {  	_ =	shalt  }
0x79: {  	_ =	shalt  }
0x7a: {  	_ =	shalt  }
0x7b: {  	_ =	shalt  }
0x7c: {  	_ =	shalt  }
0x7d: {  	_ =	shalt  }
0x7e: {  	_ =	shalt  }
0x7f: {  	_ =	shalt  }
0x80: {  	_ =	shalt  }
0x81: {  	_ =	shalt  }
0x82: {  	_ =	shalt  }
0x83: {  	_ =	shalt  }
0x84: {  	_ =	shalt  }
0x85: {  	_ =	shalt  }
0x86: {  	_ =	shalt  }
0x87: {  	_ =	shalt  }
.Lfunc_end0:
.L_simem_size_0:
called_computation.2_lowered:
.L_overlay_start_0:
0x88: {  	s2 =	sld [smem:$0x3FD9]  }
0x89: {  	s3 =	sld [smem:$0x3FFE];
	_ =	sdelay $0x1  }
0x8a: {  	s1 =	srdreg.scid  }
0x8b: {  	s0 =	sand.u32 $0x1, s1  }
0x8c: {  	s16 =	sshll.u32 s0, $0xA;
	s2 =	sadd.s32 s3, s2  }
0x8d: {  	s2 =	sadd.s32 s2, s16  }
0x8e: {  	[smem:$0x3FB9] =	sst s2  }
0x8f: {  	_ = 	snop  }
0x90: {  	(tm) =	ssettm $0x1  }
0x91: {  	s17 =	sld [smem:$0x3FFB];
	_ =	sdelay $0x3  }
0x92: {  	_ =	strace s17  }
0x93: {  	s2 =	sld [smem:$0x3FFC];
	_ =	sdelay $0x3  }
0x94: {  	_ =	strace s2  }
0x95: {  	s2 =	sld [smem:$0x3FFD];
	_ =	sdelay $0x3  }
0x96: {  	_ =	strace s2  }
0x97: {  	_ =	strace $0x8FFFFFFF  }
0x98: {  	s18 =	sld [smem:$0x3FDB];
	_ =	sdelay $0x1  }
0x99: {  	s19 =	simm.s32 $_scs_section_size  }
0x9a: {  	s4 =	simm.s32 $_size__tile_overlayer_lowered;
	s5 =	simm.s32 $_tile_overlayer_lowered  }
0x9b: {  	s22 =	simm.s32 $0x1BFF;
	s21 =	sshll.u32 s5, $0x1;
	s2 =	sadd.s32 s19, s18  }
0x9c: {  	s6 =	simm.s32 $0x0;
	s20 =	sshll.u32 s4, $0x1;
	s4 =	sadd.s32 s21, s2  }
0x9d: {  	[timem:s6], [sflag:s22] =	dma.local [hbm:s4], s20  }
0x9e: {  	_ =	swait.ge [sflag:s22], s20  }
0x9f: {  	s3 =	ssub.s32 $0x0, s20;
	[sflag:s22] =	ssyncset.done $0x0  }
0xa0: {  	[sflag:s22] =	ssyncadd.s32 s3;
	_ =	sdelay $0x1  }
0xa1: {  	s23 =	simm.s32 $0x1B8B  }
0xa2: {  	_ =	swait.ge [sflag:s23], $0x1  }
0xa3: {  	[sflag:s23] =	ssyncset.done $0x0  }
0xa4: {  	s25 =	simm.s32 $0x1B8E;
	s24 =	sld [smem:$0x3FFE];
	[sflag:s23] =	ssyncadd.s32 $0xFFFFFFFF  }
0xa5: {  	s26 =	simm.s32 $execute0_lowered;
	[smem:$0x3FD2] =	sst s25  }
0xa6: {  	s4 =	sshll.u32 s26, $0x1;
	_ =	strace $0x8000004C;
	[dreg:$0x1] =	wrdreg $0xFFFFFFFF  }
0xa7: {  	s28 =	simm.s32 $_size_execute0_lowered;
	s2 =	sadd.s32 s2, s4;
	[dreg:$0x0] =	wrdreg $0x0  }
0xa8: {  	s4 =	sshll.u32 s28, $0x1;
	[dreg:$0x2] =	wrdreg s2  }
0xa9: {  	[dreg:$0x3] =	wrdreg s4  }
0xaa: {  	[dreg:$0x4] =	wrdreg $0xC0  }
0xab: {  	_ =	task [dreg:s6], $0x5FFFF  }
0xac: {  	[dreg:$0x1] =	wrdreg $0xFFFFFFFF  }
0xad: {  	[dreg:$0x0] =	wrdreg $0x60  }
0xae: {  	[dreg:$0x2] =	wrdreg s24  }
0xaf: {  	[dreg:$0x3] =	wrdreg $0xAE000  }
0xb0: {  	[dreg:$0x4] =	wrdreg $0x9  }
0xb1: {  	_ =	task.clear_ibuf [dreg:s6], $0x5FFFF;
	_ =	strace $0x9000004C  }
0xb2: {  	s29 =	simm.s32 $0x9;
	_ =	strace $0x8000004E  }
0xb3: {  	_ =	swait.ge [sflag:s29], $0x1  }
0xb4: {  	[sflag:s29] =	ssyncadd.s32 $0xFFFFFFFF  }
0xb5: {  	_ =	strace $0x9000004E  }
0xb6: {  	_ =	sfence  }
0xb7: {  	s30 =	sld [smem:$0x0];
	_ =	sdelay $0x2  }
0xb8: {  	s31 =	sshll.u32 s1, $0xD;
	s1 =	sshrl.u32 s1, $0x2  }
0xb9: {  	s3 =	sand.u32 $0x4000, s31;
	s1 =	sadd.s32 s1, s30  }
0xba: {  	s0 =	sor.u32 s3, s0;
	s1 =	sshll.u32 s1, $0x11  }
0xbb: {  	s0 =	sor.u32 s1, s0  }
0xbc: {  	s0 =	sadd.s32 $0x8F2B, s0  }
0xbd: {  	[sflag:s0] =	ssyncadd.remote.s32 $0x1  }
0xbe: {  	_ =	sfence.sel $0xFFFF  }
0xbf: {  	[dreg:$0x0] =	wrdreg $0xFFFFFFFF;
	(pc) =	sbr.abs _section_cstart, $3  }
0xc0: {  	[dreg:$0x1] =	wrdreg $0xFFFFFFFF  }
0xc1: {  	_ =	task.clear_ibuf [dreg:s6], $0x2FFFF;
	_ =	strace $0x9FFFFFFF  }
0xc2: {  	(tm) =	ssettm $0x7FFFFFFF  }
0xc3: {  	_ =	shalt  }
tec
execute0_lowered:
.L_overlay_start_1:
0x0: {  	(tag) =	ssettag $0x1  }
0x1: {  	s0 =	srdreg.scid;
	s1 =	rddreg [dreg:$0x0]  }
0x2: {  	s21 =	stileid.u32;
	s2 =	rddreg [dreg:$0x1];
	s3 =	simm.s32 $0x0  }
0x3: {  	s28 =	simm.s32 $0x2800;
	s29 =	simm.s32 $0x1;
	s5 =	smul.u32 $0x2800, s21  }
0x4: {  	s30 =	simm.s32 $0x6800;
	s31 =	simm.s32 $0x2;
	s11 =	smul.u32 $0x120, s21  }
0x5: {  	s0 =	sand.u32 $0x1, s0;
	[smem:$0x7FF] =	sst s3;
	s13 =	smul.u32 $0x50000, s21  }
0x6: {  	s9 =	sshll.u32 s21, $0x7;
	p0 =	sgt.u32 s21, $0x7;
	s4 =	smul.u32 $0x28000, s0  }
0x7: {  	_ =	strace $0x8000004D;
	s8 =	smul.u32 $0x2400, s0;
	s10 =	sshll.u32 s0, $0x4  }
0x8: {  	s9 =	sadd.s32 s9, s1;
	s0 =	ssub.s32 $0x2, s0;
	s16 =	sor.u32 s21, s10  }
0x9: {  	s18 =	sshrl.u32 s0, $0x1;
	s13 =	sshrl.u32 s13, $0x2;
	s24 =	sadd.s32 $0x4600, s9  }
0xa: {  	s9 =	simm.s32 $0x60;
	s6 =	sadd.s32 s5, s4;
	s4 =	sadd.s32 $0x13600, s1  }
0xb: {  	s5 =	sshrl.u32 s5, $0x3;
	s10 =	sshll.u32 s16, $0x6;
	s8 =	sadd.s32 s8, s11  }
0xc: {  	s17 =	smul.u32 $0x1200, s16;
	s0 =	ssub.s32 s0, s18;
	s11 =	sadd.s32 s13, s2  }
0xd: {  	[dreg:$0x8] =	wrdreg s24;
	s24 =	simm.s32 $0x3;
	s7 =	sshrl.u32 s6, $0x3  }
0xe: {  	s12 =	sadd.s32 s5, s1;
	s10 =	sadd.s32 s10, s1;
	s8 =	sshll.u32 s8, $0x4  }
0xf: {  	s5 =	sadd.s32 $0xCA600, s1;
	s6 =	sadd.s32 s4, s6;
	s14 =	smax.u32 s0, $0x1  }
0x10: {  	s0 =	simm.s32 $0x2700;
	s7 =	sadd.s32 s7, s1;
	s8 =	sadd.s32 s8, s1  }
0x11: {  	s1 =	sadd.s32 s17, s1;
	[dreg:$0x3] =	wrdreg s6;
	s20 =	sadd.s32 $0xE600, s12  }
0x12: {  	s23 =	sadd.s32 $0xE880, s12;
	s25 =	sadd.s32 $0x4E00, s10;
	s6 =	simm.s32 $0x2780  }
0x13: {  	s10 =	simm.s32 $0x0;
	s19 =	sadd.s32 $0xC0600, s7;
	[dreg:$0x5] =	wrdreg s20  }
0x14: {  	s22 =	sadd.s32 $0xC0880, s7;
	[dreg:$0x7] =	wrdreg s23;
	s26 =	sadd.s32 $0x63600, s1  }
0x15: {  	s15 =	sadd.s32 $0xF1800, s8;
	s16 =	sadd.s32 $0xF1E00, s8;
	s17 =	sadd.s32 $0xF2400, s8  }
0x16: {  	[dreg:$0x9] =	wrdreg s25;
	s18 =	sadd.s32 $0x103800, s8;
	s20 =	sadd.s32 $0x104400, s8  }
0x17: {  	s21 =	sadd.s32 $0x63C00, s1;
	s23 =	sshrl.u32 @!p0 s11, $0x3;
	[dreg:$0x4] =	wrdreg s19  }
0x18: {  	s25 =	simm.s32 $0x1400;
	s7 =	simm.s32 $0xA800;
	[dreg:$0x6] =	wrdreg s22  }
0x19: {  	[dreg:$0xa] =	wrdreg s26;
	s19 =	sadd.s32 $0x103E00, s8;
	s22 =	sadd.s32 $0x64200, s1  }
0x1a: {  	s26 =	simm.s32 $0x80;
	s1 =	simm.s32 $0x1380;
	s8 =	simm.s32 $0xAC00  }
.LBB2_1:
0x1b: {  	s11 =	stileid.u32  }
0x1c: {  	s11 =	sshll.u32 @!p0 s11, $0x6  }
0x1d: {  	s12 =	rddreg [dreg:$0x3];
	s11 =	sor.u32 @!p0 $0x1C03, s11  }
0x1e: {  	[spmem:s23], [sflag:s11] =	dma.local @!p0 [hbm:s12], $0x2800  }
0x1f: {  	s11 =	simm.s32 @!p0 $0x3  }
0x20: {  	_ =	swait.ge @!p0 [sflag:s11], $0x2800  }
0x21: {  	[sflag:s11] =	ssyncset.done @!p0 $0x0  }
0x22: {  	s12 =	rddreg [dreg:$0x4];
	[sflag:s11] =	ssyncadd.s32 @!p0 $0xFFFFD800  }
0x23: {  	[tilespmem:s3], [sflag:$0x3] =	stream.linear.gather [hbm4b:s12+s3], $0x1400, $0x38;
	[tilespmem:$0x1EE00] =	vst v63  }
0x24: {  	_ =	swait.ge [sflag:s24], $0x1400  }
0x25: {  	[sflag:s24] =	ssyncset.done $0x0  }
0x26: {  	s13 =	rddreg [dreg:$0x5];
	[sflag:s24] =	ssyncadd.s32 $0xFFFFEC00  }
0x27: {  	[tilespmem:s25], [sflag:$0x3] =	stream.linear.gather [hbm4b:s13+s3], $0x1400, $0x38;
	[tilespmem:$0x1EE00] =	vst v63  }
0x28: {  	_ =	swait.ge [sflag:s24], $0x1400  }
0x29: {  	[sflag:s24] =	ssyncset.done $0x0  }
0x2a: {  	[sflag:s24] =	ssyncadd.s32 $0xFFFFEC00;
	(ifvalue) =	ssetifvalue $0xFFFFFFFF  }
0x2b: {  	(ifvalue) =	ssetifvalue $0xFFFFFFFF  }
0x2c: {  	[tilespmem:s28], [sflag:$0x1] =	stream.indirect.gather [hbm4b:s4+s26], $0x80, s3, s26, $0x40b8;
	[tilespmem:$0x1EE00] =	vst v63  }
0x2d: {  	[bflag:$0x0] =	sbarrier.arrive $0xFFFF  }
0x2e: {  	_ =	swait.ge [sflag:s29], $0x4000  }
0x2f: {  	[sflag:s29] =	ssyncset.done $0x0  }
0x30: {  	[sflag:s29] =	ssyncadd.s32 $0xFFFFC000;
	(ifvalue) =	ssetifvalue $0xFFFFFFFF  }
0x31: {  	s12 =	simm.s32 $0x80;
	(ifvalue) =	ssetifvalue $0xFFFFFFFF  }
0x32: {  	[tilespmem:s30], [sflag:$0x2] =	stream.indirect.gather [hbm4b:s4+s26], $0x80, s12, s26, $0x40b8;
	[tilespmem:$0x1EE00] =	vst v63  }
0x33: {  	s13 =	simm.s32 $0x1400;
	(ifvalue) =	ssetifvalue $0xFFFFFFFF  }
0x34: {  	[spmem:s2] =	stream.indirect.scatter.add.f32 [tilespmem:s28], [sflag:$0x3], $0x80, s13, s26, $0x40b8;
	[tilespmem:$0x1EE00] =	vst v63  }
0x35: {  	_ =	swait.ge [sflag:s24], $0x4000  }
0x36: {  	[sflag:s24] =	ssyncset.done $0x0  }
0x37: {  	[sflag:s24] =	ssyncadd.s32 $0xFFFFC000  }
0x38: {  	_ =	swait.ge [sflag:s31], $0x4000  }
0x39: {  	[sflag:s31] =	ssyncset.done $0x0  }
0x3a: {  	[sflag:s31] =	ssyncadd.s32 $0xFFFFC000;
	(ifvalue) =	ssetifvalue $0xFFFFFFFF  }
0x3b: {  	s12 =	simm.s32 $0x100;
	(ifvalue) =	ssetifvalue $0xFFFFFFFF  }
0x3c: {  	[tilespmem:s28], [sflag:$0x1] =	stream.indirect.gather [hbm4b:s4+s26], $0x80, s12, s26, $0x40b8;
	[tilespmem:$0x1EE00] =	vst v63  }
0x3d: {  	s13 =	simm.s32 $0x1480;
	(ifvalue) =	ssetifvalue $0xFFFFFFFF  }
0x3e: {  	[spmem:s2] =	stream.indirect.scatter.add.f32 [tilespmem:s30], [sflag:$0x3], $0x80, s13, s26, $0x40b8;
	[tilespmem:$0x1EE00] =	vst v63  }
0x3f: {  	_ =	swait.ge [sflag:s24], $0x4000  }
0x40: {  	s11 =	simm.s32 $0x400;
	[sflag:s24] =	ssyncset.done $0x0  }
.LBB2_2:
0x41: {  	p1 =	sne.s32 s11, $0x4800  }
0x42: {  	[sflag:s24] =	ssyncadd.s32 $0xFFFFC000;
	s12 =	smov.u32 s11;
	s11 =	sadd.s32 $0x400, s11  }
0x43: {  	_ = 	snop  }
0x44: {  	_ =	swait.ge [sflag:s29], $0x4000  }
0x45: {  	[sflag:s29] =	ssyncset.done $0x0  }
0x46: {  	[sflag:s29] =	ssyncadd.s32 $0xFFFFC000  }
0x47: {  	s12 =	sshra.s32 s12, $0x2;
	(ifvalue) =	ssetifvalue $0xFFFFFFFF  }
0x48: {  	s13 =	sadd.s32 $0x80, s12;
	(ifvalue) =	ssetifvalue $0xFFFFFFFF  }
0x49: {  	[tilespmem:s30], [sflag:$0x2] =	stream.indirect.gather [hbm4b:s4+s26], $0x80, s13, s26, $0x40b8;
	[tilespmem:$0x1EE00] =	vst v63  }
0x4a: {  	s13 =	sadd.s32 $0x1400, s12;
	(ifvalue) =	ssetifvalue $0xFFFFFFFF  }
0x4b: {  	[spmem:s2] =	stream.indirect.scatter.add.f32 [tilespmem:s28], [sflag:$0x3], $0x80, s13, s26, $0x40b8;
	[tilespmem:$0x1EE00] =	vst v63  }
0x4c: {  	_ =	swait.ge [sflag:s24], $0x4000  }
0x4d: {  	[sflag:s24] =	ssyncset.done $0x0  }
0x4e: {  	[sflag:s24] =	ssyncadd.s32 $0xFFFFC000  }
0x4f: {  	_ =	swait.ge [sflag:s31], $0x4000  }
0x50: {  	[sflag:s31] =	ssyncset.done $0x0  }
0x51: {  	[sflag:s31] =	ssyncadd.s32 $0xFFFFC000  }
0x52: {  	(ifvalue) =	ssetifvalue $0xFFFFFFFF  }
0x53: {  	s13 =	sadd.s32 $0x100, s12;
	(ifvalue) =	ssetifvalue $0xFFFFFFFF  }
0x54: {  	[tilespmem:s28], [sflag:$0x1] =	stream.indirect.gather [hbm4b:s4+s26], $0x80, s13, s26, $0x40b8;
	[tilespmem:$0x1EE00] =	vst v63  }
.Ltmp0:
0x55: {  	_ = 	snop;
	(pc) =	sbr.rel @p1 .LBB2_2-.Ltmp0, $4  }
0x56: {  	s12 =	sadd.s32 $0x1480, s12;
	(ifvalue) =	ssetifvalue $0xFFFFFFFF  }
0x57: {  	[spmem:s2] =	stream.indirect.scatter.add.f32 [tilespmem:s30], [sflag:$0x3], $0x80, s12, s26, $0x40b8;
	[tilespmem:$0x1EE00] =	vst v63  }
0x58: {  	_ =	swait.ge [sflag:s24], $0x4000  }
0x59: {  	[sflag:s24] =	ssyncset.done $0x0  }
0x5a: {  	[sflag:s24] =	ssyncadd.s32 $0xFFFFC000  }
0x5b: {  	_ =	swait.ge [sflag:s29], $0x4000  }
0x5c: {  	[sflag:s29] =	ssyncset.done $0x0  }
0x5d: {  	[sflag:s29] =	ssyncadd.s32 $0xFFFFC000;
	(ifvalue) =	ssetifvalue $0xFFFFFFFF  }
0x5e: {  	(ifvalue) =	ssetifvalue $0xFFFFFFFF  }
0x5f: {  	[tilespmem:s30], [sflag:$0x2] =	stream.indirect.gather [hbm4b:s4+s26], $0x80, s1, s26, $0x40b8;
	[tilespmem:$0x1EE00] =	vst v63  }
0x60: {  	(ifvalue) =	ssetifvalue $0xFFFFFFFF  }
0x61: {  	[spmem:s2] =	stream.indirect.scatter.add.f32 [tilespmem:s28], [sflag:$0x3], $0x80, s0, s26, $0x40b8;
	[tilespmem:$0x1EE00] =	vst v63  }
0x62: {  	_ =	swait.ge [sflag:s24], $0x4000  }
0x63: {  	[sflag:s24] =	ssyncset.done $0x0  }
0x64: {  	[sflag:s24] =	ssyncadd.s32 $0xFFFFC000  }
0x65: {  	_ =	swait.ge [sflag:s31], $0x4000  }
0x66: {  	[sflag:s31] =	ssyncset.done $0x0  }
0x67: {  	[sflag:s31] =	ssyncadd.s32 $0xFFFFC000;
	(ifvalue) =	ssetifvalue $0xFFFFFFFF  }
0x68: {  	[spmem:s2] =	stream.indirect.scatter.add.f32 [tilespmem:s30], [sflag:$0x3], $0x80, s6, s26, $0x40b8;
	[tilespmem:$0x1EE00] =	vst v63  }
0x69: {  	_ =	swait.ge [sflag:s24], $0x4000  }
0x6a: {  	[sflag:s24] =	ssyncset.done $0x0  }
0x6b: {  	s11 =	simm.s32 $0x0;
	s12 =	rddreg [dreg:$0x6];
	[sflag:s24] =	ssyncadd.s32 $0xFFFFC000  }
0x6c: {  	[tilespmem:s11], [sflag:$0x3] =	stream.linear.gather [hbm4b:s12+s11], $0x1400, $0x38;
	[tilespmem:$0x1EE00] =	vst v63  }
0x6d: {  	_ =	swait.ge [sflag:s24], $0x1400  }
0x6e: {  	[sflag:s24] =	ssyncset.done $0x0  }
0x6f: {  	s13 =	rddreg [dreg:$0x7];
	[sflag:s24] =	ssyncadd.s32 $0xFFFFEC00  }
0x70: {  	[tilespmem:s25], [sflag:$0x3] =	stream.linear.gather [hbm4b:s13+s11], $0x1400, $0x38;
	[tilespmem:$0x1EE00] =	vst v63  }
0x71: {  	_ =	swait.ge [sflag:s24], $0x1400  }
0x72: {  	[sflag:s24] =	ssyncset.done $0x0  }
0x73: {  	[sflag:s24] =	ssyncadd.s32 $0xFFFFEC00;
	(ifvalue) =	ssetifvalue $0xFFFFFFFF  }
0x74: {  	(ifvalue) =	ssetifvalue $0xFFFFFFFF  }
0x75: {  	[tilespmem:s28], [sflag:$0x1] =	stream.indirect.gather [hbm4b:s4+s26], $0x80, s11, s26, $0x40b8;
	[tilespmem:$0x1EE00] =	vst v63  }
0x76: {  	_ =	swait.ge [sflag:s29], $0x4000  }
0x77: {  	[sflag:s29] =	ssyncset.done $0x0  }
0x78: {  	[sflag:s29] =	ssyncadd.s32 $0xFFFFC000;
	(ifvalue) =	ssetifvalue $0xFFFFFFFF  }
0x79: {  	s12 =	simm.s32 $0x80;
	(ifvalue) =	ssetifvalue $0xFFFFFFFF  }
0x7a: {  	[tilespmem:s30], [sflag:$0x2] =	stream.indirect.gather [hbm4b:s4+s26], $0x80, s12, s26, $0x40b8;
	[tilespmem:$0x1EE00] =	vst v63  }
0x7b: {  	s13 =	simm.s32 $0x1400;
	(ifvalue) =	ssetifvalue $0xFFFFFFFF  }
0x7c: {  	[spmem:s2] =	stream.indirect.scatter.add.f32 [tilespmem:s28], [sflag:$0x3], $0x80, s13, s26, $0x40b8;
	[tilespmem:$0x1EE00] =	vst v63  }
0x7d: {  	_ =	swait.ge [sflag:s24], $0x4000  }
0x7e: {  	[sflag:s24] =	ssyncset.done $0x0  }
0x7f: {  	[sflag:s24] =	ssyncadd.s32 $0xFFFFC000  }
0x80: {  	_ =	swait.ge [sflag:s31], $0x4000  }
0x81: {  	[sflag:s31] =	ssyncset.done $0x0  }
0x82: {  	[sflag:s31] =	ssyncadd.s32 $0xFFFFC000;
	(ifvalue) =	ssetifvalue $0xFFFFFFFF  }
0x83: {  	s12 =	simm.s32 $0x100;
	(ifvalue) =	ssetifvalue $0xFFFFFFFF  }
0x84: {  	[tilespmem:s28], [sflag:$0x1] =	stream.indirect.gather [hbm4b:s4+s26], $0x80, s12, s26, $0x40b8;
	[tilespmem:$0x1EE00] =	vst v63  }
0x85: {  	s13 =	simm.s32 $0x1480;
	(ifvalue) =	ssetifvalue $0xFFFFFFFF  }
0x86: {  	[spmem:s2] =	stream.indirect.scatter.add.f32 [tilespmem:s30], [sflag:$0x3], $0x80, s13, s26, $0x40b8;
	[tilespmem:$0x1EE00] =	vst v63  }
0x87: {  	_ =	swait.ge [sflag:s24], $0x4000  }
0x88: {  	s11 =	simm.s32 $0x400;
	[sflag:s24] =	ssyncset.done $0x0  }
.LBB2_4:
0x89: {  	p1 =	sne.s32 s11, $0x4800  }
0x8a: {  	[sflag:s24] =	ssyncadd.s32 $0xFFFFC000;
	s12 =	smov.u32 s11;
	s11 =	sadd.s32 $0x400, s11  }
0x8b: {  	_ = 	snop  }
0x8c: {  	_ =	swait.ge [sflag:s29], $0x4000  }
0x8d: {  	[sflag:s29] =	ssyncset.done $0x0  }
0x8e: {  	[sflag:s29] =	ssyncadd.s32 $0xFFFFC000  }
0x8f: {  	s12 =	sshra.s32 s12, $0x2;
	(ifvalue) =	ssetifvalue $0xFFFFFFFF  }
0x90: {  	s13 =	sadd.s32 $0x80, s12;
	(ifvalue) =	ssetifvalue $0xFFFFFFFF  }
0x91: {  	[tilespmem:s30], [sflag:$0x2] =	stream.indirect.gather [hbm4b:s4+s26], $0x80, s13, s26, $0x40b8;
	[tilespmem:$0x1EE00] =	vst v63  }
0x92: {  	s13 =	sadd.s32 $0x1400, s12;
	(ifvalue) =	ssetifvalue $0xFFFFFFFF  }
0x93: {  	[spmem:s2] =	stream.indirect.scatter.add.f32 [tilespmem:s28], [sflag:$0x3], $0x80, s13, s26, $0x40b8;
	[tilespmem:$0x1EE00] =	vst v63  }
0x94: {  	_ =	swait.ge [sflag:s24], $0x4000  }
0x95: {  	[sflag:s24] =	ssyncset.done $0x0  }
0x96: {  	[sflag:s24] =	ssyncadd.s32 $0xFFFFC000  }
0x97: {  	_ =	swait.ge [sflag:s31], $0x4000  }
0x98: {  	[sflag:s31] =	ssyncset.done $0x0  }
0x99: {  	[sflag:s31] =	ssyncadd.s32 $0xFFFFC000  }
0x9a: {  	(ifvalue) =	ssetifvalue $0xFFFFFFFF  }
0x9b: {  	s13 =	sadd.s32 $0x100, s12;
	(ifvalue) =	ssetifvalue $0xFFFFFFFF  }
0x9c: {  	[tilespmem:s28], [sflag:$0x1] =	stream.indirect.gather [hbm4b:s4+s26], $0x80, s13, s26, $0x40b8;
	[tilespmem:$0x1EE00] =	vst v63  }
.Ltmp1:
0x9d: {  	_ = 	snop;
	(pc) =	sbr.rel @p1 .LBB2_4-.Ltmp1, $4  }
0x9e: {  	s12 =	sadd.s32 $0x1480, s12;
	(ifvalue) =	ssetifvalue $0xFFFFFFFF  }
0x9f: {  	[spmem:s2] =	stream.indirect.scatter.add.f32 [tilespmem:s30], [sflag:$0x3], $0x80, s12, s26, $0x40b8;
	[tilespmem:$0x1EE00] =	vst v63  }
0xa0: {  	_ =	swait.ge [sflag:s24], $0x4000  }
0xa1: {  	[sflag:s24] =	ssyncset.done $0x0  }
0xa2: {  	[sflag:s24] =	ssyncadd.s32 $0xFFFFC000  }
0xa3: {  	_ =	swait.ge [sflag:s29], $0x4000  }
0xa4: {  	[sflag:s29] =	ssyncset.done $0x0  }
0xa5: {  	[sflag:s29] =	ssyncadd.s32 $0xFFFFC000;
	(ifvalue) =	ssetifvalue $0xFFFFFFFF  }
0xa6: {  	(ifvalue) =	ssetifvalue $0xFFFFFFFF  }
0xa7: {  	[tilespmem:s30], [sflag:$0x2] =	stream.indirect.gather [hbm4b:s4+s26], $0x80, s1, s26, $0x40b8;
	[tilespmem:$0x1EE00] =	vst v63  }
0xa8: {  	(ifvalue) =	ssetifvalue $0xFFFFFFFF  }
0xa9: {  	[spmem:s2] =	stream.indirect.scatter.add.f32 [tilespmem:s28], [sflag:$0x3], $0x80, s0, s26, $0x40b8;
	[tilespmem:$0x1EE00] =	vst v63  }
0xaa: {  	_ =	swait.ge [sflag:s24], $0x4000  }
0xab: {  	[sflag:s24] =	ssyncset.done $0x0  }
0xac: {  	[sflag:s24] =	ssyncadd.s32 $0xFFFFC000  }
0xad: {  	_ =	swait.ge [sflag:s31], $0x4000  }
0xae: {  	[sflag:s31] =	ssyncset.done $0x0  }
0xaf: {  	[sflag:s31] =	ssyncadd.s32 $0xFFFFC000;
	(ifvalue) =	ssetifvalue $0xFFFFFFFF  }
0xb0: {  	[spmem:s2] =	stream.indirect.scatter.add.f32 [tilespmem:s30], [sflag:$0x3], $0x80, s6, s26, $0x40b8;
	[tilespmem:$0x1EE00] =	vst v63  }
0xb1: {  	_ =	swait.ge [sflag:s24], $0x4000  }
0xb2: {  	[sflag:s24] =	ssyncset.done $0x0  }
0xb3: {  	[sflag:s24] =	ssyncadd.s32 $0xFFFFC000  }
0xb4: {  	[bflag:$0x0] =	sbarrier.arrive $0xFFFF  }
0xb5: {  	s11 =	rddreg [dreg:$0x8]  }
0xb6: {  	[tilespmem:s7], [sflag:$0x3] =	stream.linear.gather [hbm4b:s11+s3], $0x300, $0x38;
	[tilespmem:$0x1EE00] =	vst v63  }
0xb7: {  	_ =	swait.ge [sflag:s24], $0x300  }
0xb8: {  	[sflag:s24] =	ssyncset.done $0x0  }
0xb9: {  	s13 =	rddreg [dreg:$0x9];
	[sflag:s24] =	ssyncadd.s32 $0xFFFFFD00  }
0xba: {  	[tilespmem:s8], [sflag:$0x3] =	stream.linear.gather [hbm4b:s13+s3], $0x180, $0x38;
	[tilespmem:$0x1EE00] =	vst v63  }
0xbb: {  	_ =	swait.ge [sflag:s24], $0x180  }
0xbc: {  	[sflag:s24] =	ssyncset.done $0x0  }
0xbd: {  	[sflag:s24] =	ssyncadd.s32 $0xFFFFFE80  }
0xbe: {  	[tilespmem:s28], [sflag:$0x1] =	stream.indirect.gather [spmem:s2], $0x80, s7, s9, $0xb8;
	[tilespmem:$0x1EE00] =	vst v63  }
0xbf: {  	_ =	swait.ge [sflag:s29], $0x3000  }
0xc0: {  	[sflag:s29] =	ssyncset.done $0x0  }
0xc1: {  	[sflag:s29] =	ssyncadd.s32 $0xFFFFD000  }
0xc2: {  	[hbm4b:s15+s3] =	stream.linear.scatter [tilespmem:s28], [sflag:$0x3], $0x3000, $0x38;
	[tilespmem:$0x1EE00] =	vst v63  }
0xc3: {  	_ =	swait.ge [sflag:s24], $0x3000  }
0xc4: {  	[sflag:s24] =	ssyncset.done $0x0  }
0xc5: {  	s12 =	simm.s32 $0xA880;
	[sflag:s24] =	ssyncadd.s32 $0xFFFFD000  }
0xc6: {  	[tilespmem:s28], [sflag:$0x1] =	stream.indirect.gather [spmem:s2], $0x80, s12, s9, $0xb8;
	[tilespmem:$0x1EE00] =	vst v63  }
0xc7: {  	_ =	swait.ge [sflag:s29], $0x3000  }
0xc8: {  	[sflag:s29] =	ssyncset.done $0x0  }
0xc9: {  	[sflag:s29] =	ssyncadd.s32 $0xFFFFD000  }
0xca: {  	[hbm4b:s16+s3] =	stream.linear.scatter [tilespmem:s28], [sflag:$0x3], $0x3000, $0x38;
	[tilespmem:$0x1EE00] =	vst v63  }
0xcb: {  	_ =	swait.ge [sflag:s24], $0x3000  }
0xcc: {  	[sflag:s24] =	ssyncset.done $0x0  }
0xcd: {  	s13 =	simm.s32 $0xA900;
	[sflag:s24] =	ssyncadd.s32 $0xFFFFD000  }
0xce: {  	[tilespmem:s28], [sflag:$0x1] =	stream.indirect.gather [spmem:s2], $0x80, s13, s9, $0xb8;
	[tilespmem:$0x1EE00] =	vst v63  }
0xcf: {  	_ =	swait.ge [sflag:s29], $0x3000  }
0xd0: {  	[sflag:s29] =	ssyncset.done $0x0  }
0xd1: {  	[sflag:s29] =	ssyncadd.s32 $0xFFFFD000  }
0xd2: {  	[hbm4b:s17+s3] =	stream.linear.scatter [tilespmem:s28], [sflag:$0x3], $0x3000, $0x38;
	[tilespmem:$0x1EE00] =	vst v63  }
0xd3: {  	_ =	swait.ge [sflag:s24], $0x3000  }
0xd4: {  	[sflag:s24] =	ssyncset.done $0x0  }
0xd5: {  	s12 =	simm.s32 $0xA980;
	[sflag:s24] =	ssyncadd.s32 $0xFFFFD000  }
0xd6: {  	[tilespmem:s28], [sflag:$0x1] =	stream.indirect.gather [spmem:s2], $0x80, s12, s9, $0xb8;
	[tilespmem:$0x1EE00] =	vst v63  }
0xd7: {  	_ =	swait.ge [sflag:s29], $0x3000  }
0xd8: {  	[sflag:s29] =	ssyncset.done $0x0  }
0xd9: {  	[sflag:s29] =	ssyncadd.s32 $0xFFFFD000  }
0xda: {  	[hbm4b:s18+s3] =	stream.linear.scatter [tilespmem:s28], [sflag:$0x3], $0x3000, $0x38;
	[tilespmem:$0x1EE00] =	vst v63  }
0xdb: {  	_ =	swait.ge [sflag:s24], $0x3000  }
0xdc: {  	[sflag:s24] =	ssyncset.done $0x0  }
0xdd: {  	s13 =	simm.s32 $0xAA00;
	[sflag:s24] =	ssyncadd.s32 $0xFFFFD000  }
0xde: {  	[tilespmem:s28], [sflag:$0x1] =	stream.indirect.gather [spmem:s2], $0x80, s13, s9, $0xb8;
	[tilespmem:$0x1EE00] =	vst v63  }
0xdf: {  	_ =	swait.ge [sflag:s29], $0x3000  }
0xe0: {  	[sflag:s29] =	ssyncset.done $0x0  }
0xe1: {  	[sflag:s29] =	ssyncadd.s32 $0xFFFFD000  }
0xe2: {  	[hbm4b:s19+s3] =	stream.linear.scatter [tilespmem:s28], [sflag:$0x3], $0x3000, $0x38;
	[tilespmem:$0x1EE00] =	vst v63  }
0xe3: {  	_ =	swait.ge [sflag:s24], $0x3000  }
0xe4: {  	[sflag:s24] =	ssyncset.done $0x0  }
0xe5: {  	s12 =	simm.s32 $0xAA80;
	[sflag:s24] =	ssyncadd.s32 $0xFFFFD000  }
0xe6: {  	[tilespmem:s28], [sflag:$0x1] =	stream.indirect.gather [spmem:s2], $0x80, s12, s9, $0xb8;
	[tilespmem:$0x1EE00] =	vst v63  }
0xe7: {  	_ =	swait.ge [sflag:s29], $0x3000  }
0xe8: {  	[sflag:s29] =	ssyncset.done $0x0  }
0xe9: {  	[sflag:s29] =	ssyncadd.s32 $0xFFFFD000  }
0xea: {  	[hbm4b:s20+s3] =	stream.linear.scatter [tilespmem:s28], [sflag:$0x3], $0x3000, $0x38;
	[tilespmem:$0x1EE00] =	vst v63  }
0xeb: {  	_ =	swait.ge [sflag:s24], $0x3000  }
0xec: {  	[sflag:s24] =	ssyncset.done $0x0  }
0xed: {  	[sflag:s24] =	ssyncadd.s32 $0xFFFFD000  }
0xee: {  	[tilespmem:s30], [sflag:$0x2] =	stream.indirect.gather [hbm4b:s5+s9], $0x80, s8, s9, $0xb8;
	[tilespmem:$0x1EE00] =	vst v63  }
0xef: {  	_ =	swait.ge [sflag:s31], $0x3000  }
0xf0: {  	[sflag:s31] =	ssyncset.done $0x0  }
0xf1: {  	s13 =	rddreg [dreg:$0xa];
	[sflag:s31] =	ssyncadd.s32 $0xFFFFD000  }
0xf2: {  	[hbm4b:s13+s3] =	stream.linear.scatter [tilespmem:s30], [sflag:$0x3], $0x3000, $0x38;
	[tilespmem:$0x1EE00] =	vst v63  }
0xf3: {  	_ =	swait.ge [sflag:s24], $0x3000  }
0xf4: {  	[sflag:s24] =	ssyncset.done $0x0  }
0xf5: {  	s12 =	simm.s32 $0xAC80;
	[sflag:s24] =	ssyncadd.s32 $0xFFFFD000  }
0xf6: {  	[tilespmem:s30], [sflag:$0x2] =	stream.indirect.gather [hbm4b:s5+s9], $0x80, s12, s9, $0xb8;
	[tilespmem:$0x1EE00] =	vst v63  }
0xf7: {  	_ =	swait.ge [sflag:s31], $0x3000  }
0xf8: {  	[sflag:s31] =	ssyncset.done $0x0  }
0xf9: {  	[sflag:s31] =	ssyncadd.s32 $0xFFFFD000  }
0xfa: {  	[hbm4b:s21+s3] =	stream.linear.scatter [tilespmem:s30], [sflag:$0x3], $0x3000, $0x38;
	[tilespmem:$0x1EE00] =	vst v63  }
0xfb: {  	_ =	swait.ge [sflag:s24], $0x3000  }
0xfc: {  	[sflag:s24] =	ssyncset.done $0x0  }
0xfd: {  	s13 =	simm.s32 $0xAD00;
	[sflag:s24] =	ssyncadd.s32 $0xFFFFD000  }
0xfe: {  	[tilespmem:s30], [sflag:$0x2] =	stream.indirect.gather [hbm4b:s5+s9], $0x80, s13, s9, $0xb8;
	[tilespmem:$0x1EE00] =	vst v63  }
0xff: {  	s10 =	sadd.s32 $0x1, s10;
	_ =	swait.ge [sflag:s31], $0x3000  }
0x100: {  	p1 =	sne.s32 s10, s14;
	[sflag:s31] =	ssyncset.done $0x0  }
.Ltmp2:
0x101: {  	[sflag:s31] =	ssyncadd.s32 $0xFFFFD000;
	(pc) =	sbr.rel @p1 .LBB2_1-.Ltmp2, $4  }
0x102: {  	[hbm4b:s22+s3] =	stream.linear.scatter [tilespmem:s30], [sflag:$0x3], $0x3000, $0x38;
	[tilespmem:$0x1EE00] =	vst v63  }
0x103: {  	_ =	swait.ge [sflag:s24], $0x3000  }
0x104: {  	[sflag:s24] =	ssyncset.done $0x0  }
0x105: {  	[sflag:s24] =	ssyncadd.s32 $0xFFFFD000  }
0x106: {  	_ =	sfence.sel $0x180000  }
0x107: {  	[bflag:$0x0] =	sbarrier.arrive $0xFFFF  }
0x108: {  	_ =	strace $0x9000004D  }
0x109: {  	s0 =	stileid.u32;
	[bflag:$0x2] =	sbarrier.arrive $0xFFFF  }
0x10a: {  	p0 =	sne.s32 s0, $0x0;
	s0 =	rddreg [dreg:$0x2]  }
0x10b: {  	s0 =	sadd.s32 @!p0 $0x100000, s0  }
0x10c: {  	[sflag:s0] =	ssyncadd.tile.s32 @!p0 $0x1;
	_ =	shalt  }
.Lfunc_end2:
_tile_overlayer_lowered:
.L_overlay_start_2:
0x10d: {  	(tag) =	ssettag $0x2  }
0x10e: {  	s0 =	rddreg [dreg:$0x0];
	s2 =	stileid.u32  }
0x10f: {  	s1 =	rddreg [dreg:$0x1];
	p0 =	sne.s32 s2, $0x0  }
0x110: {  	s3 =	rddreg [dreg:$0x2];
	[bflag:$0x3] =	sbarrier.arrive $0xFFFF;
	s2 =	simm.s32 @!p0 $0x1C03  }
0x111: {  	[timem:s3], [sflag:s2] =	dma.local @!p0 [hbm:s0], s1  }
0x112: {  	s0 =	simm.s32 @!p0 $0x3  }
0x113: {  	_ =	swait.ge @!p0 [sflag:s0], s1  }
0x114: {  	s1 =	ssub.s32 @!p0 $0x0, s1;
	[sflag:s0] =	ssyncset.done @!p0 $0x0  }
0x115: {  	[sflag:s0] =	ssyncadd.s32 @!p0 s1  }
0x116: {  	[bflag:$0x3] =	sbarrier.arrive $0xFFFF  }
0x117: {  	_ =	shalt  }

// kernel: kernel.9.cloned.1.call-start
scs
__scs_entry_jumppad:
0x0: {  	(pc) =	sbr.rel $0x88, $3  }
0x1: {  	(tag) =	ssettag $0x0;
	lr =	simm.s32 $0x1  }
0x2: {  	[smem:$0x3F92] =	sst lr;
	_ =	strace $0xD0000000  }
0x3: {  	_ = 	snop  }
0x4: {  	_ = 	snop  }
0x5: {  	_ = 	snop  }
0x6: {  	_ = 	snop  }
0x7: {  	_ = 	snop  }
__scs_overlays_trampoline_lowered:
0x8: {  	[smem:$0x3FA1] =	sst s0  }
0x9: {  	[smem:$0x3FA2] =	sst s1  }
0xa: {  	[smem:$0x3FA3] =	sst s2  }
0xb: {  	[smem:$0x3FA4] =	sst s3  }
0xc: {  	[smem:$0x3FA5] =	sst s4  }
0xd: {  	[smem:$0x3FA6] =	sst s5  }
0xe: {  	[smem:$0x3FA7] =	sst s6  }
0xf: {  	[smem:$0x3FA8] =	sst s7  }
0x10: {  	[smem:$0x3FA9] =	sst s8  }
0x11: {  	[smem:$0x3FAA] =	sst s9;
	s0 =	simm.s32 @!p0 $0x0  }
0x12: {  	s1 =	sld [smem:$0x3F90];
	s0 =	simm.s32 @p0 $0x1  }
0x13: {  	[smem:$0x3FAB] =	sst s0;
	s0 =	simm.s32 @!p1 $0x0  }
0x14: {  	s2 =	sld [smem:$0x3F8F];
	s0 =	simm.s32 @p1 $0x1  }
0x15: {  	[smem:$0x3FAC] =	sst s0;
	s0 =	simm.s32 @!p2 $0x0  }
0x16: {  	s3 =	sld [smem:$0x3FDB];
	s0 =	simm.s32 @p2 $0x1  }
0x17: {  	s4 =	simm.s32 $0x1BF5;
	[smem:$0x3FAE] =	sst s0  }
0x18: {  	s0 =	sld [smem:$0x3F91];
	_ =	swait.ge [sflag:s4], $0x0  }
0x19: {  	s7 =	sld [smem:$0x3F92]  }
0x1a: {  	s8 =	sadd.s32 $0xFFFFE003, lr  }
0x1b: {  	s9 =	sadd.s32 $0xFFFFFEF7, lr;
	s5 =	simm.s32 $0xFFFFFFFF;
	p2 =	slt.u32 s8, $0xFFFFF086  }
0x1c: {  	p1 =	slt.u32 s9, $0xF7A;
	s5 =	simm.s32 @!p2 $0x0  }
0x1d: {  	s5 =	simm.s32 @p1 $0x1;
	p0 =	seq.s32 s7, s2  }
0x1e: {  	s7 =	smul.u32 @!p0 $0xF7A, s2;
	p2 =	seq.s32 @!p0 s5, $0x0  }
0x1f: {  	s9 =	smul.u32 $0xF7A, s1;
	s8 =	simm.s32 @!p0 $0x1BF5;
	p2 =	por !p2, p0  }
0x20: {  	[sflag:s8] =	ssyncset.s32 @!p0 $0xFFFFF086;
	s6 =	sadd.s32 @!p0 s3, s7;
	s7 =	simm.s32 @!p0 $0x108  }
0x21: {  	s3 =	sadd.s32 s3, s9;
	s6 =	sadd.s32 @!p0 $0x88, s6;
	s7 =	simm.s32 @p2 $0x1082  }
0x22: {  	[simem:s7], [sflag:s8] =	dma.local @!p0 [hbm:s6], $0xF7A  }
0x23: {  	s9 =	sor.u32 $0xD0000000, s2;
	s6 =	simm.s32 $0x108;
	_ =	swait.ge @!p0 [sflag:s8], $0x0  }
0x24: {  	s3 =	sadd.s32 $0x88, s3;
	s6 =	simm.s32 @!p1 $0x1082;
	[sflag:s4] =	ssyncset.s32 $0xFFFFF086  }
0x25: {  	[simem:s6], [sflag:s4] =	dma.local [hbm:s3], $0xF7A  }
0x26: {  	[smem:$0x3F92] =	sst s1;
	(tag) =	ssettag s2;
	_ =	strace s9  }
0x27: {  	s1 =	sld [smem:$0x3FA2]  }
0x28: {  	s2 =	sld [smem:$0x3FA3]  }
0x29: {  	s4 =	sld [smem:$0x3FA5]  }
0x2a: {  	p0 =	seq.s32 s5, $0x0;
	s5 =	sld [smem:$0x3FA6]  }
0x2b: {  	s6 =	sld [smem:$0x3FA7]  }
0x2c: {  	s7 =	sld [smem:$0x3FA8]  }
0x2d: {  	s3 =	simm.s32 $0x108;
	s8 =	sld [smem:$0x3FA9]  }
0x2e: {  	s3 =	simm.s32 @!p0 $0x1082;
	s9 =	sld [smem:$0x3FAA]  }
0x2f: {  	lr =	sadd.s32 s0, s3;
	s0 =	sld [smem:$0x3FA1]  }
0x30: {  	s3 =	sld [smem:$0x3FA4]  }
0x31: {  	[smem:$0x3FAD] =	sst s10  }
0x32: {  	s10 =	sld [smem:$0x3FAB];
	_ =	sdelay $0x3  }
0x33: {  	p0 =	seq.s32 s10, $0x1;
	s10 =	sld [smem:$0x3FAD];
	_ =	sdelay $0x3  }
0x34: {  	[smem:$0x3FAD] =	sst s10  }
0x35: {  	s10 =	sld [smem:$0x3FAC];
	_ =	sdelay $0x3  }
0x36: {  	p1 =	seq.s32 s10, $0x1;
	s10 =	sld [smem:$0x3FAD];
	_ =	sdelay $0x3  }
0x37: {  	[smem:$0x3FAD] =	sst s10  }
0x38: {  	s10 =	sld [smem:$0x3FAE]  }
0x39: {  	_ = 	snop;
	(pc) =	sbr.ind lr, $3  }
0x3a: {  	_ = 	snop  }
0x3b: {  	_ = 	snop  }
0x3c: {  	p2 =	seq.s32 s10, $0x1;
	s10 =	sld [smem:$0x3FAD]  }
0x3d: {  	_ =	shalt  }
0x3e: {  	_ =	shalt  }
0x3f: {  	_ =	shalt  }
0x40: {  	_ =	shalt  }
0x41: {  	_ =	shalt  }
0x42: {  	_ =	shalt  }
0x43: {  	_ =	shalt  }
0x44: {  	_ =	shalt  }
0x45: {  	_ =	shalt  }
0x46: {  	_ =	shalt  }
0x47: {  	_ =	shalt  }
0x48: {  	_ =	shalt  }
0x49: {  	_ =	shalt  }
0x4a: {  	_ =	shalt  }
0x4b: {  	_ =	shalt  }
0x4c: {  	_ =	shalt  }
0x4d: {  	_ =	shalt  }
0x4e: {  	_ =	shalt  }
0x4f: {  	_ =	shalt  }
0x50: {  	_ =	shalt  }
0x51: {  	_ =	shalt  }
0x52: {  	_ =	shalt  }
0x53: {  	_ =	shalt  }
0x54: {  	_ =	shalt  }
0x55: {  	_ =	shalt  }
0x56: {  	_ =	shalt  }
0x57: {  	_ =	shalt  }
0x58: {  	_ =	shalt  }
0x59: {  	_ =	shalt  }
0x5a: {  	_ =	shalt  }
0x5b: {  	_ =	shalt  }
0x5c: {  	_ =	shalt  }
0x5d: {  	_ =	shalt  }
0x5e: {  	_ =	shalt  }
0x5f: {  	_ =	shalt  }
0x60: {  	_ =	shalt  }
0x61: {  	_ =	shalt  }
0x62: {  	_ =	shalt  }
0x63: {  	_ =	shalt  }
0x64: {  	_ =	shalt  }
0x65: {  	_ =	shalt  }
0x66: {  	_ =	shalt  }
0x67: {  	_ =	shalt  }
0x68: {  	_ =	shalt  }
0x69: {  	_ =	shalt  }
0x6a: {  	_ =	shalt  }
0x6b: {  	_ =	shalt  }
0x6c: {  	_ =	shalt  }
0x6d: {  	_ =	shalt  }
0x6e: {  	_ =	shalt  }
0x6f: {  	_ =	shalt  }
0x70: {  	_ =	shalt  }
0x71: {  	_ =	shalt  }
0x72: {  	_ =	shalt  }
0x73: {  	_ =	shalt  }
0x74: {  	_ =	shalt  }
0x75: {  	_ =	shalt  }
0x76: {  	_ =	shalt  }
0x77: {  	_ =	shalt  }
0x78: {  	_ =	shalt  }
0x79: {  	_ =	shalt  }
0x7a: {  	_ =	shalt  }
0x7b: {  	_ =	shalt  }
0x7c: {  	_ =	shalt  }
0x7d: {  	_ =	shalt  }
0x7e: {  	_ =	shalt  }
0x7f: {  	_ =	shalt  }
0x80: {  	_ =	shalt  }
0x81: {  	_ =	shalt  }
0x82: {  	_ =	shalt  }
0x83: {  	_ =	shalt  }
0x84: {  	_ =	shalt  }
0x85: {  	_ =	shalt  }
0x86: {  	_ =	shalt  }
0x87: {  	_ =	shalt  }
.Lfunc_end0:
.L_simem_size_0:
called_computation_lowered:
.L_overlay_start_0:
0x88: {  	s2 =	sld [smem:$0x3FD9]  }
0x89: {  	s3 =	sld [smem:$0x3FFE];
	_ =	sdelay $0x1  }
0x8a: {  	s1 =	srdreg.scid  }
0x8b: {  	s0 =	sand.u32 $0x1, s1  }
0x8c: {  	s16 =	sshll.u32 s0, $0xA;
	s2 =	sadd.s32 s3, s2  }
0x8d: {  	s2 =	sadd.s32 s2, s16  }
0x8e: {  	[smem:$0x3FB9] =	sst s2  }
0x8f: {  	_ = 	snop  }
0x90: {  	(tm) =	ssettm $0x1  }
0x91: {  	s17 =	sld [smem:$0x3FFB];
	_ =	sdelay $0x3  }
0x92: {  	_ =	strace s17  }
0x93: {  	s2 =	sld [smem:$0x3FFC];
	_ =	sdelay $0x3  }
0x94: {  	_ =	strace s2  }
0x95: {  	s2 =	sld [smem:$0x3FFD];
	_ =	sdelay $0x3  }
0x96: {  	_ =	strace s2  }
0x97: {  	_ =	strace $0x8FFFFFFF  }
0x98: {  	s18 =	sld [smem:$0x3FDB];
	_ =	sdelay $0x1  }
0x99: {  	s19 =	simm.s32 $_scs_section_size  }
0x9a: {  	s4 =	simm.s32 $_size__tile_overlayer_lowered;
	s5 =	simm.s32 $_tile_overlayer_lowered  }
0x9b: {  	s22 =	simm.s32 $0x1BFF;
	s21 =	sshll.u32 s5, $0x1;
	s2 =	sadd.s32 s19, s18  }
0x9c: {  	s6 =	simm.s32 $0x0;
	s20 =	sshll.u32 s4, $0x1;
	s4 =	sadd.s32 s21, s2  }
0x9d: {  	[timem:s6], [sflag:s22] =	dma.local [hbm:s4], s20  }
0x9e: {  	_ =	swait.ge [sflag:s22], s20  }
0x9f: {  	s3 =	ssub.s32 $0x0, s20;
	[sflag:s22] =	ssyncset.done $0x0  }
0xa0: {  	[sflag:s22] =	ssyncadd.s32 s3;
	_ =	sdelay $0x1  }
0xa1: {  	s23 =	simm.s32 $0x1B8B  }
0xa2: {  	_ =	swait.ge [sflag:s23], $0x1  }
0xa3: {  	[sflag:s23] =	ssyncset.done $0x0  }
0xa4: {  	s25 =	simm.s32 $0x1B8E;
	s24 =	sld [smem:$0x3FFE];
	[sflag:s23] =	ssyncadd.s32 $0xFFFFFFFF  }
0xa5: {  	s26 =	simm.s32 $execute0_lowered;
	[smem:$0x3FD2] =	sst s25  }
0xa6: {  	s4 =	sshll.u32 s26, $0x1;
	_ =	strace $0x80000046;
	[dreg:$0x1] =	wrdreg $0xFFFFFFFF  }
0xa7: {  	s28 =	simm.s32 $_size_execute0_lowered;
	s2 =	sadd.s32 s2, s4;
	[dreg:$0x0] =	wrdreg $0x0  }
0xa8: {  	s4 =	sshll.u32 s28, $0x1;
	[dreg:$0x2] =	wrdreg s2  }
0xa9: {  	[dreg:$0x3] =	wrdreg s4  }
0xaa: {  	[dreg:$0x4] =	wrdreg $0xC0  }
0xab: {  	_ =	task [dreg:s6], $0x5FFFF  }
0xac: {  	[dreg:$0x1] =	wrdreg $0xFFFFFFFF  }
0xad: {  	[dreg:$0x0] =	wrdreg $0x60  }
0xae: {  	[dreg:$0x2] =	wrdreg s24  }
0xaf: {  	[dreg:$0x3] =	wrdreg $0x54000  }
0xb0: {  	[dreg:$0x4] =	wrdreg $0x9  }
0xb1: {  	_ =	task.clear_ibuf [dreg:s6], $0x5FFFF;
	_ =	strace $0x90000046  }
0xb2: {  	s29 =	simm.s32 $0x9;
	_ =	strace $0x80000048  }
0xb3: {  	_ =	swait.ge [sflag:s29], $0x1  }
0xb4: {  	[sflag:s29] =	ssyncadd.s32 $0xFFFFFFFF  }
0xb5: {  	_ =	strace $0x90000048  }
0xb6: {  	_ =	sfence  }
0xb7: {  	s30 =	sld [smem:$0x0];
	_ =	sdelay $0x2  }
0xb8: {  	s31 =	sshll.u32 s1, $0xD;
	s1 =	sshrl.u32 s1, $0x2  }
0xb9: {  	s3 =	sand.u32 $0x4000, s31;
	s1 =	sadd.s32 s1, s30  }
0xba: {  	s0 =	sor.u32 s3, s0;
	s1 =	sshll.u32 s1, $0x11  }
0xbb: {  	s0 =	sor.u32 s1, s0  }
0xbc: {  	s0 =	sadd.s32 $0x8F2B, s0  }
0xbd: {  	[sflag:s0] =	ssyncadd.remote.s32 $0x1  }
0xbe: {  	_ =	sfence.sel $0xFFFF  }
0xbf: {  	[dreg:$0x0] =	wrdreg $0xFFFFFFFF;
	(pc) =	sbr.abs _section_cstart, $3  }
0xc0: {  	[dreg:$0x1] =	wrdreg $0xFFFFFFFF  }
0xc1: {  	_ =	task.clear_ibuf [dreg:s6], $0x2FFFF;
	_ =	strace $0x9FFFFFFF  }
0xc2: {  	(tm) =	ssettm $0x7FFFFFFF  }
0xc3: {  	_ =	shalt  }
tec
execute0_lowered:
.L_overlay_start_1:
0x0: {  	(tag) =	ssettag $0x1  }
0x1: {  	s0 =	srdreg.scid;
	s6 =	rddreg [dreg:$0x0]  }
0x2: {  	s11 =	stileid.u32;
	s2 =	rddreg [dreg:$0x1]  }
0x3: {  	s3 =	simm.s32 $0x0;
	s12 =	simm.s32 $0x1400;
	s13 =	simm.s32 $0x80  }
0x4: {  	s17 =	simm.s32 $0xC00;
	s18 =	simm.s32 $0xC80;
	s19 =	simm.s32 $0xD00  }
0x5: {  	s20 =	simm.s32 $0xD80;
	s21 =	simm.s32 $0xE00;
	s22 =	simm.s32 $0xE80  }
0x6: {  	s23 =	simm.s32 $0xF00;
	s28 =	simm.s32 $0x1100;
	s29 =	simm.s32 $0x1180  }
0x7: {  	s30 =	simm.s32 $0x1200;
	s31 =	simm.s32 $0x1280;
	s14 =	simm.s32 $0x1  }
0x8: {  	s15 =	simm.s32 $0x0;
	s0 =	sand.u32 $0x1, s0;
	s7 =	smul.u32 $0x14000, s11  }
0x9: {  	[smem:$0x7FF] =	sst s3;
	s4 =	sadd.s32 $0x13600, s6;
	s8 =	smul.u32 $0x50000, s11  }
0xa: {  	s26 =	sshll.u32 s11, $0x6;
	s1 =	sshll.u32 s0, $0x4;
	s5 =	smul.u32 $0x140000, s0  }
0xb: {  	_ =	strace $0x80000047;
	s0 =	ssub.s32 $0x2, s0;
	s1 =	sor.u32 s11, s1  }
0xc: {  	s24 =	sshrl.u32 s0, $0x1;
	s25 =	sshrl.u32 s8, $0x2;
	s11 =	simm.s32 $0x2  }
0xd: {  	s1 =	smul.u32 $0x280, s1;
	s7 =	sadd.s32 s7, s5;
	s5 =	sadd.s32 $0x13E00, s6  }
0xe: {  	s0 =	ssub.s32 s0, s24;
	s10 =	sadd.s32 s25, s2;
	s24 =	simm.s32 $0xF80  }
0xf: {  	s25 =	simm.s32 $0x1000;
	s7 =	sshrl.u32 s7, $0x3;
	s10 =	sshrl.u32 s10, $0x3  }
0x10: {  	s1 =	sadd.s32 s1, s6;
	s9 =	sadd.s32 s7, s6;
	s6 =	sor.u32 $0x1C02, s26  }
0x11: {  	s26 =	simm.s32 $0x1080;
	s7 =	sadd.s32 $0x4600, s1;
	s8 =	sadd.s32 $0x16600, s9  }
0x12: {  	s9 =	smax.u32 s0, $0x1;
	s1 =	simm.s32 $0x1300;
	s0 =	simm.s32 $0x1380  }
.LBB2_1:
0x13: {  	[spmem:s10], [sflag:s6] =	dma.local [hbm:s5], $0x2800  }
0x14: {  	_ =	swait.ge [sflag:s11], $0x2800  }
0x15: {  	[sflag:s11] =	ssyncset.done $0x0  }
0x16: {  	[sflag:s11] =	ssyncadd.s32 $0xFFFFD800  }
0x17: {  	[tilespmem:s12], [sflag:$0x2] =	stream.linear.gather [hbm4b:s4+s3], $0x4000, $0x38;
	[tilespmem:$0x19400] =	vst v63  }
0x18: {  	_ =	swait.ge [sflag:s11], $0x4000  }
0x19: {  	[sflag:s11] =	ssyncset.done $0x0  }
0x1a: {  	[sflag:s11] =	ssyncadd.s32 $0xFFFFC000  }
0x1b: {  	[tilespmem:s3], [sflag:$0x2] =	stream.linear.gather [hbm4b:s7+s3], $0x1400, $0x38;
	[tilespmem:$0x19400] =	vst v63  }
0x1c: {  	_ =	swait.ge [sflag:s11], $0x1400  }
0x1d: {  	[sflag:s11] =	ssyncset.done $0x0  }
0x1e: {  	[sflag:s11] =	ssyncadd.s32 $0xFFFFEC00  }
0x1f: {  	[bflag:$0x0] =	sbarrier.arrive $0xFFFF  }
0x20: {  	[spmem:s2] =	stream.indirect.scatter.add.f32 [tilespmem:s12], [sflag:$0x1], $0x80, s3, s13, $0xb8;
	[tilespmem:$0x19400] =	vst v63  }
0x21: {  	_ = 	snop  }
0x22: {  	[spmem:s2] =	stream.indirect.scatter.add.f32 [tilespmem:s12], [sflag:$0x1], $0x80, s13, s13, $0xb8;
	[tilespmem:$0x19400] =	vst v63  }
0x23: {  	s16 =	simm.s32 $0x100  }
0x24: {  	[spmem:s2] =	stream.indirect.scatter.add.f32 [tilespmem:s12], [sflag:$0x1], $0x80, s16, s13, $0xb8;
	[tilespmem:$0x19400] =	vst v63  }
0x25: {  	s16 =	simm.s32 $0x180  }
0x26: {  	[spmem:s2] =	stream.indirect.scatter.add.f32 [tilespmem:s12], [sflag:$0x1], $0x80, s16, s13, $0xb8;
	[tilespmem:$0x19400] =	vst v63  }
0x27: {  	s16 =	simm.s32 $0x200  }
0x28: {  	[spmem:s2] =	stream.indirect.scatter.add.f32 [tilespmem:s12], [sflag:$0x1], $0x80, s16, s13, $0xb8;
	[tilespmem:$0x19400] =	vst v63  }
0x29: {  	s16 =	simm.s32 $0x280  }
0x2a: {  	[spmem:s2] =	stream.indirect.scatter.add.f32 [tilespmem:s12], [sflag:$0x1], $0x80, s16, s13, $0xb8;
	[tilespmem:$0x19400] =	vst v63  }
0x2b: {  	s16 =	simm.s32 $0x300  }
0x2c: {  	[spmem:s2] =	stream.indirect.scatter.add.f32 [tilespmem:s12], [sflag:$0x1], $0x80, s16, s13, $0xb8;
	[tilespmem:$0x19400] =	vst v63  }
0x2d: {  	s16 =	simm.s32 $0x380  }
0x2e: {  	[spmem:s2] =	stream.indirect.scatter.add.f32 [tilespmem:s12], [sflag:$0x1], $0x80, s16, s13, $0xb8;
	[tilespmem:$0x19400] =	vst v63  }
0x2f: {  	s16 =	simm.s32 $0x400  }
0x30: {  	[spmem:s2] =	stream.indirect.scatter.add.f32 [tilespmem:s12], [sflag:$0x1], $0x80, s16, s13, $0xb8;
	[tilespmem:$0x19400] =	vst v63  }
0x31: {  	s16 =	simm.s32 $0x480  }
0x32: {  	[spmem:s2] =	stream.indirect.scatter.add.f32 [tilespmem:s12], [sflag:$0x1], $0x80, s16, s13, $0xb8;
	[tilespmem:$0x19400] =	vst v63  }
0x33: {  	s16 =	simm.s32 $0x500  }
0x34: {  	[spmem:s2] =	stream.indirect.scatter.add.f32 [tilespmem:s12], [sflag:$0x1], $0x80, s16, s13, $0xb8;
	[tilespmem:$0x19400] =	vst v63  }
0x35: {  	s16 =	simm.s32 $0x580  }
0x36: {  	[spmem:s2] =	stream.indirect.scatter.add.f32 [tilespmem:s12], [sflag:$0x1], $0x80, s16, s13, $0xb8;
	[tilespmem:$0x19400] =	vst v63  }
0x37: {  	s16 =	simm.s32 $0x600  }
0x38: {  	[spmem:s2] =	stream.indirect.scatter.add.f32 [tilespmem:s12], [sflag:$0x1], $0x80, s16, s13, $0xb8;
	[tilespmem:$0x19400] =	vst v63  }
0x39: {  	s16 =	simm.s32 $0x680  }
0x3a: {  	[spmem:s2] =	stream.indirect.scatter.add.f32 [tilespmem:s12], [sflag:$0x1], $0x80, s16, s13, $0xb8;
	[tilespmem:$0x19400] =	vst v63  }
0x3b: {  	s16 =	simm.s32 $0x700  }
0x3c: {  	[spmem:s2] =	stream.indirect.scatter.add.f32 [tilespmem:s12], [sflag:$0x1], $0x80, s16, s13, $0xb8;
	[tilespmem:$0x19400] =	vst v63  }
0x3d: {  	s16 =	simm.s32 $0x780  }
0x3e: {  	[spmem:s2] =	stream.indirect.scatter.add.f32 [tilespmem:s12], [sflag:$0x1], $0x80, s16, s13, $0xb8;
	[tilespmem:$0x19400] =	vst v63  }
0x3f: {  	s16 =	simm.s32 $0x800  }
0x40: {  	[spmem:s2] =	stream.indirect.scatter.add.f32 [tilespmem:s12], [sflag:$0x1], $0x80, s16, s13, $0xb8;
	[tilespmem:$0x19400] =	vst v63  }
0x41: {  	s16 =	simm.s32 $0x880  }
0x42: {  	[spmem:s2] =	stream.indirect.scatter.add.f32 [tilespmem:s12], [sflag:$0x1], $0x80, s16, s13, $0xb8;
	[tilespmem:$0x19400] =	vst v63  }
0x43: {  	s16 =	simm.s32 $0x900  }
0x44: {  	[spmem:s2] =	stream.indirect.scatter.add.f32 [tilespmem:s12], [sflag:$0x1], $0x80, s16, s13, $0xb8;
	[tilespmem:$0x19400] =	vst v63  }
0x45: {  	s16 =	simm.s32 $0x980  }
0x46: {  	[spmem:s2] =	stream.indirect.scatter.add.f32 [tilespmem:s12], [sflag:$0x1], $0x80, s16, s13, $0xb8;
	[tilespmem:$0x19400] =	vst v63  }
0x47: {  	s16 =	simm.s32 $0xA00  }
0x48: {  	[spmem:s2] =	stream.indirect.scatter.add.f32 [tilespmem:s12], [sflag:$0x1], $0x80, s16, s13, $0xb8;
	[tilespmem:$0x19400] =	vst v63  }
0x49: {  	s16 =	simm.s32 $0xA80  }
0x4a: {  	[spmem:s2] =	stream.indirect.scatter.add.f32 [tilespmem:s12], [sflag:$0x1], $0x80, s16, s13, $0xb8;
	[tilespmem:$0x19400] =	vst v63  }
0x4b: {  	s16 =	simm.s32 $0xB00  }
0x4c: {  	[spmem:s2] =	stream.indirect.scatter.add.f32 [tilespmem:s12], [sflag:$0x1], $0x80, s16, s13, $0xb8;
	[tilespmem:$0x19400] =	vst v63  }
0x4d: {  	s16 =	simm.s32 $0xB80  }
0x4e: {  	[spmem:s2] =	stream.indirect.scatter.add.f32 [tilespmem:s12], [sflag:$0x1], $0x80, s16, s13, $0xb8;
	[tilespmem:$0x19400] =	vst v63  }
0x4f: {  	_ = 	snop  }
0x50: {  	[spmem:s2] =	stream.indirect.scatter.add.f32 [tilespmem:s12], [sflag:$0x1], $0x80, s17, s13, $0xb8;
	[tilespmem:$0x19400] =	vst v63  }
0x51: {  	_ = 	snop  }
0x52: {  	[spmem:s2] =	stream.indirect.scatter.add.f32 [tilespmem:s12], [sflag:$0x1], $0x80, s18, s13, $0xb8;
	[tilespmem:$0x19400] =	vst v63  }
0x53: {  	_ = 	snop  }
0x54: {  	[spmem:s2] =	stream.indirect.scatter.add.f32 [tilespmem:s12], [sflag:$0x1], $0x80, s19, s13, $0xb8;
	[tilespmem:$0x19400] =	vst v63  }
0x55: {  	_ = 	snop  }
0x56: {  	[spmem:s2] =	stream.indirect.scatter.add.f32 [tilespmem:s12], [sflag:$0x1], $0x80, s20, s13, $0xb8;
	[tilespmem:$0x19400] =	vst v63  }
0x57: {  	_ = 	snop  }
0x58: {  	[spmem:s2] =	stream.indirect.scatter.add.f32 [tilespmem:s12], [sflag:$0x1], $0x80, s21, s13, $0xb8;
	[tilespmem:$0x19400] =	vst v63  }
0x59: {  	_ = 	snop  }
0x5a: {  	[spmem:s2] =	stream.indirect.scatter.add.f32 [tilespmem:s12], [sflag:$0x1], $0x80, s22, s13, $0xb8;
	[tilespmem:$0x19400] =	vst v63  }
0x5b: {  	_ = 	snop  }
0x5c: {  	[spmem:s2] =	stream.indirect.scatter.add.f32 [tilespmem:s12], [sflag:$0x1], $0x80, s23, s13, $0xb8;
	[tilespmem:$0x19400] =	vst v63  }
0x5d: {  	_ = 	snop  }
0x5e: {  	[spmem:s2] =	stream.indirect.scatter.add.f32 [tilespmem:s12], [sflag:$0x1], $0x80, s24, s13, $0xb8;
	[tilespmem:$0x19400] =	vst v63  }
0x5f: {  	_ = 	snop  }
0x60: {  	[spmem:s2] =	stream.indirect.scatter.add.f32 [tilespmem:s12], [sflag:$0x1], $0x80, s25, s13, $0xb8;
	[tilespmem:$0x19400] =	vst v63  }
0x61: {  	_ = 	snop  }
0x62: {  	[spmem:s2] =	stream.indirect.scatter.add.f32 [tilespmem:s12], [sflag:$0x1], $0x80, s26, s13, $0xb8;
	[tilespmem:$0x19400] =	vst v63  }
0x63: {  	_ = 	snop  }
0x64: {  	[spmem:s2] =	stream.indirect.scatter.add.f32 [tilespmem:s12], [sflag:$0x1], $0x80, s28, s13, $0xb8;
	[tilespmem:$0x19400] =	vst v63  }
0x65: {  	_ = 	snop  }
0x66: {  	[spmem:s2] =	stream.indirect.scatter.add.f32 [tilespmem:s12], [sflag:$0x1], $0x80, s29, s13, $0xb8;
	[tilespmem:$0x19400] =	vst v63  }
0x67: {  	_ = 	snop  }
0x68: {  	[spmem:s2] =	stream.indirect.scatter.add.f32 [tilespmem:s12], [sflag:$0x1], $0x80, s30, s13, $0xb8;
	[tilespmem:$0x19400] =	vst v63  }
0x69: {  	_ = 	snop  }
0x6a: {  	[spmem:s2] =	stream.indirect.scatter.add.f32 [tilespmem:s12], [sflag:$0x1], $0x80, s31, s13, $0xb8;
	[tilespmem:$0x19400] =	vst v63  }
0x6b: {  	_ = 	snop  }
0x6c: {  	[spmem:s2] =	stream.indirect.scatter.add.f32 [tilespmem:s12], [sflag:$0x1], $0x80, s1, s13, $0xb8;
	[tilespmem:$0x19400] =	vst v63  }
0x6d: {  	_ = 	snop  }
0x6e: {  	[spmem:s2] =	stream.indirect.scatter.add.f32 [tilespmem:s12], [sflag:$0x1], $0x80, s0, s13, $0xb8;
	[tilespmem:$0x19400] =	vst v63  }
0x6f: {  	_ =	swait.ge [sflag:s14], $0x4000  }
0x70: {  	s16 =	simm.s32 $0x27;
	[sflag:s14] =	ssyncset.done $0x0  }
.LBB2_2:
0x71: {  	p0 =	sne.s32 s16, $0x1;
	s16 =	sadd.s32 $0xFFFFFFFF, s16;
	[sflag:s14] =	ssyncadd.s32 $0xFFFFC000  }
.Ltmp0:
0x72: {  	(pc) =	sbr.rel @p0 .LBB2_2-.Ltmp0, $3  }
0x73: {  	_ =	sdelay $0x1  }
0x74: {  	_ =	swait.ge [sflag:s14], $0x4000  }
0x75: {  	[sflag:s14] =	ssyncset.done $0x0  }
0x76: {  	s15 =	sadd.s32 $0x1, s15  }
0x77: {  	[sflag:s14] =	ssyncadd.s32 $0xFFFFC000;
	p0 =	sne.s32 s15, s9  }
.Ltmp1:
0x78: {  	[bflag:$0x0] =	sbarrier.arrive $0xFFFF;
	(pc) =	sbr.rel @p0 .LBB2_1-.Ltmp1, $4  }
0x79: {  	[hbm:s8], [sflag:s6] =	dma.local [spmem:s10], $0x2800  }
0x7a: {  	_ =	swait.ge [sflag:s11], $0x2800  }
0x7b: {  	[sflag:s11] =	ssyncset.done $0x0  }
0x7c: {  	[sflag:s11] =	ssyncadd.s32 $0xFFFFD800  }
0x7d: {  	_ =	sfence.sel $0x180000  }
0x7e: {  	[bflag:$0x0] =	sbarrier.arrive $0xFFFF  }
0x7f: {  	_ =	strace $0x90000047  }
0x80: {  	s0 =	stileid.u32;
	[bflag:$0x2] =	sbarrier.arrive $0xFFFF  }
0x81: {  	p0 =	sne.s32 s0, $0x0;
	s0 =	rddreg [dreg:$0x2]  }
0x82: {  	s0 =	sadd.s32 @!p0 $0x100000, s0  }
0x83: {  	[sflag:s0] =	ssyncadd.tile.s32 @!p0 $0x1;
	_ =	shalt  }
.Lfunc_end2:
_tile_overlayer_lowered:
.L_overlay_start_2:
0x84: {  	(tag) =	ssettag $0x2  }
0x85: {  	s0 =	rddreg [dreg:$0x0];
	s2 =	stileid.u32  }
0x86: {  	s1 =	rddreg [dreg:$0x1];
	p0 =	sne.s32 s2, $0x0  }
0x87: {  	s3 =	rddreg [dreg:$0x2];
	[bflag:$0x3] =	sbarrier.arrive $0xFFFF;
	s2 =	simm.s32 @!p0 $0x1C02  }
0x88: {  	[timem:s3], [sflag:s2] =	dma.local @!p0 [hbm:s0], s1  }
0x89: {  	s0 =	simm.s32 @!p0 $0x2  }
0x8a: {  	_ =	swait.ge @!p0 [sflag:s0], s1  }
0x8b: {  	s1 =	ssub.s32 @!p0 $0x0, s1;
	[sflag:s0] =	ssyncset.done @!p0 $0x0  }
0x8c: {  	[sflag:s0] =	ssyncadd.s32 @!p0 s1  }
0x8d: {  	[bflag:$0x3] =	sbarrier.arrive $0xFFFF  }
0x8e: {  	_ =	shalt  }

</sc_bundles>
